<compile_context>
chip_gen: v7x
topology: tpu7x:2x2x1
jax: 0.10.2.dev20260603
libtpu: 0.0.44.dev20260713+nightly
codegen_flags: <defaults>
</compile_context>

<pallas_src>
import functools

import jax
import jax.numpy as jnp
from jax import lax
from jax.experimental import pallas as pl
from jax.experimental.pallas import tpu as pltpu
from jax.experimental.pallas import tpu_sc as plsc

VOCAB = 1000000
EMB = 16
BATCH = 16384

_NC = 2
_NS = 16
_NW = _NC * _NS
_B_PER_W = BATCH // _NW
_NJ = 7813
_GROWS = _NJ * 16 + 16
_GWORDS = _GROWS * 128

_mesh = plsc.VectorSubcoreMesh(core_axis_name="c", subcore_axis_name="s")


@functools.partial(
    pl.kernel,
    mesh=_mesh,
    out_type=jax.ShapeDtypeStruct((_GWORDS,), jnp.float32),
    scratch_types=[
        pltpu.VMEM((EMB, 128), jnp.float32),
        pltpu.VMEM((EMB, 128), jnp.float32),
        pltpu.VMEM((EMB, 128), jnp.float32),
        pltpu.VMEM((EMB, 128), jnp.float32),
        pltpu.VMEM((2048,), jnp.float32),
        pltpu.VMEM((2048,), jnp.float32),
        pltpu.VMEM((2048,), jnp.float32),
        pltpu.VMEM((2048,), jnp.float32),
        pltpu.SemaphoreType.DMA,
        pltpu.SemaphoreType.DMA,
        pltpu.SemaphoreType.DMA,
        pltpu.SemaphoreType.DMA,
        pltpu.SemaphoreType.DMA,
        pltpu.SemaphoreType.DMA,
        pltpu.SemaphoreType.DMA,
        pltpu.SemaphoreType.DMA,
    ],
    compiler_params=pltpu.CompilerParams(needs_layout_passes=False),
)
def _repack(tT_hbm, g_hbm, in0, in1, in2, in3, out0, out1, out2, out3,
            sI0, sI1, sI2, sI3, sW0, sW1, sW2, sW3):
    wid = lax.axis_index("s") * _NC + lax.axis_index("c")
    iota16 = lax.iota(jnp.int32, 16)
    ins = [in0, in1, in2, in3]
    outs = [out0, out1, out2, out3]
    sIs = [sI0, sI1, sI2, sI3]
    sWs = [sW0, sW1, sW2, sW3]

    def jof(t):
        return wid + _NW * t

    def fetch(t, blk, sem):
        pltpu.async_copy(tT_hbm.at[:, pl.ds(jof(t) * 128, 128)], blk, sem)

    def wait_in(blk, sem):
        pltpu.make_async_copy(tT_hbm.at[:, pl.ds(0, 128)], blk, sem).wait()

    def wait_out(blk, sem):
        pltpu.make_async_copy(blk, g_hbm.at[pl.ds(0, 2048)], sem).wait()

    def shuffle(src, dst):
        @plsc.parallel_loop(0, 8, 1, unroll=4)
        def _(b):
            ab = (b * 16 + iota16) * 16
            for d in range(16):
                vals = src[d, pl.ds(b * 16, 16)]
                plsc.store_scatter(dst, [ab + d], vals)

    def store(t, blk, sem):
        pltpu.async_copy(blk, g_hbm.at[pl.ds(jof(t) * 2048, 2048)], sem)

    for s in range(4):
        pltpu.async_copy(outs[s], g_hbm.at[pl.ds(_NJ * 2048, 2048)], sWs[s])
    for t in range(3):
        fetch(t, ins[t], sIs[t])

    def step(t, s):
        @pl.when(jof(t + 3) < _NJ)
        def _():
            fetch(t + 3, ins[(s + 3) % 4], sIs[(s + 3) % 4])

        wait_in(ins[s], sIs[s])
        wait_out(outs[s], sWs[s])
        shuffle(ins[s], outs[s])
        store(t, outs[s], sWs[s])

    def body(i, carry):
        for s in range(4):
            step(4 * i + s, s)
        return carry

    lax.fori_loop(0, 61, body, 0)

    @pl.when(jof(244) < _NJ)
    def _():
        wait_in(in0, sI0)
        wait_out(out0, sW0)
        shuffle(in0, out0)
        store(244, out0, sW0)

    for s in range(4):
        wait_out(outs[s], sWs[s])


@functools.partial(
    pl.kernel,
    mesh=_mesh,
    out_type=jax.ShapeDtypeStruct((EMB, BATCH), jnp.float32),
    scratch_types=[
        pltpu.VMEM((_B_PER_W,), jnp.int32),
        pltpu.VMEM((_B_PER_W,), jnp.int32),
        pltpu.VMEM((_B_PER_W, 128), jnp.float32),
        pltpu.VMEM((EMB, _B_PER_W), jnp.float32),
        pltpu.SemaphoreType.DMA,
    ],
    compiler_params=pltpu.CompilerParams(needs_layout_passes=False),
)
def _gather(idx_hbm, g_hbm, outT_hbm, idx_v, pv, rows_v, out_v, sem):
    wid = lax.axis_index("s") * _NC + lax.axis_index("c")
    base = wid * _B_PER_W
    iota16 = lax.iota(jnp.int32, 16)

    pltpu.sync_copy(idx_hbm.at[pl.ds(base, _B_PER_W)], idx_v)

    def prep(g, carry):
        rv = idx_v[pl.ds(g * 16, 16)]
        pv[pl.ds(g * 16, 16)] = lax.shift_right_logical(rv, 3)
        return carry

    lax.fori_loop(0, _B_PER_W // 16, prep, 0)

    pltpu.async_copy(g_hbm.at[pv], rows_v, sem).wait()

    @plsc.parallel_loop(0, _B_PER_W // 16, 1, unroll=2)
    def _(g):
        rv = idx_v[pl.ds(g * 16, 16)]
        lanev = (rv & 7) * 16
        for j in range(16):
            k = g * 16 + j
            kv = jnp.full((16,), k, jnp.int32)
            vals = plsc.load_gather(rows_v, [kv, lanev[j] + iota16])
            plsc.store_scatter(out_v, [iota16, kv], vals)

    pltpu.sync_copy(out_v, outT_hbm.at[:, pl.ds(base, _B_PER_W)])


def kernel(indices, table):
    g = _repack(table.T)
    outT = _gather(indices.astype(jnp.int32), g.reshape(_GROWS, 128))
    return outT.T

# --- scband reference (transcript-rebuilt; emitter-appended) ---
"""Pipeline reference for scband-embedding-24446953849271 (READ-ONLY COPY).

The authoritative reference and input builder live on the scoring server;
editing this copy changes nothing except your own understanding.
"""

import jax, jax.numpy as jnp
import numpy as np

VOCAB = 1000000
EMB = 16
BATCH = 16384

def setup_inputs(seed: int = 0) -> dict:
    key = jax.random.key(seed)
    k_idx, k_tab = jax.random.split(key)
    indices = jax.random.randint(k_idx, (BATCH,), 0, VOCAB, dtype=jnp.int64 if jax.config.jax_enable_x64 else jnp.int32)
    table = jax.random.normal(k_tab, (VOCAB, EMB), dtype=jnp.float32)
    return {"indices": indices, "table": table}

def reference(indices, table):
    # Embedding lookup: each symbol index maps to a row of the embedding table.
    # Equivalent to Embedding.forwards(syms) -> stacked per-symbol embeddings.
    return jnp.take(table, indices, axis=0)

if __name__ == "__main__":
    import jax
    _d = setup_inputs()
    print(jax.jit(kernel)(*tuple(_d.values())))

</pallas_src>

<mosaic_0001>
#map = affine_map<(d0, d1) -> (0)>
#map1 = affine_map<(d0, d1) -> (0, 0)>
module attributes {stable_mosaic.version = 14 : i64} {
  func.func @_gather(%arg0: i32, %arg1: i32, %arg2: memref<16384xi32, #tpu.memory_space<hbm>>, %arg3: memref<125024x128xf32, #tpu.memory_space<hbm>>, %arg4: memref<16x16384xf32, #tpu.memory_space<hbm>>, %arg5: memref<512xi32, #tpu.memory_space<vmem>>, %arg6: memref<512xi32, #tpu.memory_space<vmem>>, %arg7: memref<512x128xf32, #tpu.memory_space<vmem>>, %arg8: memref<16x512xf32, #tpu.memory_space<vmem>>, %arg9: memref<!tpu.dma_semaphore, #tpu.memory_space<semaphore_mem>>) attributes {dimension_semantics = [#tpu.dimension_semantics<core_parallel>, #tpu.dimension_semantics<subcore_parallel>], iteration_bounds = array<i64: 2, 16>, scalar_prefetch = 0 : i64, scratch_operands = 5 : i64, tpu.core_type = #tpu.core_type<sc_vector_subcore>, window_params = [{transform_indices = #map}, {transform_indices = #map1}, {transform_indices = #map1}]} {
    %mul3A = arith.constant 2 : i32
    %mul3A_0 = arith.muli %arg1, %mul3A : i32
    %add3A = arith.addi %mul3A_0, %arg0 : i32
    %mul3A_1 = arith.constant 512 : i32
    %mul3A_2 = arith.muli %add3A, %mul3A_1 : i32
    %iota3A = tpu.iota {dimensions = array<i32: 0>} : vector<16xi32>
    "tpu.region"() ({
      %run_scoped3A = tpu.sem_alloc : memref<!tpu.dma_semaphore, #tpu.memory_space<semaphore_mem>>
      %dma_start3A_14 = tpu.memref_slice %arg2[%mul3A_2] : memref<16384xi32, #tpu.memory_space<hbm>> -> memref<512xi32, #tpu.memory_space<hbm>>
      %dma_start3A_15 = tpu.memref_slice %arg2[%mul3A_2] : memref<16384xi32, #tpu.memory_space<hbm>> -> memref<512xi32, #tpu.memory_space<hbm>>
      tpu.enqueue_dma source(%dma_start3A_15 : memref<512xi32, #tpu.memory_space<hbm>>) target(%arg5 : memref<512xi32, #tpu.memory_space<vmem>>) target_semaphore(%run_scoped3A : memref<!tpu.dma_semaphore, #tpu.memory_space<semaphore_mem>>)
      %dma_wait3A_16 = tpu.memref_slice %arg2[%mul3A_2] : memref<16384xi32, #tpu.memory_space<hbm>> -> memref<512xi32, #tpu.memory_space<hbm>>
      %dma_wait3A_17 = tpu.memref_slice %arg2[%mul3A_2] : memref<16384xi32, #tpu.memory_space<hbm>> -> memref<512xi32, #tpu.memory_space<hbm>>
      tpu.wait_dma2 semaphore(%run_scoped3A : memref<!tpu.dma_semaphore, #tpu.memory_space<semaphore_mem>>) src(%dma_wait3A_17 : memref<512xi32, #tpu.memory_space<hbm>>) dst(%arg5 : memref<512xi32, #tpu.memory_space<vmem>>)
      tpu.yield
    }) : () -> ()
    %scan3A = arith.constant 0 : i32
    %scan3A_3 = arith.constant 0 : i32
    %scan3A_4 = arith.constant 32 : i32
    %scan3A_5 = arith.addi %scan3A_3, %scan3A_4 : i32
    %scan3A_6 = arith.constant 1 : i32
    scf.for %scan3A_14 = %scan3A_3 to %scan3A_5 step %scan3A_6  : i32 {
      %mul3A_15 = arith.constant 16 : i32
      %mul3A_16 = arith.muli %scan3A_14, %mul3A_15 : i32
      %get3A = arith.index_cast %mul3A_16 : i32 to index
      %get3A_17 = tpu.vector_load %arg5[%get3A] {strides = array<i32>} : memref<512xi32, #tpu.memory_space<vmem>>, vector<16xi32>,
      %shift_right_logical3A = arith.constant 3 : i32
      %shift_right_logical3A_18 = vector.broadcast %shift_right_logical3A : i32 to vector<16xi32>
      %shift_right_logical3A_19 = arith.shrui %get3A_17, %shift_right_logical3A_18 : vector<16xi32>
      %mul3A_20 = arith.constant 16 : i32
      %mul3A_21 = arith.muli %scan3A_14, %mul3A_20 : i32
      %swap3A = arith.index_cast %mul3A_21 : i32 to index
      %swap3A_22 = tpu.vector_load %arg6[%swap3A] {strides = array<i32>} : memref<512xi32, #tpu.memory_space<vmem>>, vector<16xi32>,
      tpu.vector_store %arg6[%swap3A], %shift_right_logical3A_19 {strides = array<i32>} : memref<512xi32, #tpu.memory_space<vmem>>, vector<16xi32>,
    }
    %scan3A_7 = arith.constant 32 : i32
    %dma_start3A = arith.constant 0 : i32
    %dma_start3A_8 = arith.constant 0 : i32
    %dma_start3A_9 = tpu.memref_slice %arg3[%dma_start3A, %dma_start3A_8] : memref<125024x128xf32, #tpu.memory_space<hbm>> -> memref<125024x128xf32, #tpu.memory_space<hbm>>
    tpu.enqueue_indirect_dma source(%dma_start3A_9 : memref<125024x128xf32, #tpu.memory_space<hbm>>) target(%arg7 : memref<512x128xf32, #tpu.memory_space<vmem>>) offsets(%arg6 : memref<512xi32, #tpu.memory_space<vmem>>) semaphore(%arg9 : memref<!tpu.dma_semaphore, #tpu.memory_space<semaphore_mem>>)
    %dma_wait3A = arith.constant 0 : i32
    %dma_wait3A_10 = arith.constant 0 : i32
    %dma_wait3A_11 = tpu.memref_slice %arg3[%dma_wait3A, %dma_wait3A_10] : memref<125024x128xf32, #tpu.memory_space<hbm>> -> memref<125024x128xf32, #tpu.memory_space<hbm>>
    tpu.wait_indirect_dma semaphore(%arg9 : memref<!tpu.dma_semaphore, #tpu.memory_space<semaphore_mem>>) src(%dma_wait3A_11 : memref<125024x128xf32, #tpu.memory_space<hbm>>) dst(%arg7 : memref<512x128xf32, #tpu.memory_space<vmem>>)
    %parallel_loop3A = arith.constant 0 : i32
    %parallel_loop3A_12 = arith.constant 32 : i32
    %parallel_loop3A_13 = arith.constant 1 : i32
    scf.for %parallel_loop3A_14 = %parallel_loop3A to %parallel_loop3A_12 step %parallel_loop3A_13  : i32 {
      %parallel_loop3A_15 = arith.constant 16 : i32
      %parallel_loop3A_16 = arith.muli %parallel_loop3A_14, %parallel_loop3A_15 : i32
      %parallel_loop3A_17 = arith.index_cast %parallel_loop3A_16 : i32 to index
      %parallel_loop3A_18 = tpu.vector_load %arg5[%parallel_loop3A_17] {strides = array<i32>} : memref<512xi32, #tpu.memory_space<vmem>>, vector<16xi32>,
      %parallel_loop3A_19 = arith.constant 7 : i32
      %parallel_loop3A_20 = vector.broadcast %parallel_loop3A_19 : i32 to vector<16xi32>
      %parallel_loop3A_21 = arith.andi %parallel_loop3A_18, %parallel_loop3A_20 : vector<16xi32>
      %parallel_loop3A_22 = arith.constant 16 : i32
      %parallel_loop3A_23 = vector.broadcast %parallel_loop3A_22 : i32 to vector<16xi32>
      %parallel_loop3A_24 = arith.muli %parallel_loop3A_21, %parallel_loop3A_23 : vector<16xi32>
      %parallel_loop3A_25 = arith.constant 16 : i32
      %parallel_loop3A_26 = arith.muli %parallel_loop3A_14, %parallel_loop3A_25 : i32
      %parallel_loop3A_27 = arith.constant 0 : i32
      %parallel_loop3A_28 = arith.addi %parallel_loop3A_26, %parallel_loop3A_27 : i32
      %parallel_loop3A_29 = vector.broadcast %parallel_loop3A_28 : i32 to vector<16xi32>
      %parallel_loop3A_30 = vector.extract_strided_slice %parallel_loop3A_24 {offsets = [0], sizes = [1], strides = [1]} : vector<16xi32> to vector<1xi32>
      %parallel_loop3A_31 = vector.extract %parallel_loop3A_30[0] : i32 from vector<1xi32>
      %parallel_loop3A_32 = vector.broadcast %parallel_loop3A_31 : i32 to vector<16xi32>
      %parallel_loop3A_33 = arith.addi %parallel_loop3A_32, %iota3A : vector<16xi32>
      %parallel_loop3A_34 = tpu.vector_load_idx %arg7[%parallel_loop3A_29, %parallel_loop3A_33] : memref<512x128xf32, #tpu.memory_space<vmem>>[vector<16xi32>, vector<16xi32>], vector<16xf32>,
      tpu.vector_store_idx %arg8[%iota3A, %parallel_loop3A_29], %parallel_loop3A_34 : memref<16x512xf32, #tpu.memory_space<vmem>>[vector<16xi32>, vector<16xi32>], vector<16xf32>,
      %parallel_loop3A_35 = arith.constant 16 : i32
      %parallel_loop3A_36 = arith.muli %parallel_loop3A_14, %parallel_loop3A_35 : i32
      %parallel_loop3A_37 = arith.constant 1 : i32
      %parallel_loop3A_38 = arith.addi %parallel_loop3A_36, %parallel_loop3A_37 : i32
      %parallel_loop3A_39 = vector.broadcast %parallel_loop3A_38 : i32 to vector<16xi32>
      %parallel_loop3A_40 = vector.extract_strided_slice %parallel_loop3A_24 {offsets = [1], sizes = [1], strides = [1]} : vector<16xi32> to vector<1xi32>
      %parallel_loop3A_41 = vector.extract %parallel_loop3A_40[0] : i32 from vector<1xi32>
      %parallel_loop3A_42 = vector.broadcast %parallel_loop3A_41 : i32 to vector<16xi32>
      %parallel_loop3A_43 = arith.addi %parallel_loop3A_42, %iota3A : vector<16xi32>
      %parallel_loop3A_44 = tpu.vector_load_idx %arg7[%parallel_loop3A_39, %parallel_loop3A_43] : memref<512x128xf32, #tpu.memory_space<vmem>>[vector<16xi32>, vector<16xi32>], vector<16xf32>,
      tpu.vector_store_idx %arg8[%iota3A, %parallel_loop3A_39], %parallel_loop3A_44 : memref<16x512xf32, #tpu.memory_space<vmem>>[vector<16xi32>, vector<16xi32>], vector<16xf32>,
      %parallel_loop3A_45 = arith.constant 16 : i32
      %parallel_loop3A_46 = arith.muli %parallel_loop3A_14, %parallel_loop3A_45 : i32
      %parallel_loop3A_47 = arith.constant 2 : i32
      %parallel_loop3A_48 = arith.addi %parallel_loop3A_46, %parallel_loop3A_47 : i32
      %parallel_loop3A_49 = vector.broadcast %parallel_loop3A_48 : i32 to vector<16xi32>
      %parallel_loop3A_50 = vector.extract_strided_slice %parallel_loop3A_24 {offsets = [2], sizes = [1], strides = [1]} : vector<16xi32> to vector<1xi32>
      %parallel_loop3A_51 = vector.extract %parallel_loop3A_50[0] : i32 from vector<1xi32>
      %parallel_loop3A_52 = vector.broadcast %parallel_loop3A_51 : i32 to vector<16xi32>
      %parallel_loop3A_53 = arith.addi %parallel_loop3A_52, %iota3A : vector<16xi32>
      %parallel_loop3A_54 = tpu.vector_load_idx %arg7[%parallel_loop3A_49, %parallel_loop3A_53] : memref<512x128xf32, #tpu.memory_space<vmem>>[vector<16xi32>, vector<16xi32>], vector<16xf32>,
      tpu.vector_store_idx %arg8[%iota3A, %parallel_loop3A_49], %parallel_loop3A_54 : memref<16x512xf32, #tpu.memory_space<vmem>>[vector<16xi32>, vector<16xi32>], vector<16xf32>,
      %parallel_loop3A_55 = arith.constant 16 : i32
      %parallel_loop3A_56 = arith.muli %parallel_loop3A_14, %parallel_loop3A_55 : i32
      %parallel_loop3A_57 = arith.constant 3 : i32
      %parallel_loop3A_58 = arith.addi %parallel_loop3A_56, %parallel_loop3A_57 : i32
      %parallel_loop3A_59 = vector.broadcast %parallel_loop3A_58 : i32 to vector<16xi32>
      %parallel_loop3A_60 = vector.extract_strided_slice %parallel_loop3A_24 {offsets = [3], sizes = [1], strides = [1]} : vector<16xi32> to vector<1xi32>
      %parallel_loop3A_61 = vector.extract %parallel_loop3A_60[0] : i32 from vector<1xi32>
      %parallel_loop3A_62 = vector.broadcast %parallel_loop3A_61 : i32 to vector<16xi32>
      %parallel_loop3A_63 = arith.addi %parallel_loop3A_62, %iota3A : vector<16xi32>
      %parallel_loop3A_64 = tpu.vector_load_idx %arg7[%parallel_loop3A_59, %parallel_loop3A_63] : memref<512x128xf32, #tpu.memory_space<vmem>>[vector<16xi32>, vector<16xi32>], vector<16xf32>,
      tpu.vector_store_idx %arg8[%iota3A, %parallel_loop3A_59], %parallel_loop3A_64 : memref<16x512xf32, #tpu.memory_space<vmem>>[vector<16xi32>, vector<16xi32>], vector<16xf32>,
      %parallel_loop3A_65 = arith.constant 16 : i32
      %parallel_loop3A_66 = arith.muli %parallel_loop3A_14, %parallel_loop3A_65 : i32
      %parallel_loop3A_67 = arith.constant 4 : i32
      %parallel_loop3A_68 = arith.addi %parallel_loop3A_66, %parallel_loop3A_67 : i32
      %parallel_loop3A_69 = vector.broadcast %parallel_loop3A_68 : i32 to vector<16xi32>
      %parallel_loop3A_70 = vector.extract_strided_slice %parallel_loop3A_24 {offsets = [4], sizes = [1], strides = [1]} : vector<16xi32> to vector<1xi32>
      %parallel_loop3A_71 = vector.extract %parallel_loop3A_70[0] : i32 from vector<1xi32>
      %parallel_loop3A_72 = vector.broadcast %parallel_loop3A_71 : i32 to vector<16xi32>
      %parallel_loop3A_73 = arith.addi %parallel_loop3A_72, %iota3A : vector<16xi32>
      %parallel_loop3A_74 = tpu.vector_load_idx %arg7[%parallel_loop3A_69, %parallel_loop3A_73] : memref<512x128xf32, #tpu.memory_space<vmem>>[vector<16xi32>, vector<16xi32>], vector<16xf32>,
      tpu.vector_store_idx %arg8[%iota3A, %parallel_loop3A_69], %parallel_loop3A_74 : memref<16x512xf32, #tpu.memory_space<vmem>>[vector<16xi32>, vector<16xi32>], vector<16xf32>,
      %parallel_loop3A_75 = arith.constant 16 : i32
      %parallel_loop3A_76 = arith.muli %parallel_loop3A_14, %parallel_loop3A_75 : i32
      %parallel_loop3A_77 = arith.constant 5 : i32
      %parallel_loop3A_78 = arith.addi %parallel_loop3A_76, %parallel_loop3A_77 : i32
      %parallel_loop3A_79 = vector.broadcast %parallel_loop3A_78 : i32 to vector<16xi32>
      %parallel_loop3A_80 = vector.extract_strided_slice %parallel_loop3A_24 {offsets = [5], sizes = [1], strides = [1]} : vector<16xi32> to vector<1xi32>
      %parallel_loop3A_81 = vector.extract %parallel_loop3A_80[0] : i32 from vector<1xi32>
      %parallel_loop3A_82 = vector.broadcast %parallel_loop3A_81 : i32 to vector<16xi32>
      %parallel_loop3A_83 = arith.addi %parallel_loop3A_82, %iota3A : vector<16xi32>
      %parallel_loop3A_84 = tpu.vector_load_idx %arg7[%parallel_loop3A_79, %parallel_loop3A_83] : memref<512x128xf32, #tpu.memory_space<vmem>>[vector<16xi32>, vector<16xi32>], vector<16xf32>,
      tpu.vector_store_idx %arg8[%iota3A, %parallel_loop3A_79], %parallel_loop3A_84 : memref<16x512xf32, #tpu.memory_space<vmem>>[vector<16xi32>, vector<16xi32>], vector<16xf32>,
      %parallel_loop3A_85 = arith.constant 16 : i32
      %parallel_loop3A_86 = arith.muli %parallel_loop3A_14, %parallel_loop3A_85 : i32
      %parallel_loop3A_87 = arith.constant 6 : i32
      %parallel_loop3A_88 = arith.addi %parallel_loop3A_86, %parallel_loop3A_87 : i32
      %parallel_loop3A_89 = vector.broadcast %parallel_loop3A_88 : i32 to vector<16xi32>
      %parallel_loop3A_90 = vector.extract_strided_slice %parallel_loop3A_24 {offsets = [6], sizes = [1], strides = [1]} : vector<16xi32> to vector<1xi32>
      %parallel_loop3A_91 = vector.extract %parallel_loop3A_90[0] : i32 from vector<1xi32>
      %parallel_loop3A_92 = vector.broadcast %parallel_loop3A_91 : i32 to vector<16xi32>
      %parallel_loop3A_93 = arith.addi %parallel_loop3A_92, %iota3A : vector<16xi32>
      %parallel_loop3A_94 = tpu.vector_load_idx %arg7[%parallel_loop3A_89, %parallel_loop3A_93] : memref<512x128xf32, #tpu.memory_space<vmem>>[vector<16xi32>, vector<16xi32>], vector<16xf32>,
      tpu.vector_store_idx %arg8[%iota3A, %parallel_loop3A_89], %parallel_loop3A_94 : memref<16x512xf32, #tpu.memory_space<vmem>>[vector<16xi32>, vector<16xi32>], vector<16xf32>,
      %parallel_loop3A_95 = arith.constant 16 : i32
      %parallel_loop3A_96 = arith.muli %parallel_loop3A_14, %parallel_loop3A_95 : i32
      %parallel_loop3A_97 = arith.constant 7 : i32
      %parallel_loop3A_98 = arith.addi %parallel_loop3A_96, %parallel_loop3A_97 : i32
      %parallel_loop3A_99 = vector.broadcast %parallel_loop3A_98 : i32 to vector<16xi32>
      %parallel_loop3A_100 = vector.extract_strided_slice %parallel_loop3A_24 {offsets = [7], sizes = [1], strides = [1]} : vector<16xi32> to vector<1xi32>
      %parallel_loop3A_101 = vector.extract %parallel_loop3A_100[0] : i32 from vector<1xi32>
      %parallel_loop3A_102 = vector.broadcast %parallel_loop3A_101 : i32 to vector<16xi32>
      %parallel_loop3A_103 = arith.addi %parallel_loop3A_102, %iota3A : vector<16xi32>
      %parallel_loop3A_104 = tpu.vector_load_idx %arg7[%parallel_loop3A_99, %parallel_loop3A_103] : memref<512x128xf32, #tpu.memory_space<vmem>>[vector<16xi32>, vector<16xi32>], vector<16xf32>,
      tpu.vector_store_idx %arg8[%iota3A, %parallel_loop3A_99], %parallel_loop3A_104 : memref<16x512xf32, #tpu.memory_space<vmem>>[vector<16xi32>, vector<16xi32>], vector<16xf32>,
      %parallel_loop3A_105 = arith.constant 16 : i32
      %parallel_loop3A_106 = arith.muli %parallel_loop3A_14, %parallel_loop3A_105 : i32
      %parallel_loop3A_107 = arith.constant 8 : i32
      %parallel_loop3A_108 = arith.addi %parallel_loop3A_106, %parallel_loop3A_107 : i32
      %parallel_loop3A_109 = vector.broadcast %parallel_loop3A_108 : i32 to vector<16xi32>
      %parallel_loop3A_110 = vector.extract_strided_slice %parallel_loop3A_24 {offsets = [8], sizes = [1], strides = [1]} : vector<16xi32> to vector<1xi32>
      %parallel_loop3A_111 = vector.extract %parallel_loop3A_110[0] : i32 from vector<1xi32>
      %parallel_loop3A_112 = vector.broadcast %parallel_loop3A_111 : i32 to vector<16xi32>
      %parallel_loop3A_113 = arith.addi %parallel_loop3A_112, %iota3A : vector<16xi32>
      %parallel_loop3A_114 = tpu.vector_load_idx %arg7[%parallel_loop3A_109, %parallel_loop3A_113] : memref<512x128xf32, #tpu.memory_space<vmem>>[vector<16xi32>, vector<16xi32>], vector<16xf32>,
      tpu.vector_store_idx %arg8[%iota3A, %parallel_loop3A_109], %parallel_loop3A_114 : memref<16x512xf32, #tpu.memory_space<vmem>>[vector<16xi32>, vector<16xi32>], vector<16xf32>,
      %parallel_loop3A_115 = arith.constant 16 : i32
      %parallel_loop3A_116 = arith.muli %parallel_loop3A_14, %parallel_loop3A_115 : i32
      %parallel_loop3A_117 = arith.constant 9 : i32
      %parallel_loop3A_118 = arith.addi %parallel_loop3A_116, %parallel_loop3A_117 : i32
      %parallel_loop3A_119 = vector.broadcast %parallel_loop3A_118 : i32 to vector<16xi32>
      %parallel_loop3A_120 = vector.extract_strided_slice %parallel_loop3A_24 {offsets = [9], sizes = [1], strides = [1]} : vector<16xi32> to vector<1xi32>
      %parallel_loop3A_121 = vector.extract %parallel_loop3A_120[0] : i32 from vector<1xi32>
      %parallel_loop3A_122 = vector.broadcast %parallel_loop3A_121 : i32 to vector<16xi32>
      %parallel_loop3A_123 = arith.addi %parallel_loop3A_122, %iota3A : vector<16xi32>
      %parallel_loop3A_124 = tpu.vector_load_idx %arg7[%parallel_loop3A_119, %parallel_loop3A_123] : memref<512x128xf32, #tpu.memory_space<vmem>>[vector<16xi32>, vector<16xi32>], vector<16xf32>,
      tpu.vector_store_idx %arg8[%iota3A, %parallel_loop3A_119], %parallel_loop3A_124 : memref<16x512xf32, #tpu.memory_space<vmem>>[vector<16xi32>, vector<16xi32>], vector<16xf32>,
      %parallel_loop3A_125 = arith.constant 16 : i32
      %parallel_loop3A_126 = arith.muli %parallel_loop3A_14, %parallel_loop3A_125 : i32
      %parallel_loop3A_127 = arith.constant 10 : i32
      %parallel_loop3A_128 = arith.addi %parallel_loop3A_126, %parallel_loop3A_127 : i32
      %parallel_loop3A_129 = vector.broadcast %parallel_loop3A_128 : i32 to vector<16xi32>
      %parallel_loop3A_130 = vector.extract_strided_slice %parallel_loop3A_24 {offsets = [10], sizes = [1], strides = [1]} : vector<16xi32> to vector<1xi32>
      %parallel_loop3A_131 = vector.extract %parallel_loop3A_130[0] : i32 from vector<1xi32>
      %parallel_loop3A_132 = vector.broadcast %parallel_loop3A_131 : i32 to vector<16xi32>
      %parallel_loop3A_133 = arith.addi %parallel_loop3A_132, %iota3A : vector<16xi32>
      %parallel_loop3A_134 = tpu.vector_load_idx %arg7[%parallel_loop3A_129, %parallel_loop3A_133] : memref<512x128xf32, #tpu.memory_space<vmem>>[vector<16xi32>, vector<16xi32>], vector<16xf32>,
      tpu.vector_store_idx %arg8[%iota3A, %parallel_loop3A_129], %parallel_loop3A_134 : memref<16x512xf32, #tpu.memory_space<vmem>>[vector<16xi32>, vector<16xi32>], vector<16xf32>,
      %parallel_loop3A_135 = arith.constant 16 : i32
      %parallel_loop3A_136 = arith.muli %parallel_loop3A_14, %parallel_loop3A_135 : i32
      %parallel_loop3A_137 = arith.constant 11 : i32
      %parallel_loop3A_138 = arith.addi %parallel_loop3A_136, %parallel_loop3A_137 : i32
      %parallel_loop3A_139 = vector.broadcast %parallel_loop3A_138 : i32 to vector<16xi32>
      %parallel_loop3A_140 = vector.extract_strided_slice %parallel_loop3A_24 {offsets = [11], sizes = [1], strides = [1]} : vector<16xi32> to vector<1xi32>
      %parallel_loop3A_141 = vector.extract %parallel_loop3A_140[0] : i32 from vector<1xi32>
      %parallel_loop3A_142 = vector.broadcast %parallel_loop3A_141 : i32 to vector<16xi32>
      %parallel_loop3A_143 = arith.addi %parallel_loop3A_142, %iota3A : vector<16xi32>
      %parallel_loop3A_144 = tpu.vector_load_idx %arg7[%parallel_loop3A_139, %parallel_loop3A_143] : memref<512x128xf32, #tpu.memory_space<vmem>>[vector<16xi32>, vector<16xi32>], vector<16xf32>,
      tpu.vector_store_idx %arg8[%iota3A, %parallel_loop3A_139], %parallel_loop3A_144 : memref<16x512xf32, #tpu.memory_space<vmem>>[vector<16xi32>, vector<16xi32>], vector<16xf32>,
      %parallel_loop3A_145 = arith.constant 16 : i32
      %parallel_loop3A_146 = arith.muli %parallel_loop3A_14, %parallel_loop3A_145 : i32
      %parallel_loop3A_147 = arith.constant 12 : i32
      %parallel_loop3A_148 = arith.addi %parallel_loop3A_146, %parallel_loop3A_147 : i32
      %parallel_loop3A_149 = vector.broadcast %parallel_loop3A_148 : i32 to vector<16xi32>
      %parallel_loop3A_150 = vector.extract_strided_slice %parallel_loop3A_24 {offsets = [12], sizes = [1], strides = [1]} : vector<16xi32> to vector<1xi32>
      %parallel_loop3A_151 = vector.extract %parallel_loop3A_150[0] : i32 from vector<1xi32>
      %parallel_loop3A_152 = vector.broadcast %parallel_loop3A_151 : i32 to vector<16xi32>
      %parallel_loop3A_153 = arith.addi %parallel_loop3A_152, %iota3A : vector<16xi32>
      %parallel_loop3A_154 = tpu.vector_load_idx %arg7[%parallel_loop3A_149, %parallel_loop3A_153] : memref<512x128xf32, #tpu.memory_space<vmem>>[vector<16xi32>, vector<16xi32>], vector<16xf32>,
      tpu.vector_store_idx %arg8[%iota3A, %parallel_loop3A_149], %parallel_loop3A_154 : memref<16x512xf32, #tpu.memory_space<vmem>>[vector<16xi32>, vector<16xi32>], vector<16xf32>,
      %parallel_loop3A_155 = arith.constant 16 : i32
      %parallel_loop3A_156 = arith.muli %parallel_loop3A_14, %parallel_loop3A_155 : i32
      %parallel_loop3A_157 = arith.constant 13 : i32
      %parallel_loop3A_158 = arith.addi %parallel_loop3A_156, %parallel_loop3A_157 : i32
      %parallel_loop3A_159 = vector.broadcast %parallel_loop3A_158 : i32 to vector<16xi32>
      %parallel_loop3A_160 = vector.extract_strided_slice %parallel_loop3A_24 {offsets = [13], sizes = [1], strides = [1]} : vector<16xi32> to vector<1xi32>
      %parallel_loop3A_161 = vector.extract %parallel_loop3A_160[0] : i32 from vector<1xi32>
      %parallel_loop3A_162 = vector.broadcast %parallel_loop3A_161 : i32 to vector<16xi32>
      %parallel_loop3A_163 = arith.addi %parallel_loop3A_162, %iota3A : vector<16xi32>
      %parallel_loop3A_164 = tpu.vector_load_idx %arg7[%parallel_loop3A_159, %parallel_loop3A_163] : memref<512x128xf32, #tpu.memory_space<vmem>>[vector<16xi32>, vector<16xi32>], vector<16xf32>,
      tpu.vector_store_idx %arg8[%iota3A, %parallel_loop3A_159], %parallel_loop3A_164 : memref<16x512xf32, #tpu.memory_space<vmem>>[vector<16xi32>, vector<16xi32>], vector<16xf32>,
      %parallel_loop3A_165 = arith.constant 16 : i32
      %parallel_loop3A_166 = arith.muli %parallel_loop3A_14, %parallel_loop3A_165 : i32
      %parallel_loop3A_167 = arith.constant 14 : i32
      %parallel_loop3A_168 = arith.addi %parallel_loop3A_166, %parallel_loop3A_167 : i32
      %parallel_loop3A_169 = vector.broadcast %parallel_loop3A_168 : i32 to vector<16xi32>
      %parallel_loop3A_170 = vector.extract_strided_slice %parallel_loop3A_24 {offsets = [14], sizes = [1], strides = [1]} : vector<16xi32> to vector<1xi32>
      %parallel_loop3A_171 = vector.extract %parallel_loop3A_170[0] : i32 from vector<1xi32>
      %parallel_loop3A_172 = vector.broadcast %parallel_loop3A_171 : i32 to vector<16xi32>
      %parallel_loop3A_173 = arith.addi %parallel_loop3A_172, %iota3A : vector<16xi32>
      %parallel_loop3A_174 = tpu.vector_load_idx %arg7[%parallel_loop3A_169, %parallel_loop3A_173] : memref<512x128xf32, #tpu.memory_space<vmem>>[vector<16xi32>, vector<16xi32>], vector<16xf32>,
      tpu.vector_store_idx %arg8[%iota3A, %parallel_loop3A_169], %parallel_loop3A_174 : memref<16x512xf32, #tpu.memory_space<vmem>>[vector<16xi32>, vector<16xi32>], vector<16xf32>,
      %parallel_loop3A_175 = arith.constant 16 : i32
      %parallel_loop3A_176 = arith.muli %parallel_loop3A_14, %parallel_loop3A_175 : i32
      %parallel_loop3A_177 = arith.constant 15 : i32
      %parallel_loop3A_178 = arith.addi %parallel_loop3A_176, %parallel_loop3A_177 : i32
      %parallel_loop3A_179 = vector.broadcast %parallel_loop3A_178 : i32 to vector<16xi32>
      %parallel_loop3A_180 = vector.extract_strided_slice %parallel_loop3A_24 {offsets = [15], sizes = [1], strides = [1]} : vector<16xi32> to vector<1xi32>
      %parallel_loop3A_181 = vector.extract %parallel_loop3A_180[0] : i32 from vector<1xi32>
      %parallel_loop3A_182 = vector.broadcast %parallel_loop3A_181 : i32 to vector<16xi32>
      %parallel_loop3A_183 = arith.addi %parallel_loop3A_182, %iota3A : vector<16xi32>
      %parallel_loop3A_184 = tpu.vector_load_idx %arg7[%parallel_loop3A_179, %parallel_loop3A_183] : memref<512x128xf32, #tpu.memory_space<vmem>>[vector<16xi32>, vector<16xi32>], vector<16xf32>,
      tpu.vector_store_idx %arg8[%iota3A, %parallel_loop3A_179], %parallel_loop3A_184 : memref<16x512xf32, #tpu.memory_space<vmem>>[vector<16xi32>, vector<16xi32>], vector<16xf32>,
    } {sc.loop_unroll_factor = 2 : i64, sc.parallel_access}
    "tpu.region"() ({
      %run_scoped3A = tpu.sem_alloc : memref<!tpu.dma_semaphore, #tpu.memory_space<semaphore_mem>>
      %dma_start3A_14 = arith.constant 0 : i32
      %dma_start3A_15 = tpu.memref_slice %arg4[%dma_start3A_14, %mul3A_2] : memref<16x16384xf32, #tpu.memory_space<hbm>> -> memref<16x512xf32, #tpu.memory_space<hbm>>
      %dma_start3A_16 = arith.constant 0 : i32
      %dma_start3A_17 = tpu.memref_slice %arg4[%dma_start3A_16, %mul3A_2] : memref<16x16384xf32, #tpu.memory_space<hbm>> -> memref<16x512xf32, #tpu.memory_space<hbm>>
      tpu.enqueue_dma source(%arg8 : memref<16x512xf32, #tpu.memory_space<vmem>>) target(%dma_start3A_17 : memref<16x512xf32, #tpu.memory_space<hbm>>) target_semaphore(%run_scoped3A : memref<!tpu.dma_semaphore, #tpu.memory_space<semaphore_mem>>)
      %dma_wait3A_18 = arith.constant 0 : i32
      %dma_wait3A_19 = tpu.memref_slice %arg4[%dma_wait3A_18, %mul3A_2] : memref<16x16384xf32, #tpu.memory_space<hbm>> -> memref<16x512xf32, #tpu.memory_space<hbm>>
      %dma_wait3A_20 = arith.constant 0 : i32
      %dma_wait3A_21 = tpu.memref_slice %arg4[%dma_wait3A_20, %mul3A_2] : memref<16x16384xf32, #tpu.memory_space<hbm>> -> memref<16x512xf32, #tpu.memory_space<hbm>>
      tpu.wait_dma2 semaphore(%run_scoped3A : memref<!tpu.dma_semaphore, #tpu.memory_space<semaphore_mem>>) src(%arg8 : memref<16x512xf32, #tpu.memory_space<vmem>>) dst(%dma_wait3A_21 : memref<16x512xf32, #tpu.memory_space<hbm>>)
      tpu.yield
    }) : () -> ()
    return
  }
}

#map = affine_map<(d0, d1) -> (0, 0)>
#map1 = affine_map<(d0, d1) -> (0)>
module attributes {stable_mosaic.version = 14 : i64} {
  func.func @_repack(%arg0: i32, %arg1: i32, %arg2: memref<16x1000000xf32, #tpu.memory_space<hbm>>, %arg3: memref<16003072xf32, #tpu.memory_space<hbm>>, %arg4: memref<16x128xf32, #tpu.memory_space<vmem>>, %arg5: memref<16x128xf32, #tpu.memory_space<vmem>>, %arg6: memref<16x128xf32, #tpu.memory_space<vmem>>, %arg7: memref<16x128xf32, #tpu.memory_space<vmem>>, %arg8: memref<2048xf32, #tpu.memory_space<vmem>>, %arg9: memref<2048xf32, #tpu.memory_space<vmem>>, %arg10: memref<2048xf32, #tpu.memory_space<vmem>>, %arg11: memref<2048xf32, #tpu.memory_space<vmem>>, %arg12: memref<!tpu.dma_semaphore, #tpu.memory_space<semaphore_mem>>, %arg13: memref<!tpu.dma_semaphore, #tpu.memory_space<semaphore_mem>>, %arg14: memref<!tpu.dma_semaphore, #tpu.memory_space<semaphore_mem>>, %arg15: memref<!tpu.dma_semaphore, #tpu.memory_space<semaphore_mem>>, %arg16: memref<!tpu.dma_semaphore, #tpu.memory_space<semaphore_mem>>, %arg17: memref<!tpu.dma_semaphore, #tpu.memory_space<semaphore_mem>>, %arg18: memref<!tpu.dma_semaphore, #tpu.memory_space<semaphore_mem>>, %arg19: memref<!tpu.dma_semaphore, #tpu.memory_space<semaphore_mem>>) attributes {dimension_semantics = [#tpu.dimension_semantics<core_parallel>, #tpu.dimension_semantics<subcore_parallel>], iteration_bounds = array<i64: 2, 16>, scalar_prefetch = 0 : i64, scratch_operands = 16 : i64, tpu.core_type = #tpu.core_type<sc_vector_subcore>, window_params = [{transform_indices = #map}, {transform_indices = #map1}]} {
    %mul3A = arith.constant 2 : i32
    %mul3A_0 = arith.muli %arg1, %mul3A : i32
    %add3A = arith.addi %mul3A_0, %arg0 : i32
    %iota3A = tpu.iota {dimensions = array<i32: 0>} : vector<16xi32>
    %dma_start3A = arith.constant 16001024 : i32
    %dma_start3A_1 = tpu.memref_slice %arg3[%dma_start3A] : memref<16003072xf32, #tpu.memory_space<hbm>> -> memref<2048xf32, #tpu.memory_space<hbm>>
    %dma_start3A_2 = arith.constant 16001024 : i32
    %dma_start3A_3 = tpu.memref_slice %arg3[%dma_start3A_2] : memref<16003072xf32, #tpu.memory_space<hbm>> -> memref<2048xf32, #tpu.memory_space<hbm>>
    tpu.enqueue_dma source(%arg8 : memref<2048xf32, #tpu.memory_space<vmem>>) target(%dma_start3A_3 : memref<2048xf32, #tpu.memory_space<hbm>>) target_semaphore(%arg16 : memref<!tpu.dma_semaphore, #tpu.memory_space<semaphore_mem>>)
    %dma_start3A_4 = arith.constant 16001024 : i32
    %dma_start3A_5 = tpu.memref_slice %arg3[%dma_start3A_4] : memref<16003072xf32, #tpu.memory_space<hbm>> -> memref<2048xf32, #tpu.memory_space<hbm>>
    %dma_start3A_6 = arith.constant 16001024 : i32
    %dma_start3A_7 = tpu.memref_slice %arg3[%dma_start3A_6] : memref<16003072xf32, #tpu.memory_space<hbm>> -> memref<2048xf32, #tpu.memory_space<hbm>>
    tpu.enqueue_dma source(%arg9 : memref<2048xf32, #tpu.memory_space<vmem>>) target(%dma_start3A_7 : memref<2048xf32, #tpu.memory_space<hbm>>) target_semaphore(%arg17 : memref<!tpu.dma_semaphore, #tpu.memory_space<semaphore_mem>>)
    %dma_start3A_8 = arith.constant 16001024 : i32
    %dma_start3A_9 = tpu.memref_slice %arg3[%dma_start3A_8] : memref<16003072xf32, #tpu.memory_space<hbm>> -> memref<2048xf32, #tpu.memory_space<hbm>>
    %dma_start3A_10 = arith.constant 16001024 : i32
    %dma_start3A_11 = tpu.memref_slice %arg3[%dma_start3A_10] : memref<16003072xf32, #tpu.memory_space<hbm>> -> memref<2048xf32, #tpu.memory_space<hbm>>
    tpu.enqueue_dma source(%arg10 : memref<2048xf32, #tpu.memory_space<vmem>>) target(%dma_start3A_11 : memref<2048xf32, #tpu.memory_space<hbm>>) target_semaphore(%arg18 : memref<!tpu.dma_semaphore, #tpu.memory_space<semaphore_mem>>)
    %dma_start3A_12 = arith.constant 16001024 : i32
    %dma_start3A_13 = tpu.memref_slice %arg3[%dma_start3A_12] : memref<16003072xf32, #tpu.memory_space<hbm>> -> memref<2048xf32, #tpu.memory_space<hbm>>
    %dma_start3A_14 = arith.constant 16001024 : i32
    %dma_start3A_15 = tpu.memref_slice %arg3[%dma_start3A_14] : memref<16003072xf32, #tpu.memory_space<hbm>> -> memref<2048xf32, #tpu.memory_space<hbm>>
    tpu.enqueue_dma source(%arg11 : memref<2048xf32, #tpu.memory_space<vmem>>) target(%dma_start3A_15 : memref<2048xf32, #tpu.memory_space<hbm>>) target_semaphore(%arg19 : memref<!tpu.dma_semaphore, #tpu.memory_space<semaphore_mem>>)
    %add3A_16 = arith.constant 0 : i32
    %add3A_17 = arith.addi %add3A, %add3A_16 : i32
    %mul3A_18 = arith.constant 128 : i32
    %mul3A_19 = arith.muli %add3A_17, %mul3A_18 : i32
    %dma_start3A_20 = arith.constant 0 : i32
    %dma_start3A_21 = tpu.memref_slice %arg2[%dma_start3A_20, %mul3A_19] : memref<16x1000000xf32, #tpu.memory_space<hbm>> -> memref<16x128xf32, #tpu.memory_space<hbm>>
    %dma_start3A_22 = arith.constant 0 : i32
    %dma_start3A_23 = tpu.memref_slice %arg2[%dma_start3A_22, %mul3A_19] : memref<16x1000000xf32, #tpu.memory_space<hbm>> -> memref<16x128xf32, #tpu.memory_space<hbm>>
    tpu.enqueue_dma source(%dma_start3A_23 : memref<16x128xf32, #tpu.memory_space<hbm>>) target(%arg4 : memref<16x128xf32, #tpu.memory_space<vmem>>) target_semaphore(%arg12 : memref<!tpu.dma_semaphore, #tpu.memory_space<semaphore_mem>>)
    %add3A_24 = arith.constant 32 : i32
    %add3A_25 = arith.addi %add3A, %add3A_24 : i32
    %mul3A_26 = arith.constant 128 : i32
    %mul3A_27 = arith.muli %add3A_25, %mul3A_26 : i32
    %dma_start3A_28 = arith.constant 0 : i32
    %dma_start3A_29 = tpu.memref_slice %arg2[%dma_start3A_28, %mul3A_27] : memref<16x1000000xf32, #tpu.memory_space<hbm>> -> memref<16x128xf32, #tpu.memory_space<hbm>>
    %dma_start3A_30 = arith.constant 0 : i32
    %dma_start3A_31 = tpu.memref_slice %arg2[%dma_start3A_30, %mul3A_27] : memref<16x1000000xf32, #tpu.memory_space<hbm>> -> memref<16x128xf32, #tpu.memory_space<hbm>>
    tpu.enqueue_dma source(%dma_start3A_31 : memref<16x128xf32, #tpu.memory_space<hbm>>) target(%arg5 : memref<16x128xf32, #tpu.memory_space<vmem>>) target_semaphore(%arg13 : memref<!tpu.dma_semaphore, #tpu.memory_space<semaphore_mem>>)
    %add3A_32 = arith.constant 64 : i32
    %add3A_33 = arith.addi %add3A, %add3A_32 : i32
    %mul3A_34 = arith.constant 128 : i32
    %mul3A_35 = arith.muli %add3A_33, %mul3A_34 : i32
    %dma_start3A_36 = arith.constant 0 : i32
    %dma_start3A_37 = tpu.memref_slice %arg2[%dma_start3A_36, %mul3A_35] : memref<16x1000000xf32, #tpu.memory_space<hbm>> -> memref<16x128xf32, #tpu.memory_space<hbm>>
    %dma_start3A_38 = arith.constant 0 : i32
    %dma_start3A_39 = tpu.memref_slice %arg2[%dma_start3A_38, %mul3A_35] : memref<16x1000000xf32, #tpu.memory_space<hbm>> -> memref<16x128xf32, #tpu.memory_space<hbm>>
    tpu.enqueue_dma source(%dma_start3A_39 : memref<16x128xf32, #tpu.memory_space<hbm>>) target(%arg6 : memref<16x128xf32, #tpu.memory_space<vmem>>) target_semaphore(%arg14 : memref<!tpu.dma_semaphore, #tpu.memory_space<semaphore_mem>>)
    %scan3A = arith.constant 0 : i32
    %scan3A_40 = arith.constant 0 : i32
    %scan3A_41 = arith.constant 61 : i32
    %scan3A_42 = arith.addi %scan3A_40, %scan3A_41 : i32
    %scan3A_43 = arith.constant 1 : i32
    scf.for %scan3A_64 = %scan3A_40 to %scan3A_42 step %scan3A_43  : i32 {
      %mul3A_65 = arith.constant 4 : i32
      %mul3A_66 = arith.muli %mul3A_65, %scan3A_64 : i32
      %add3A_67 = arith.constant 0 : i32
      %add3A_68 = arith.addi %mul3A_66, %add3A_67 : i32
      %add3A_69 = arith.constant 3 : i32
      %add3A_70 = arith.addi %add3A_68, %add3A_69 : i32
      %mul3A_71 = arith.constant 32 : i32
      %mul3A_72 = arith.muli %mul3A_71, %add3A_70 : i32
      %add3A_73 = arith.addi %add3A, %mul3A_72 : i32
      %lt3A_74 = arith.constant 7813 : i32
      %lt3A_75 = arith.cmpi slt, %add3A_73, %lt3A_74 : i32
      %convert_element_type3A_76 = arith.extui %lt3A_75 : i1 to i32
      %cond3A_77 = arith.constant 0 : i32
      %cond3A_78 = arith.cmpi ne, %convert_element_type3A_76, %cond3A_77 : i32
      scf.if %cond3A_78 {
        %add3A_200 = arith.constant 3 : i32
        %add3A_201 = arith.addi %add3A_68, %add3A_200 : i32
        %mul3A_202 = arith.constant 32 : i32
        %mul3A_203 = arith.muli %mul3A_202, %add3A_201 : i32
        %add3A_204 = arith.addi %add3A, %mul3A_203 : i32
        %mul3A_205 = arith.constant 128 : i32
        %mul3A_206 = arith.muli %add3A_204, %mul3A_205 : i32
        %dma_start3A_207 = arith.constant 0 : i32
        %dma_start3A_208 = tpu.memref_slice %arg2[%dma_start3A_207, %mul3A_206] : memref<16x1000000xf32, #tpu.memory_space<hbm>> -> memref<16x128xf32, #tpu.memory_space<hbm>>
        %dma_start3A_209 = arith.constant 0 : i32
        %dma_start3A_210 = tpu.memref_slice %arg2[%dma_start3A_209, %mul3A_206] : memref<16x1000000xf32, #tpu.memory_space<hbm>> -> memref<16x128xf32, #tpu.memory_space<hbm>>
        tpu.enqueue_dma source(%dma_start3A_210 : memref<16x128xf32, #tpu.memory_space<hbm>>) target(%arg7 : memref<16x128xf32, #tpu.memory_space<vmem>>) target_semaphore(%arg15 : memref<!tpu.dma_semaphore, #tpu.memory_space<semaphore_mem>>)
      } else {
      }
      %dma_wait3A_79 = arith.constant 0 : i32
      %dma_wait3A_80 = arith.constant 0 : i32
      %dma_wait3A_81 = tpu.memref_slice %arg2[%dma_wait3A_79, %dma_wait3A_80] : memref<16x1000000xf32, #tpu.memory_space<hbm>> -> memref<16x128xf32, #tpu.memory_space<hbm>>
      %dma_wait3A_82 = arith.constant 0 : i32
      %dma_wait3A_83 = arith.constant 0 : i32
      %dma_wait3A_84 = tpu.memref_slice %arg2[%dma_wait3A_82, %dma_wait3A_83] : memref<16x1000000xf32, #tpu.memory_space<hbm>> -> memref<16x128xf32, #tpu.memory_space<hbm>>
      tpu.wait_dma2 semaphore(%arg12 : memref<!tpu.dma_semaphore, #tpu.memory_space<semaphore_mem>>) src(%dma_wait3A_84 : memref<16x128xf32, #tpu.memory_space<hbm>>) dst(%arg4 : memref<16x128xf32, #tpu.memory_space<vmem>>)
      %dma_wait3A_85 = arith.constant 0 : i32
      %dma_wait3A_86 = tpu.memref_slice %arg3[%dma_wait3A_85] : memref<16003072xf32, #tpu.memory_space<hbm>> -> memref<2048xf32, #tpu.memory_space<hbm>>
      %dma_wait3A_87 = arith.constant 0 : i32
      %dma_wait3A_88 = tpu.memref_slice %arg3[%dma_wait3A_87] : memref<16003072xf32, #tpu.memory_space<hbm>> -> memref<2048xf32, #tpu.memory_space<hbm>>
      tpu.wait_dma2 semaphore(%arg16 : memref<!tpu.dma_semaphore, #tpu.memory_space<semaphore_mem>>) src(%arg8 : memref<2048xf32, #tpu.memory_space<vmem>>) dst(%dma_wait3A_88 : memref<2048xf32, #tpu.memory_space<hbm>>)
      %parallel_loop3A = arith.constant 0 : i32
      %parallel_loop3A_89 = arith.constant 8 : i32
      %parallel_loop3A_90 = arith.constant 1 : i32
      scf.for %parallel_loop3A_200 = %parallel_loop3A to %parallel_loop3A_89 step %parallel_loop3A_90  : i32 {
        %parallel_loop3A_201 = arith.constant 16 : i32
        %parallel_loop3A_202 = arith.muli %parallel_loop3A_200, %parallel_loop3A_201 : i32
        %parallel_loop3A_203 = vector.broadcast %parallel_loop3A_202 : i32 to vector<16xi32>
        %parallel_loop3A_204 = arith.addi %parallel_loop3A_203, %iota3A : vector<16xi32>
        %parallel_loop3A_205 = arith.constant 16 : i32
        %parallel_loop3A_206 = vector.broadcast %parallel_loop3A_205 : i32 to vector<16xi32>
        %parallel_loop3A_207 = arith.muli %parallel_loop3A_204, %parallel_loop3A_206 : vector<16xi32>
        %parallel_loop3A_208 = arith.constant 16 : i32
        %parallel_loop3A_209 = arith.muli %parallel_loop3A_200, %parallel_loop3A_208 : i32
        %parallel_loop3A_210 = arith.constant 0 : i32
        %parallel_loop3A_211 = arith.index_cast %parallel_loop3A_210 : i32 to index
        %parallel_loop3A_212 = arith.index_cast %parallel_loop3A_209 : i32 to index
        %parallel_loop3A_213 = tpu.vector_load %arg4[%parallel_loop3A_211, %parallel_loop3A_212] {strides = array<i32>} : memref<16x128xf32, #tpu.memory_space<vmem>>, vector<16xf32>,
        %parallel_loop3A_214 = arith.constant 0 : i32
        %parallel_loop3A_215 = vector.broadcast %parallel_loop3A_214 : i32 to vector<16xi32>
        %parallel_loop3A_216 = arith.addi %parallel_loop3A_207, %parallel_loop3A_215 : vector<16xi32>
        tpu.vector_store_idx %arg8[%parallel_loop3A_216], %parallel_loop3A_213 : memref<2048xf32, #tpu.memory_space<vmem>>[vector<16xi32>], vector<16xf32>,
        %parallel_loop3A_217 = arith.constant 16 : i32
        %parallel_loop3A_218 = arith.muli %parallel_loop3A_200, %parallel_loop3A_217 : i32
        %parallel_loop3A_219 = arith.constant 1 : i32
        %parallel_loop3A_220 = arith.index_cast %parallel_loop3A_219 : i32 to index
        %parallel_loop3A_221 = arith.index_cast %parallel_loop3A_218 : i32 to index
        %parallel_loop3A_222 = tpu.vector_load %arg4[%parallel_loop3A_220, %parallel_loop3A_221] {strides = array<i32>} : memref<16x128xf32, #tpu.memory_space<vmem>>, vector<16xf32>,
        %parallel_loop3A_223 = arith.constant 1 : i32
        %parallel_loop3A_224 = vector.broadcast %parallel_loop3A_223 : i32 to vector<16xi32>
        %parallel_loop3A_225 = arith.addi %parallel_loop3A_207, %parallel_loop3A_224 : vector<16xi32>
        tpu.vector_store_idx %arg8[%parallel_loop3A_225], %parallel_loop3A_222 : memref<2048xf32, #tpu.memory_space<vmem>>[vector<16xi32>], vector<16xf32>,
        %parallel_loop3A_226 = arith.constant 16 : i32
        %parallel_loop3A_227 = arith.muli %parallel_loop3A_200, %parallel_loop3A_226 : i32
        %parallel_loop3A_228 = arith.constant 2 : i32
        %parallel_loop3A_229 = arith.index_cast %parallel_loop3A_228 : i32 to index
        %parallel_loop3A_230 = arith.index_cast %parallel_loop3A_227 : i32 to index
        %parallel_loop3A_231 = tpu.vector_load %arg4[%parallel_loop3A_229, %parallel_loop3A_230] {strides = array<i32>} : memref<16x128xf32, #tpu.memory_space<vmem>>, vector<16xf32>,
        %parallel_loop3A_232 = arith.constant 2 : i32
        %parallel_loop3A_233 = vector.broadcast %parallel_loop3A_232 : i32 to vector<16xi32>
        %parallel_loop3A_234 = arith.addi %parallel_loop3A_207, %parallel_loop3A_233 : vector<16xi32>
        tpu.vector_store_idx %arg8[%parallel_loop3A_234], %parallel_loop3A_231 : memref<2048xf32, #tpu.memory_space<vmem>>[vector<16xi32>], vector<16xf32>,
        %parallel_loop3A_235 = arith.constant 16 : i32
        %parallel_loop3A_236 = arith.muli %parallel_loop3A_200, %parallel_loop3A_235 : i32
        %parallel_loop3A_237 = arith.constant 3 : i32
        %parallel_loop3A_238 = arith.index_cast %parallel_loop3A_237 : i32 to index
        %parallel_loop3A_239 = arith.index_cast %parallel_loop3A_236 : i32 to index
        %parallel_loop3A_240 = tpu.vector_load %arg4[%parallel_loop3A_238, %parallel_loop3A_239] {strides = array<i32>} : memref<16x128xf32, #tpu.memory_space<vmem>>, vector<16xf32>,
        %parallel_loop3A_241 = arith.constant 3 : i32
        %parallel_loop3A_242 = vector.broadcast %parallel_loop3A_241 : i32 to vector<16xi32>
        %parallel_loop3A_243 = arith.addi %parallel_loop3A_207, %parallel_loop3A_242 : vector<16xi32>
        tpu.vector_store_idx %arg8[%parallel_loop3A_243], %parallel_loop3A_240 : memref<2048xf32, #tpu.memory_space<vmem>>[vector<16xi32>], vector<16xf32>,
        %parallel_loop3A_244 = arith.constant 16 : i32
        %parallel_loop3A_245 = arith.muli %parallel_loop3A_200, %parallel_loop3A_244 : i32
        %parallel_loop3A_246 = arith.constant 4 : i32
        %parallel_loop3A_247 = arith.index_cast %parallel_loop3A_246 : i32 to index
        %parallel_loop3A_248 = arith.index_cast %parallel_loop3A_245 : i32 to index
        %parallel_loop3A_249 = tpu.vector_load %arg4[%parallel_loop3A_247, %parallel_loop3A_248] {strides = array<i32>} : memref<16x128xf32, #tpu.memory_space<vmem>>, vector<16xf32>,
        %parallel_loop3A_250 = arith.constant 4 : i32
        %parallel_loop3A_251 = vector.broadcast %parallel_loop3A_250 : i32 to vector<16xi32>
        %parallel_loop3A_252 = arith.addi %parallel_loop3A_207, %parallel_loop3A_251 : vector<16xi32>
        tpu.vector_store_idx %arg8[%parallel_loop3A_252], %parallel_loop3A_249 : memref<2048xf32, #tpu.memory_space<vmem>>[vector<16xi32>], vector<16xf32>,
        %parallel_loop3A_253 = arith.constant 16 : i32
        %parallel_loop3A_254 = arith.muli %parallel_loop3A_200, %parallel_loop3A_253 : i32
        %parallel_loop3A_255 = arith.constant 5 : i32
        %parallel_loop3A_256 = arith.index_cast %parallel_loop3A_255 : i32 to index
        %parallel_loop3A_257 = arith.index_cast %parallel_loop3A_254 : i32 to index
        %parallel_loop3A_258 = tpu.vector_load %arg4[%parallel_loop3A_256, %parallel_loop3A_257] {strides = array<i32>} : memref<16x128xf32, #tpu.memory_space<vmem>>, vector<16xf32>,
        %parallel_loop3A_259 = arith.constant 5 : i32
        %parallel_loop3A_260 = vector.broadcast %parallel_loop3A_259 : i32 to vector<16xi32>
        %parallel_loop3A_261 = arith.addi %parallel_loop3A_207, %parallel_loop3A_260 : vector<16xi32>
        tpu.vector_store_idx %arg8[%parallel_loop3A_261], %parallel_loop3A_258 : memref<2048xf32, #tpu.memory_space<vmem>>[vector<16xi32>], vector<16xf32>,
        %parallel_loop3A_262 = arith.constant 16 : i32
        %parallel_loop3A_263 = arith.muli %parallel_loop3A_200, %parallel_loop3A_262 : i32
        %parallel_loop3A_264 = arith.constant 6 : i32
        %parallel_loop3A_265 = arith.index_cast %parallel_loop3A_264 : i32 to index
        %parallel_loop3A_266 = arith.index_cast %parallel_loop3A_263 : i32 to index
        %parallel_loop3A_267 = tpu.vector_load %arg4[%parallel_loop3A_265, %parallel_loop3A_266] {strides = array<i32>} : memref<16x128xf32, #tpu.memory_space<vmem>>, vector<16xf32>,
        %parallel_loop3A_268 = arith.constant 6 : i32
        %parallel_loop3A_269 = vector.broadcast %parallel_loop3A_268 : i32 to vector<16xi32>
        %parallel_loop3A_270 = arith.addi %parallel_loop3A_207, %parallel_loop3A_269 : vector<16xi32>
        tpu.vector_store_idx %arg8[%parallel_loop3A_270], %parallel_loop3A_267 : memref<2048xf32, #tpu.memory_space<vmem>>[vector<16xi32>], vector<16xf32>,
        %parallel_loop3A_271 = arith.constant 16 : i32
        %parallel_loop3A_272 = arith.muli %parallel_loop3A_200, %parallel_loop3A_271 : i32
        %parallel_loop3A_273 = arith.constant 7 : i32
        %parallel_loop3A_274 = arith.index_cast %parallel_loop3A_273 : i32 to index
        %parallel_loop3A_275 = arith.index_cast %parallel_loop3A_272 : i32 to index
        %parallel_loop3A_276 = tpu.vector_load %arg4[%parallel_loop3A_274, %parallel_loop3A_275] {strides = array<i32>} : memref<16x128xf32, #tpu.memory_space<vmem>>, vector<16xf32>,
        %parallel_loop3A_277 = arith.constant 7 : i32
        %parallel_loop3A_278 = vector.broadcast %parallel_loop3A_277 : i32 to vector<16xi32>
        %parallel_loop3A_279 = arith.addi %parallel_loop3A_207, %parallel_loop3A_278 : vector<16xi32>
        tpu.vector_store_idx %arg8[%parallel_loop3A_279], %parallel_loop3A_276 : memref<2048xf32, #tpu.memory_space<vmem>>[vector<16xi32>], vector<16xf32>,
        %parallel_loop3A_280 = arith.constant 16 : i32
        %parallel_loop3A_281 = arith.muli %parallel_loop3A_200, %parallel_loop3A_280 : i32
        %parallel_loop3A_282 = arith.constant 8 : i32
        %parallel_loop3A_283 = arith.index_cast %parallel_loop3A_282 : i32 to index
        %parallel_loop3A_284 = arith.index_cast %parallel_loop3A_281 : i32 to index
        %parallel_loop3A_285 = tpu.vector_load %arg4[%parallel_loop3A_283, %parallel_loop3A_284] {strides = array<i32>} : memref<16x128xf32, #tpu.memory_space<vmem>>, vector<16xf32>,
        %parallel_loop3A_286 = arith.constant 8 : i32
        %parallel_loop3A_287 = vector.broadcast %parallel_loop3A_286 : i32 to vector<16xi32>
        %parallel_loop3A_288 = arith.addi %parallel_loop3A_207, %parallel_loop3A_287 : vector<16xi32>
        tpu.vector_store_idx %arg8[%parallel_loop3A_288], %parallel_loop3A_285 : memref<2048xf32, #tpu.memory_space<vmem>>[vector<16xi32>], vector<16xf32>,
        %parallel_loop3A_289 = arith.constant 16 : i32
        %parallel_loop3A_290 = arith.muli %parallel_loop3A_200, %parallel_loop3A_289 : i32
        %parallel_loop3A_291 = arith.constant 9 : i32
        %parallel_loop3A_292 = arith.index_cast %parallel_loop3A_291 : i32 to index
        %parallel_loop3A_293 = arith.index_cast %parallel_loop3A_290 : i32 to index
        %parallel_loop3A_294 = tpu.vector_load %arg4[%parallel_loop3A_292, %parallel_loop3A_293] {strides = array<i32>} : memref<16x128xf32, #tpu.memory_space<vmem>>, vector<16xf32>,
        %parallel_loop3A_295 = arith.constant 9 : i32
        %parallel_loop3A_296 = vector.broadcast %parallel_loop3A_295 : i32 to vector<16xi32>
        %parallel_loop3A_297 = arith.addi %parallel_loop3A_207, %parallel_loop3A_296 : vector<16xi32>
        tpu.vector_store_idx %arg8[%parallel_loop3A_297], %parallel_loop3A_294 : memref<2048xf32, #tpu.memory_space<vmem>>[vector<16xi32>], vector<16xf32>,
        %parallel_loop3A_298 = arith.constant 16 : i32
        %parallel_loop3A_299 = arith.muli %parallel_loop3A_200, %parallel_loop3A_298 : i32
        %parallel_loop3A_300 = arith.constant 10 : i32
        %parallel_loop3A_301 = arith.index_cast %parallel_loop3A_300 : i32 to index
        %parallel_loop3A_302 = arith.index_cast %parallel_loop3A_299 : i32 to index
        %parallel_loop3A_303 = tpu.vector_load %arg4[%parallel_loop3A_301, %parallel_loop3A_302] {strides = array<i32>} : memref<16x128xf32, #tpu.memory_space<vmem>>, vector<16xf32>,
        %parallel_loop3A_304 = arith.constant 10 : i32
        %parallel_loop3A_305 = vector.broadcast %parallel_loop3A_304 : i32 to vector<16xi32>
        %parallel_loop3A_306 = arith.addi %parallel_loop3A_207, %parallel_loop3A_305 : vector<16xi32>
        tpu.vector_store_idx %arg8[%parallel_loop3A_306], %parallel_loop3A_303 : memref<2048xf32, #tpu.memory_space<vmem>>[vector<16xi32>], vector<16xf32>,
        %parallel_loop3A_307 = arith.constant 16 : i32
        %parallel_loop3A_308 = arith.muli %parallel_loop3A_200, %parallel_loop3A_307 : i32
        %parallel_loop3A_309 = arith.constant 11 : i32
        %parallel_loop3A_310 = arith.index_cast %parallel_loop3A_309 : i32 to index
        %parallel_loop3A_311 = arith.index_cast %parallel_loop3A_308 : i32 to index
        %parallel_loop3A_312 = tpu.vector_load %arg4[%parallel_loop3A_310, %parallel_loop3A_311] {strides = array<i32>} : memref<16x128xf32, #tpu.memory_space<vmem>>, vector<16xf32>,
        %parallel_loop3A_313 = arith.constant 11 : i32
        %parallel_loop3A_314 = vector.broadcast %parallel_loop3A_313 : i32 to vector<16xi32>
        %parallel_loop3A_315 = arith.addi %parallel_loop3A_207, %parallel_loop3A_314 : vector<16xi32>
        tpu.vector_store_idx %arg8[%parallel_loop3A_315], %parallel_loop3A_312 : memref<2048xf32, #tpu.memory_space<vmem>>[vector<16xi32>], vector<16xf32>,
        %parallel_loop3A_316 = arith.constant 16 : i32
        %parallel_loop3A_317 = arith.muli %parallel_loop3A_200, %parallel_loop3A_316 : i32
        %parallel_loop3A_318 = arith.constant 12 : i32
        %parallel_loop3A_319 = arith.index_cast %parallel_loop3A_318 : i32 to index
        %parallel_loop3A_320 = arith.index_cast %parallel_loop3A_317 : i32 to index
        %parallel_loop3A_321 = tpu.vector_load %arg4[%parallel_loop3A_319, %parallel_loop3A_320] {strides = array<i32>} : memref<16x128xf32, #tpu.memory_space<vmem>>, vector<16xf32>,
        %parallel_loop3A_322 = arith.constant 12 : i32
        %parallel_loop3A_323 = vector.broadcast %parallel_loop3A_322 : i32 to vector<16xi32>
        %parallel_loop3A_324 = arith.addi %parallel_loop3A_207, %parallel_loop3A_323 : vector<16xi32>
        tpu.vector_store_idx %arg8[%parallel_loop3A_324], %parallel_loop3A_321 : memref<2048xf32, #tpu.memory_space<vmem>>[vector<16xi32>], vector<16xf32>,
        %parallel_loop3A_325 = arith.constant 16 : i32
        %parallel_loop3A_326 = arith.muli %parallel_loop3A_200, %parallel_loop3A_325 : i32
        %parallel_loop3A_327 = arith.constant 13 : i32
        %parallel_loop3A_328 = arith.index_cast %parallel_loop3A_327 : i32 to index
        %parallel_loop3A_329 = arith.index_cast %parallel_loop3A_326 : i32 to index
        %parallel_loop3A_330 = tpu.vector_load %arg4[%parallel_loop3A_328, %parallel_loop3A_329] {strides = array<i32>} : memref<16x128xf32, #tpu.memory_space<vmem>>, vector<16xf32>,
        %parallel_loop3A_331 = arith.constant 13 : i32
        %parallel_loop3A_332 = vector.broadcast %parallel_loop3A_331 : i32 to vector<16xi32>
        %parallel_loop3A_333 = arith.addi %parallel_loop3A_207, %parallel_loop3A_332 : vector<16xi32>
        tpu.vector_store_idx %arg8[%parallel_loop3A_333], %parallel_loop3A_330 : memref<2048xf32, #tpu.memory_space<vmem>>[vector<16xi32>], vector<16xf32>,
        %parallel_loop3A_334 = arith.constant 16 : i32
        %parallel_loop3A_335 = arith.muli %parallel_loop3A_200, %parallel_loop3A_334 : i32
        %parallel_loop3A_336 = arith.constant 14 : i32
        %parallel_loop3A_337 = arith.index_cast %parallel_loop3A_336 : i32 to index
        %parallel_loop3A_338 = arith.index_cast %parallel_loop3A_335 : i32 to index
        %parallel_loop3A_339 = tpu.vector_load %arg4[%parallel_loop3A_337, %parallel_loop3A_338] {strides = array<i32>} : memref<16x128xf32, #tpu.memory_space<vmem>>, vector<16xf32>,
        %parallel_loop3A_340 = arith.constant 14 : i32
        %parallel_loop3A_341 = vector.broadcast %parallel_loop3A_340 : i32 to vector<16xi32>
        %parallel_loop3A_342 = arith.addi %parallel_loop3A_207, %parallel_loop3A_341 : vector<16xi32>
        tpu.vector_store_idx %arg8[%parallel_loop3A_342], %parallel_loop3A_339 : memref<2048xf32, #tpu.memory_space<vmem>>[vector<16xi32>], vector<16xf32>,
        %parallel_loop3A_343 = arith.constant 16 : i32
        %parallel_loop3A_344 = arith.muli %parallel_loop3A_200, %parallel_loop3A_343 : i32
        %parallel_loop3A_345 = arith.constant 15 : i32
        %parallel_loop3A_346 = arith.index_cast %parallel_loop3A_345 : i32 to index
        %parallel_loop3A_347 = arith.index_cast %parallel_loop3A_344 : i32 to index
        %parallel_loop3A_348 = tpu.vector_load %arg4[%parallel_loop3A_346, %parallel_loop3A_347] {strides = array<i32>} : memref<16x128xf32, #tpu.memory_space<vmem>>, vector<16xf32>,
        %parallel_loop3A_349 = arith.constant 15 : i32
        %parallel_loop3A_350 = vector.broadcast %parallel_loop3A_349 : i32 to vector<16xi32>
        %parallel_loop3A_351 = arith.addi %parallel_loop3A_207, %parallel_loop3A_350 : vector<16xi32>
        tpu.vector_store_idx %arg8[%parallel_loop3A_351], %parallel_loop3A_348 : memref<2048xf32, #tpu.memory_space<vmem>>[vector<16xi32>], vector<16xf32>,
      } {sc.loop_unroll_factor = 4 : i64, sc.parallel_access}
      %mul3A_91 = arith.constant 32 : i32
      %mul3A_92 = arith.muli %mul3A_91, %add3A_68 : i32
      %add3A_93 = arith.addi %add3A, %mul3A_92 : i32
      %mul3A_94 = arith.constant 2048 : i32
      %mul3A_95 = arith.muli %add3A_93, %mul3A_94 : i32
      %dma_start3A_96 = tpu.memref_slice %arg3[%mul3A_95] : memref<16003072xf32, #tpu.memory_space<hbm>> -> memref<2048xf32, #tpu.memory_space<hbm>>
      %dma_start3A_97 = tpu.memref_slice %arg3[%mul3A_95] : memref<16003072xf32, #tpu.memory_space<hbm>> -> memref<2048xf32, #tpu.memory_space<hbm>>
      tpu.enqueue_dma source(%arg8 : memref<2048xf32, #tpu.memory_space<vmem>>) target(%dma_start3A_97 : memref<2048xf32, #tpu.memory_space<hbm>>) target_semaphore(%arg16 : memref<!tpu.dma_semaphore, #tpu.memory_space<semaphore_mem>>)
      %mul3A_98 = arith.constant 4 : i32
      %mul3A_99 = arith.muli %mul3A_98, %scan3A_64 : i32
      %add3A_100 = arith.constant 1 : i32
      %add3A_101 = arith.addi %mul3A_99, %add3A_100 : i32
      %add3A_102 = arith.constant 3 : i32
      %add3A_103 = arith.addi %add3A_101, %add3A_102 : i32
      %mul3A_104 = arith.constant 32 : i32
      %mul3A_105 = arith.muli %mul3A_104, %add3A_103 : i32
      %add3A_106 = arith.addi %add3A, %mul3A_105 : i32
      %lt3A_107 = arith.constant 7813 : i32
      %lt3A_108 = arith.cmpi slt, %add3A_106, %lt3A_107 : i32
      %convert_element_type3A_109 = arith.extui %lt3A_108 : i1 to i32
      %cond3A_110 = arith.constant 0 : i32
      %cond3A_111 = arith.cmpi ne, %convert_element_type3A_109, %cond3A_110 : i32
      scf.if %cond3A_111 {
        %add3A_200 = arith.constant 3 : i32
        %add3A_201 = arith.addi %add3A_101, %add3A_200 : i32
        %mul3A_202 = arith.constant 32 : i32
        %mul3A_203 = arith.muli %mul3A_202, %add3A_201 : i32
        %add3A_204 = arith.addi %add3A, %mul3A_203 : i32
        %mul3A_205 = arith.constant 128 : i32
        %mul3A_206 = arith.muli %add3A_204, %mul3A_205 : i32
        %dma_start3A_207 = arith.constant 0 : i32
        %dma_start3A_208 = tpu.memref_slice %arg2[%dma_start3A_207, %mul3A_206] : memref<16x1000000xf32, #tpu.memory_space<hbm>> -> memref<16x128xf32, #tpu.memory_space<hbm>>
        %dma_start3A_209 = arith.constant 0 : i32
        %dma_start3A_210 = tpu.memref_slice %arg2[%dma_start3A_209, %mul3A_206] : memref<16x1000000xf32, #tpu.memory_space<hbm>> -> memref<16x128xf32, #tpu.memory_space<hbm>>
        tpu.enqueue_dma source(%dma_start3A_210 : memref<16x128xf32, #tpu.memory_space<hbm>>) target(%arg4 : memref<16x128xf32, #tpu.memory_space<vmem>>) target_semaphore(%arg12 : memref<!tpu.dma_semaphore, #tpu.memory_space<semaphore_mem>>)
      } else {
      }
      %dma_wait3A_112 = arith.constant 0 : i32
      %dma_wait3A_113 = arith.constant 0 : i32
      %dma_wait3A_114 = tpu.memref_slice %arg2[%dma_wait3A_112, %dma_wait3A_113] : memref<16x1000000xf32, #tpu.memory_space<hbm>> -> memref<16x128xf32, #tpu.memory_space<hbm>>
      %dma_wait3A_115 = arith.constant 0 : i32
      %dma_wait3A_116 = arith.constant 0 : i32
      %dma_wait3A_117 = tpu.memref_slice %arg2[%dma_wait3A_115, %dma_wait3A_116] : memref<16x1000000xf32, #tpu.memory_space<hbm>> -> memref<16x128xf32, #tpu.memory_space<hbm>>
      tpu.wait_dma2 semaphore(%arg13 : memref<!tpu.dma_semaphore, #tpu.memory_space<semaphore_mem>>) src(%dma_wait3A_117 : memref<16x128xf32, #tpu.memory_space<hbm>>) dst(%arg5 : memref<16x128xf32, #tpu.memory_space<vmem>>)
      %dma_wait3A_118 = arith.constant 0 : i32
      %dma_wait3A_119 = tpu.memref_slice %arg3[%dma_wait3A_118] : memref<16003072xf32, #tpu.memory_space<hbm>> -> memref<2048xf32, #tpu.memory_space<hbm>>
      %dma_wait3A_120 = arith.constant 0 : i32
      %dma_wait3A_121 = tpu.memref_slice %arg3[%dma_wait3A_120] : memref<16003072xf32, #tpu.memory_space<hbm>> -> memref<2048xf32, #tpu.memory_space<hbm>>
      tpu.wait_dma2 semaphore(%arg17 : memref<!tpu.dma_semaphore, #tpu.memory_space<semaphore_mem>>) src(%arg9 : memref<2048xf32, #tpu.memory_space<vmem>>) dst(%dma_wait3A_121 : memref<2048xf32, #tpu.memory_space<hbm>>)
      %parallel_loop3A_122 = arith.constant 0 : i32
      %parallel_loop3A_123 = arith.constant 8 : i32
      %parallel_loop3A_124 = arith.constant 1 : i32
      scf.for %parallel_loop3A_200 = %parallel_loop3A_122 to %parallel_loop3A_123 step %parallel_loop3A_124  : i32 {
        %parallel_loop3A_201 = arith.constant 16 : i32
        %parallel_loop3A_202 = arith.muli %parallel_loop3A_200, %parallel_loop3A_201 : i32
        %parallel_loop3A_203 = vector.broadcast %parallel_loop3A_202 : i32 to vector<16xi32>
        %parallel_loop3A_204 = arith.addi %parallel_loop3A_203, %iota3A : vector<16xi32>
        %parallel_loop3A_205 = arith.constant 16 : i32
        %parallel_loop3A_206 = vector.broadcast %parallel_loop3A_205 : i32 to vector<16xi32>
        %parallel_loop3A_207 = arith.muli %parallel_loop3A_204, %parallel_loop3A_206 : vector<16xi32>
        %parallel_loop3A_208 = arith.constant 16 : i32
        %parallel_loop3A_209 = arith.muli %parallel_loop3A_200, %parallel_loop3A_208 : i32
        %parallel_loop3A_210 = arith.constant 0 : i32
        %parallel_loop3A_211 = arith.index_cast %parallel_loop3A_210 : i32 to index
        %parallel_loop3A_212 = arith.index_cast %parallel_loop3A_209 : i32 to index
        %parallel_loop3A_213 = tpu.vector_load %arg5[%parallel_loop3A_211, %parallel_loop3A_212] {strides = array<i32>} : memref<16x128xf32, #tpu.memory_space<vmem>>, vector<16xf32>,
        %parallel_loop3A_214 = arith.constant 0 : i32
        %parallel_loop3A_215 = vector.broadcast %parallel_loop3A_214 : i32 to vector<16xi32>
        %parallel_loop3A_216 = arith.addi %parallel_loop3A_207, %parallel_loop3A_215 : vector<16xi32>
        tpu.vector_store_idx %arg9[%parallel_loop3A_216], %parallel_loop3A_213 : memref<2048xf32, #tpu.memory_space<vmem>>[vector<16xi32>], vector<16xf32>,
        %parallel_loop3A_217 = arith.constant 16 : i32
        %parallel_loop3A_218 = arith.muli %parallel_loop3A_200, %parallel_loop3A_217 : i32
        %parallel_loop3A_219 = arith.constant 1 : i32
        %parallel_loop3A_220 = arith.index_cast %parallel_loop3A_219 : i32 to index
        %parallel_loop3A_221 = arith.index_cast %parallel_loop3A_218 : i32 to index
        %parallel_loop3A_222 = tpu.vector_load %arg5[%parallel_loop3A_220, %parallel_loop3A_221] {strides = array<i32>} : memref<16x128xf32, #tpu.memory_space<vmem>>, vector<16xf32>,
        %parallel_loop3A_223 = arith.constant 1 : i32
        %parallel_loop3A_224 = vector.broadcast %parallel_loop3A_223 : i32 to vector<16xi32>
        %parallel_loop3A_225 = arith.addi %parallel_loop3A_207, %parallel_loop3A_224 : vector<16xi32>
        tpu.vector_store_idx %arg9[%parallel_loop3A_225], %parallel_loop3A_222 : memref<2048xf32, #tpu.memory_space<vmem>>[vector<16xi32>], vector<16xf32>,
        %parallel_loop3A_226 = arith.constant 16 : i32
        %parallel_loop3A_227 = arith.muli %parallel_loop3A_200, %parallel_loop3A_226 : i32
        %parallel_loop3A_228 = arith.constant 2 : i32
        %parallel_loop3A_229 = arith.index_cast %parallel_loop3A_228 : i32 to index
        %parallel_loop3A_230 = arith.index_cast %parallel_loop3A_227 : i32 to index
        %parallel_loop3A_231 = tpu.vector_load %arg5[%parallel_loop3A_229, %parallel_loop3A_230] {strides = array<i32>} : memref<16x128xf32, #tpu.memory_space<vmem>>, vector<16xf32>,
        %parallel_loop3A_232 = arith.constant 2 : i32
        %parallel_loop3A_233 = vector.broadcast %parallel_loop3A_232 : i32 to vector<16xi32>
        %parallel_loop3A_234 = arith.addi %parallel_loop3A_207, %parallel_loop3A_233 : vector<16xi32>
        tpu.vector_store_idx %arg9[%parallel_loop3A_234], %parallel_loop3A_231 : memref<2048xf32, #tpu.memory_space<vmem>>[vector<16xi32>], vector<16xf32>,
        %parallel_loop3A_235 = arith.constant 16 : i32
        %parallel_loop3A_236 = arith.muli %parallel_loop3A_200, %parallel_loop3A_235 : i32
        %parallel_loop3A_237 = arith.constant 3 : i32
        %parallel_loop3A_238 = arith.index_cast %parallel_loop3A_237 : i32 to index
        %parallel_loop3A_239 = arith.index_cast %parallel_loop3A_236 : i32 to index
        %parallel_loop3A_240 = tpu.vector_load %arg5[%parallel_loop3A_238, %parallel_loop3A_239] {strides = array<i32>} : memref<16x128xf32, #tpu.memory_space<vmem>>, vector<16xf32>,
        %parallel_loop3A_241 = arith.constant 3 : i32
        %parallel_loop3A_242 = vector.broadcast %parallel_loop3A_241 : i32 to vector<16xi32>
        %parallel_loop3A_243 = arith.addi %parallel_loop3A_207, %parallel_loop3A_242 : vector<16xi32>
        tpu.vector_store_idx %arg9[%parallel_loop3A_243], %parallel_loop3A_240 : memref<2048xf32, #tpu.memory_space<vmem>>[vector<16xi32>], vector<16xf32>,
        %parallel_loop3A_244 = arith.constant 16 : i32
        %parallel_loop3A_245 = arith.muli %parallel_loop3A_200, %parallel_loop3A_244 : i32
        %parallel_loop3A_246 = arith.constant 4 : i32
        %parallel_loop3A_247 = arith.index_cast %parallel_loop3A_246 : i32 to index
        %parallel_loop3A_248 = arith.index_cast %parallel_loop3A_245 : i32 to index
        %parallel_loop3A_249 = tpu.vector_load %arg5[%parallel_loop3A_247, %parallel_loop3A_248] {strides = array<i32>} : memref<16x128xf32, #tpu.memory_space<vmem>>, vector<16xf32>,
        %parallel_loop3A_250 = arith.constant 4 : i32
        %parallel_loop3A_251 = vector.broadcast %parallel_loop3A_250 : i32 to vector<16xi32>
        %parallel_loop3A_252 = arith.addi %parallel_loop3A_207, %parallel_loop3A_251 : vector<16xi32>
        tpu.vector_store_idx %arg9[%parallel_loop3A_252], %parallel_loop3A_249 : memref<2048xf32, #tpu.memory_space<vmem>>[vector<16xi32>], vector<16xf32>,
        %parallel_loop3A_253 = arith.constant 16 : i32
        %parallel_loop3A_254 = arith.muli %parallel_loop3A_200, %parallel_loop3A_253 : i32
        %parallel_loop3A_255 = arith.constant 5 : i32
        %parallel_loop3A_256 = arith.index_cast %parallel_loop3A_255 : i32 to index
        %parallel_loop3A_257 = arith.index_cast %parallel_loop3A_254 : i32 to index
        %parallel_loop3A_258 = tpu.vector_load %arg5[%parallel_loop3A_256, %parallel_loop3A_257] {strides = array<i32>} : memref<16x128xf32, #tpu.memory_space<vmem>>, vector<16xf32>,
        %parallel_loop3A_259 = arith.constant 5 : i32
        %parallel_loop3A_260 = vector.broadcast %parallel_loop3A_259 : i32 to vector<16xi32>
        %parallel_loop3A_261 = arith.addi %parallel_loop3A_207, %parallel_loop3A_260 : vector<16xi32>
        tpu.vector_store_idx %arg9[%parallel_loop3A_261], %parallel_loop3A_258 : memref<2048xf32, #tpu.memory_space<vmem>>[vector<16xi32>], vector<16xf32>,
        %parallel_loop3A_262 = arith.constant 16 : i32
        %parallel_loop3A_263 = arith.muli %parallel_loop3A_200, %parallel_loop3A_262 : i32
        %parallel_loop3A_264 = arith.constant 6 : i32
        %parallel_loop3A_265 = arith.index_cast %parallel_loop3A_264 : i32 to index
        %parallel_loop3A_266 = arith.index_cast %parallel_loop3A_263 : i32 to index
        %parallel_loop3A_267 = tpu.vector_load %arg5[%parallel_loop3A_265, %parallel_loop3A_266] {strides = array<i32>} : memref<16x128xf32, #tpu.memory_space<vmem>>, vector<16xf32>,
        %parallel_loop3A_268 = arith.constant 6 : i32
        %parallel_loop3A_269 = vector.broadcast %parallel_loop3A_268 : i32 to vector<16xi32>
        %parallel_loop3A_270 = arith.addi %parallel_loop3A_207, %parallel_loop3A_269 : vector<16xi32>
        tpu.vector_store_idx %arg9[%parallel_loop3A_270], %parallel_loop3A_267 : memref<2048xf32, #tpu.memory_space<vmem>>[vector<16xi32>], vector<16xf32>,
        %parallel_loop3A_271 = arith.constant 16 : i32
        %parallel_loop3A_272 = arith.muli %parallel_loop3A_200, %parallel_loop3A_271 : i32
        %parallel_loop3A_273 = arith.constant 7 : i32
        %parallel_loop3A_274 = arith.index_cast %parallel_loop3A_273 : i32 to index
        %parallel_loop3A_275 = arith.index_cast %parallel_loop3A_272 : i32 to index
        %parallel_loop3A_276 = tpu.vector_load %arg5[%parallel_loop3A_274, %parallel_loop3A_275] {strides = array<i32>} : memref<16x128xf32, #tpu.memory_space<vmem>>, vector<16xf32>,
        %parallel_loop3A_277 = arith.constant 7 : i32
        %parallel_loop3A_278 = vector.broadcast %parallel_loop3A_277 : i32 to vector<16xi32>
        %parallel_loop3A_279 = arith.addi %parallel_loop3A_207, %parallel_loop3A_278 : vector<16xi32>
        tpu.vector_store_idx %arg9[%parallel_loop3A_279], %parallel_loop3A_276 : memref<2048xf32, #tpu.memory_space<vmem>>[vector<16xi32>], vector<16xf32>,
        %parallel_loop3A_280 = arith.constant 16 : i32
        %parallel_loop3A_281 = arith.muli %parallel_loop3A_200, %parallel_loop3A_280 : i32
        %parallel_loop3A_282 = arith.constant 8 : i32
        %parallel_loop3A_283 = arith.index_cast %parallel_loop3A_282 : i32 to index
        %parallel_loop3A_284 = arith.index_cast %parallel_loop3A_281 : i32 to index
        %parallel_loop3A_285 = tpu.vector_load %arg5[%parallel_loop3A_283, %parallel_loop3A_284] {strides = array<i32>} : memref<16x128xf32, #tpu.memory_space<vmem>>, vector<16xf32>,
        %parallel_loop3A_286 = arith.constant 8 : i32
        %parallel_loop3A_287 = vector.broadcast %parallel_loop3A_286 : i32 to vector<16xi32>
        %parallel_loop3A_288 = arith.addi %parallel_loop3A_207, %parallel_loop3A_287 : vector<16xi32>
        tpu.vector_store_idx %arg9[%parallel_loop3A_288], %parallel_loop3A_285 : memref<2048xf32, #tpu.memory_space<vmem>>[vector<16xi32>], vector<16xf32>,
        %parallel_loop3A_289 = arith.constant 16 : i32
        %parallel_loop3A_290 = arith.muli %parallel_loop3A_200, %parallel_loop3A_289 : i32
        %parallel_loop3A_291 = arith.constant 9 : i32
        %parallel_loop3A_292 = arith.index_cast %parallel_loop3A_291 : i32 to index
        %parallel_loop3A_293 = arith.index_cast %parallel_loop3A_290 : i32 to index
        %parallel_loop3A_294 = tpu.vector_load %arg5[%parallel_loop3A_292, %parallel_loop3A_293] {strides = array<i32>} : memref<16x128xf32, #tpu.memory_space<vmem>>, vector<16xf32>,
        %parallel_loop3A_295 = arith.constant 9 : i32
        %parallel_loop3A_296 = vector.broadcast %parallel_loop3A_295 : i32 to vector<16xi32>
        %parallel_loop3A_297 = arith.addi %parallel_loop3A_207, %parallel_loop3A_296 : vector<16xi32>
        tpu.vector_store_idx %arg9[%parallel_loop3A_297], %parallel_loop3A_294 : memref<2048xf32, #tpu.memory_space<vmem>>[vector<16xi32>], vector<16xf32>,
        %parallel_loop3A_298 = arith.constant 16 : i32
        %parallel_loop3A_299 = arith.muli %parallel_loop3A_200, %parallel_loop3A_298 : i32
        %parallel_loop3A_300 = arith.constant 10 : i32
        %parallel_loop3A_301 = arith.index_cast %parallel_loop3A_300 : i32 to index
        %parallel_loop3A_302 = arith.index_cast %parallel_loop3A_299 : i32 to index
        %parallel_loop3A_303 = tpu.vector_load %arg5[%parallel_loop3A_301, %parallel_loop3A_302] {strides = array<i32>} : memref<16x128xf32, #tpu.memory_space<vmem>>, vector<16xf32>,
        %parallel_loop3A_304 = arith.constant 10 : i32
        %parallel_loop3A_305 = vector.broadcast %parallel_loop3A_304 : i32 to vector<16xi32>
        %parallel_loop3A_306 = arith.addi %parallel_loop3A_207, %parallel_loop3A_305 : vector<16xi32>
        tpu.vector_store_idx %arg9[%parallel_loop3A_306], %parallel_loop3A_303 : memref<2048xf32, #tpu.memory_space<vmem>>[vector<16xi32>], vector<16xf32>,
        %parallel_loop3A_307 = arith.constant 16 : i32
        %parallel_loop3A_308 = arith.muli %parallel_loop3A_200, %parallel_loop3A_307 : i32
        %parallel_loop3A_309 = arith.constant 11 : i32
        %parallel_loop3A_310 = arith.index_cast %parallel_loop3A_309 : i32 to index
        %parallel_loop3A_311 = arith.index_cast %parallel_loop3A_308 : i32 to index
        %parallel_loop3A_312 = tpu.vector_load %arg5[%parallel_loop3A_310, %parallel_loop3A_311] {strides = array<i32>} : memref<16x128xf32, #tpu.memory_space<vmem>>, vector<16xf32>,
        %parallel_loop3A_313 = arith.constant 11 : i32
        %parallel_loop3A_314 = vector.broadcast %parallel_loop3A_313 : i32 to vector<16xi32>
        %parallel_loop3A_315 = arith.addi %parallel_loop3A_207, %parallel_loop3A_314 : vector<16xi32>
        tpu.vector_store_idx %arg9[%parallel_loop3A_315], %parallel_loop3A_312 : memref<2048xf32, #tpu.memory_space<vmem>>[vector<16xi32>], vector<16xf32>,
        %parallel_loop3A_316 = arith.constant 16 : i32
        %parallel_loop3A_317 = arith.muli %parallel_loop3A_200, %parallel_loop3A_316 : i32
        %parallel_loop3A_318 = arith.constant 12 : i32
        %parallel_loop3A_319 = arith.index_cast %parallel_loop3A_318 : i32 to index
        %parallel_loop3A_320 = arith.index_cast %parallel_loop3A_317 : i32 to index
        %parallel_loop3A_321 = tpu.vector_load %arg5[%parallel_loop3A_319, %parallel_loop3A_320] {strides = array<i32>} : memref<16x128xf32, #tpu.memory_space<vmem>>, vector<16xf32>,
        %parallel_loop3A_322 = arith.constant 12 : i32
        %parallel_loop3A_323 = vector.broadcast %parallel_loop3A_322 : i32 to vector<16xi32>
        %parallel_loop3A_324 = arith.addi %parallel_loop3A_207, %parallel_loop3A_323 : vector<16xi32>
        tpu.vector_store_idx %arg9[%parallel_loop3A_324], %parallel_loop3A_321 : memref<2048xf32, #tpu.memory_space<vmem>>[vector<16xi32>], vector<16xf32>,
        %parallel_loop3A_325 = arith.constant 16 : i32
        %parallel_loop3A_326 = arith.muli %parallel_loop3A_200, %parallel_loop3A_325 : i32
        %parallel_loop3A_327 = arith.constant 13 : i32
        %parallel_loop3A_328 = arith.index_cast %parallel_loop3A_327 : i32 to index
        %parallel_loop3A_329 = arith.index_cast %parallel_loop3A_326 : i32 to index
        %parallel_loop3A_330 = tpu.vector_load %arg5[%parallel_loop3A_328, %parallel_loop3A_329] {strides = array<i32>} : memref<16x128xf32, #tpu.memory_space<vmem>>, vector<16xf32>,
        %parallel_loop3A_331 = arith.constant 13 : i32
        %parallel_loop3A_332 = vector.broadcast %parallel_loop3A_331 : i32 to vector<16xi32>
        %parallel_loop3A_333 = arith.addi %parallel_loop3A_207, %parallel_loop3A_332 : vector<16xi32>
        tpu.vector_store_idx %arg9[%parallel_loop3A_333], %parallel_loop3A_330 : memref<2048xf32, #tpu.memory_space<vmem>>[vector<16xi32>], vector<16xf32>,
        %parallel_loop3A_334 = arith.constant 16 : i32
        %parallel_loop3A_335 = arith.muli %parallel_loop3A_200, %parallel_loop3A_334 : i32
        %parallel_loop3A_336 = arith.constant 14 : i32
        %parallel_loop3A_337 = arith.index_cast %parallel_loop3A_336 : i32 to index
        %parallel_loop3A_338 = arith.index_cast %parallel_loop3A_335 : i32 to index
        %parallel_loop3A_339 = tpu.vector_load %arg5[%parallel_loop3A_337, %parallel_loop3A_338] {strides = array<i32>} : memref<16x128xf32, #tpu.memory_space<vmem>>, vector<16xf32>,
        %parallel_loop3A_340 = arith.constant 14 : i32
        %parallel_loop3A_341 = vector.broadcast %parallel_loop3A_340 : i32 to vector<16xi32>
        %parallel_loop3A_342 = arith.addi %parallel_loop3A_207, %parallel_loop3A_341 : vector<16xi32>
        tpu.vector_store_idx %arg9[%parallel_loop3A_342], %parallel_loop3A_339 : memref<2048xf32, #tpu.memory_space<vmem>>[vector<16xi32>], vector<16xf32>,
        %parallel_loop3A_343 = arith.constant 16 : i32
        %parallel_loop3A_344 = arith.muli %parallel_loop3A_200, %parallel_loop3A_343 : i32
        %parallel_loop3A_345 = arith.constant 15 : i32
        %parallel_loop3A_346 = arith.index_cast %parallel_loop3A_345 : i32 to index
        %parallel_loop3A_347 = arith.index_cast %parallel_loop3A_344 : i32 to index
        %parallel_loop3A_348 = tpu.vector_load %arg5[%parallel_loop3A_346, %parallel_loop3A_347] {strides = array<i32>} : memref<16x128xf32, #tpu.memory_space<vmem>>, vector<16xf32>,
        %parallel_loop3A_349 = arith.constant 15 : i32
        %parallel_loop3A_350 = vector.broadcast %parallel_loop3A_349 : i32 to vector<16xi32>
        %parallel_loop3A_351 = arith.addi %parallel_loop3A_207, %parallel_loop3A_350 : vector<16xi32>
        tpu.vector_store_idx %arg9[%parallel_loop3A_351], %parallel_loop3A_348 : memref<2048xf32, #tpu.memory_space<vmem>>[vector<16xi32>], vector<16xf32>,
      } {sc.loop_unroll_factor = 4 : i64, sc.parallel_access}
      %mul3A_125 = arith.constant 32 : i32
      %mul3A_126 = arith.muli %mul3A_125, %add3A_101 : i32
      %add3A_127 = arith.addi %add3A, %mul3A_126 : i32
      %mul3A_128 = arith.constant 2048 : i32
      %mul3A_129 = arith.muli %add3A_127, %mul3A_128 : i32
      %dma_start3A_130 = tpu.memref_slice %arg3[%mul3A_129] : memref<16003072xf32, #tpu.memory_space<hbm>> -> memref<2048xf32, #tpu.memory_space<hbm>>
      %dma_start3A_131 = tpu.memref_slice %arg3[%mul3A_129] : memref<16003072xf32, #tpu.memory_space<hbm>> -> memref<2048xf32, #tpu.memory_space<hbm>>
      tpu.enqueue_dma source(%arg9 : memref<2048xf32, #tpu.memory_space<vmem>>) target(%dma_start3A_131 : memref<2048xf32, #tpu.memory_space<hbm>>) target_semaphore(%arg17 : memref<!tpu.dma_semaphore, #tpu.memory_space<semaphore_mem>>)
      %mul3A_132 = arith.constant 4 : i32
      %mul3A_133 = arith.muli %mul3A_132, %scan3A_64 : i32
      %add3A_134 = arith.constant 2 : i32
      %add3A_135 = arith.addi %mul3A_133, %add3A_134 : i32
      %add3A_136 = arith.constant 3 : i32
      %add3A_137 = arith.addi %add3A_135, %add3A_136 : i32
      %mul3A_138 = arith.constant 32 : i32
      %mul3A_139 = arith.muli %mul3A_138, %add3A_137 : i32
      %add3A_140 = arith.addi %add3A, %mul3A_139 : i32
      %lt3A_141 = arith.constant 7813 : i32
      %lt3A_142 = arith.cmpi slt, %add3A_140, %lt3A_141 : i32
      %convert_element_type3A_143 = arith.extui %lt3A_142 : i1 to i32
      %cond3A_144 = arith.constant 0 : i32
      %cond3A_145 = arith.cmpi ne, %convert_element_type3A_143, %cond3A_144 : i32
      scf.if %cond3A_145 {
        %add3A_200 = arith.constant 3 : i32
        %add3A_201 = arith.addi %add3A_135, %add3A_200 : i32
        %mul3A_202 = arith.constant 32 : i32
        %mul3A_203 = arith.muli %mul3A_202, %add3A_201 : i32
        %add3A_204 = arith.addi %add3A, %mul3A_203 : i32
        %mul3A_205 = arith.constant 128 : i32
        %mul3A_206 = arith.muli %add3A_204, %mul3A_205 : i32
        %dma_start3A_207 = arith.constant 0 : i32
        %dma_start3A_208 = tpu.memref_slice %arg2[%dma_start3A_207, %mul3A_206] : memref<16x1000000xf32, #tpu.memory_space<hbm>> -> memref<16x128xf32, #tpu.memory_space<hbm>>
        %dma_start3A_209 = arith.constant 0 : i32
        %dma_start3A_210 = tpu.memref_slice %arg2[%dma_start3A_209, %mul3A_206] : memref<16x1000000xf32, #tpu.memory_space<hbm>> -> memref<16x128xf32, #tpu.memory_space<hbm>>
        tpu.enqueue_dma source(%dma_start3A_210 : memref<16x128xf32, #tpu.memory_space<hbm>>) target(%arg5 : memref<16x128xf32, #tpu.memory_space<vmem>>) target_semaphore(%arg13 : memref<!tpu.dma_semaphore, #tpu.memory_space<semaphore_mem>>)
      } else {
      }
      %dma_wait3A_146 = arith.constant 0 : i32
      %dma_wait3A_147 = arith.constant 0 : i32
      %dma_wait3A_148 = tpu.memref_slice %arg2[%dma_wait3A_146, %dma_wait3A_147] : memref<16x1000000xf32, #tpu.memory_space<hbm>> -> memref<16x128xf32, #tpu.memory_space<hbm>>
      %dma_wait3A_149 = arith.constant 0 : i32
      %dma_wait3A_150 = arith.constant 0 : i32
      %dma_wait3A_151 = tpu.memref_slice %arg2[%dma_wait3A_149, %dma_wait3A_150] : memref<16x1000000xf32, #tpu.memory_space<hbm>> -> memref<16x128xf32, #tpu.memory_space<hbm>>
      tpu.wait_dma2 semaphore(%arg14 : memref<!tpu.dma_semaphore, #tpu.memory_space<semaphore_mem>>) src(%dma_wait3A_151 : memref<16x128xf32, #tpu.memory_space<hbm>>) dst(%arg6 : memref<16x128xf32, #tpu.memory_space<vmem>>)
      %dma_wait3A_152 = arith.constant 0 : i32
      %dma_wait3A_153 = tpu.memref_slice %arg3[%dma_wait3A_152] : memref<16003072xf32, #tpu.memory_space<hbm>> -> memref<2048xf32, #tpu.memory_space<hbm>>
      %dma_wait3A_154 = arith.constant 0 : i32
      %dma_wait3A_155 = tpu.memref_slice %arg3[%dma_wait3A_154] : memref<16003072xf32, #tpu.memory_space<hbm>> -> memref<2048xf32, #tpu.memory_space<hbm>>
      tpu.wait_dma2 semaphore(%arg18 : memref<!tpu.dma_semaphore, #tpu.memory_space<semaphore_mem>>) src(%arg10 : memref<2048xf32, #tpu.memory_space<vmem>>) dst(%dma_wait3A_155 : memref<2048xf32, #tpu.memory_space<hbm>>)
      %parallel_loop3A_156 = arith.constant 0 : i32
      %parallel_loop3A_157 = arith.constant 8 : i32
      %parallel_loop3A_158 = arith.constant 1 : i32
      scf.for %parallel_loop3A_200 = %parallel_loop3A_156 to %parallel_loop3A_157 step %parallel_loop3A_158  : i32 {
        %parallel_loop3A_201 = arith.constant 16 : i32
        %parallel_loop3A_202 = arith.muli %parallel_loop3A_200, %parallel_loop3A_201 : i32
        %parallel_loop3A_203 = vector.broadcast %parallel_loop3A_202 : i32 to vector<16xi32>
        %parallel_loop3A_204 = arith.addi %parallel_loop3A_203, %iota3A : vector<16xi32>
        %parallel_loop3A_205 = arith.constant 16 : i32
        %parallel_loop3A_206 = vector.broadcast %parallel_loop3A_205 : i32 to vector<16xi32>
        %parallel_loop3A_207 = arith.muli %parallel_loop3A_204, %parallel_loop3A_206 : vector<16xi32>
        %parallel_loop3A_208 = arith.constant 16 : i32
        %parallel_loop3A_209 = arith.muli %parallel_loop3A_200, %parallel_loop3A_208 : i32
        %parallel_loop3A_210 = arith.constant 0 : i32
        %parallel_loop3A_211 = arith.index_cast %parallel_loop3A_210 : i32 to index
        %parallel_loop3A_212 = arith.index_cast %parallel_loop3A_209 : i32 to index
        %parallel_loop3A_213 = tpu.vector_load %arg6[%parallel_loop3A_211, %parallel_loop3A_212] {strides = array<i32>} : memref<16x128xf32, #tpu.memory_space<vmem>>, vector<16xf32>,
        %parallel_loop3A_214 = arith.constant 0 : i32
        %parallel_loop3A_215 = vector.broadcast %parallel_loop3A_214 : i32 to vector<16xi32>
        %parallel_loop3A_216 = arith.addi %parallel_loop3A_207, %parallel_loop3A_215 : vector<16xi32>
        tpu.vector_store_idx %arg10[%parallel_loop3A_216], %parallel_loop3A_213 : memref<2048xf32, #tpu.memory_space<vmem>>[vector<16xi32>], vector<16xf32>,
        %parallel_loop3A_217 = arith.constant 16 : i32
        %parallel_loop3A_218 = arith.muli %parallel_loop3A_200, %parallel_loop3A_217 : i32
        %parallel_loop3A_219 = arith.constant 1 : i32
        %parallel_loop3A_220 = arith.index_cast %parallel_loop3A_219 : i32 to index
        %parallel_loop3A_221 = arith.index_cast %parallel_loop3A_218 : i32 to index
        %parallel_loop3A_222 = tpu.vector_load %arg6[%parallel_loop3A_220, %parallel_loop3A_221] {strides = array<i32>} : memref<16x128xf32, #tpu.memory_space<vmem>>, vector<16xf32>,
        %parallel_loop3A_223 = arith.constant 1 : i32
        %parallel_loop3A_224 = vector.broadcast %parallel_loop3A_223 : i32 to vector<16xi32>
        %parallel_loop3A_225 = arith.addi %parallel_loop3A_207, %parallel_loop3A_224 : vector<16xi32>
        tpu.vector_store_idx %arg10[%parallel_loop3A_225], %parallel_loop3A_222 : memref<2048xf32, #tpu.memory_space<vmem>>[vector<16xi32>], vector<16xf32>,
        %parallel_loop3A_226 = arith.constant 16 : i32
        %parallel_loop3A_227 = arith.muli %parallel_loop3A_200, %parallel_loop3A_226 : i32
        %parallel_loop3A_228 = arith.constant 2 : i32
        %parallel_loop3A_229 = arith.index_cast %parallel_loop3A_228 : i32 to index
        %parallel_loop3A_230 = arith.index_cast %parallel_loop3A_227 : i32 to index
        %parallel_loop3A_231 = tpu.vector_load %arg6[%parallel_loop3A_229, %parallel_loop3A_230] {strides = array<i32>} : memref<16x128xf32, #tpu.memory_space<vmem>>, vector<16xf32>,
        %parallel_loop3A_232 = arith.constant 2 : i32
        %parallel_loop3A_233 = vector.broadcast %parallel_loop3A_232 : i32 to vector<16xi32>
        %parallel_loop3A_234 = arith.addi %parallel_loop3A_207, %parallel_loop3A_233 : vector<16xi32>
        tpu.vector_store_idx %arg10[%parallel_loop3A_234], %parallel_loop3A_231 : memref<2048xf32, #tpu.memory_space<vmem>>[vector<16xi32>], vector<16xf32>,
        %parallel_loop3A_235 = arith.constant 16 : i32
        %parallel_loop3A_236 = arith.muli %parallel_loop3A_200, %parallel_loop3A_235 : i32
        %parallel_loop3A_237 = arith.constant 3 : i32
        %parallel_loop3A_238 = arith.index_cast %parallel_loop3A_237 : i32 to index
        %parallel_loop3A_239 = arith.index_cast %parallel_loop3A_236 : i32 to index
        %parallel_loop3A_240 = tpu.vector_load %arg6[%parallel_loop3A_238, %parallel_loop3A_239] {strides = array<i32>} : memref<16x128xf32, #tpu.memory_space<vmem>>, vector<16xf32>,
        %parallel_loop3A_241 = arith.constant 3 : i32
        %parallel_loop3A_242 = vector.broadcast %parallel_loop3A_241 : i32 to vector<16xi32>
        %parallel_loop3A_243 = arith.addi %parallel_loop3A_207, %parallel_loop3A_242 : vector<16xi32>
        tpu.vector_store_idx %arg10[%parallel_loop3A_243], %parallel_loop3A_240 : memref<2048xf32, #tpu.memory_space<vmem>>[vector<16xi32>], vector<16xf32>,
        %parallel_loop3A_244 = arith.constant 16 : i32
        %parallel_loop3A_245 = arith.muli %parallel_loop3A_200, %parallel_loop3A_244 : i32
        %parallel_loop3A_246 = arith.constant 4 : i32
        %parallel_loop3A_247 = arith.index_cast %parallel_loop3A_246 : i32 to index
        %parallel_loop3A_248 = arith.index_cast %parallel_loop3A_245 : i32 to index
        %parallel_loop3A_249 = tpu.vector_load %arg6[%parallel_loop3A_247, %parallel_loop3A_248] {strides = array<i32>} : memref<16x128xf32, #tpu.memory_space<vmem>>, vector<16xf32>,
        %parallel_loop3A_250 = arith.constant 4 : i32
        %parallel_loop3A_251 = vector.broadcast %parallel_loop3A_250 : i32 to vector<16xi32>
        %parallel_loop3A_252 = arith.addi %parallel_loop3A_207, %parallel_loop3A_251 : vector<16xi32>
        tpu.vector_store_idx %arg10[%parallel_loop3A_252], %parallel_loop3A_249 : memref<2048xf32, #tpu.memory_space<vmem>>[vector<16xi32>], vector<16xf32>,
        %parallel_loop3A_253 = arith.constant 16 : i32
        %parallel_loop3A_254 = arith.muli %parallel_loop3A_200, %parallel_loop3A_253 : i32
        %parallel_loop3A_255 = arith.constant 5 : i32
        %parallel_loop3A_256 = arith.index_cast %parallel_loop3A_255 : i32 to index
        %parallel_loop3A_257 = arith.index_cast %parallel_loop3A_254 : i32 to index
        %parallel_loop3A_258 = tpu.vector_load %arg6[%parallel_loop3A_256, %parallel_loop3A_257] {strides = array<i32>} : memref<16x128xf32, #tpu.memory_space<vmem>>, vector<16xf32>,
        %parallel_loop3A_259 = arith.constant 5 : i32
        %parallel_loop3A_260 = vector.broadcast %parallel_loop3A_259 : i32 to vector<16xi32>
        %parallel_loop3A_261 = arith.addi %parallel_loop3A_207, %parallel_loop3A_260 : vector<16xi32>
        tpu.vector_store_idx %arg10[%parallel_loop3A_261], %parallel_loop3A_258 : memref<2048xf32, #tpu.memory_space<vmem>>[vector<16xi32>], vector<16xf32>,
        %parallel_loop3A_262 = arith.constant 16 : i32
        %parallel_loop3A_263 = arith.muli %parallel_loop3A_200, %parallel_loop3A_262 : i32
        %parallel_loop3A_264 = arith.constant 6 : i32
        %parallel_loop3A_265 = arith.index_cast %parallel_loop3A_264 : i32 to index
        %parallel_loop3A_266 = arith.index_cast %parallel_loop3A_263 : i32 to index
        %parallel_loop3A_267 = tpu.vector_load %arg6[%parallel_loop3A_265, %parallel_loop3A_266] {strides = array<i32>} : memref<16x128xf32, #tpu.memory_space<vmem>>, vector<16xf32>,
        %parallel_loop3A_268 = arith.constant 6 : i32
        %parallel_loop3A_269 = vector.broadcast %parallel_loop3A_268 : i32 to vector<16xi32>
        %parallel_loop3A_270 = arith.addi %parallel_loop3A_207, %parallel_loop3A_269 : vector<16xi32>
        tpu.vector_store_idx %arg10[%parallel_loop3A_270], %parallel_loop3A_267 : memref<2048xf32, #tpu.memory_space<vmem>>[vector<16xi32>], vector<16xf32>,
        %parallel_loop3A_271 = arith.constant 16 : i32
        %parallel_loop3A_272 = arith.muli %parallel_loop3A_200, %parallel_loop3A_271 : i32
        %parallel_loop3A_273 = arith.constant 7 : i32
        %parallel_loop3A_274 = arith.index_cast %parallel_loop3A_273 : i32 to index
        %parallel_loop3A_275 = arith.index_cast %parallel_loop3A_272 : i32 to index
        %parallel_loop3A_276 = tpu.vector_load %arg6[%parallel_loop3A_274, %parallel_loop3A_275] {strides = array<i32>} : memref<16x128xf32, #tpu.memory_space<vmem>>, vector<16xf32>,
        %parallel_loop3A_277 = arith.constant 7 : i32
        %parallel_loop3A_278 = vector.broadcast %parallel_loop3A_277 : i32 to vector<16xi32>
        %parallel_loop3A_279 = arith.addi %parallel_loop3A_207, %parallel_loop3A_278 : vector<16xi32>
        tpu.vector_store_idx %arg10[%parallel_loop3A_279], %parallel_loop3A_276 : memref<2048xf32, #tpu.memory_space<vmem>>[vector<16xi32>], vector<16xf32>,
        %parallel_loop3A_280 = arith.constant 16 : i32
        %parallel_loop3A_281 = arith.muli %parallel_loop3A_200, %parallel_loop3A_280 : i32
        %parallel_loop3A_282 = arith.constant 8 : i32
        %parallel_loop3A_283 = arith.index_cast %parallel_loop3A_282 : i32 to index
        %parallel_loop3A_284 = arith.index_cast %parallel_loop3A_281 : i32 to index
        %parallel_loop3A_285 = tpu.vector_load %arg6[%parallel_loop3A_283, %parallel_loop3A_284] {strides = array<i32>} : memref<16x128xf32, #tpu.memory_space<vmem>>, vector<16xf32>,
        %parallel_loop3A_286 = arith.constant 8 : i32
        %parallel_loop3A_287 = vector.broadcast %parallel_loop3A_286 : i32 to vector<16xi32>
        %parallel_loop3A_288 = arith.addi %parallel_loop3A_207, %parallel_loop3A_287 : vector<16xi32>
        tpu.vector_store_idx %arg10[%parallel_loop3A_288], %parallel_loop3A_285 : memref<2048xf32, #tpu.memory_space<vmem>>[vector<16xi32>], vector<16xf32>,
        %parallel_loop3A_289 = arith.constant 16 : i32
        %parallel_loop3A_290 = arith.muli %parallel_loop3A_200, %parallel_loop3A_289 : i32
        %parallel_loop3A_291 = arith.constant 9 : i32
        %parallel_loop3A_292 = arith.index_cast %parallel_loop3A_291 : i32 to index
        %parallel_loop3A_293 = arith.index_cast %parallel_loop3A_290 : i32 to index
        %parallel_loop3A_294 = tpu.vector_load %arg6[%parallel_loop3A_292, %parallel_loop3A_293] {strides = array<i32>} : memref<16x128xf32, #tpu.memory_space<vmem>>, vector<16xf32>,
        %parallel_loop3A_295 = arith.constant 9 : i32
        %parallel_loop3A_296 = vector.broadcast %parallel_loop3A_295 : i32 to vector<16xi32>
        %parallel_loop3A_297 = arith.addi %parallel_loop3A_207, %parallel_loop3A_296 : vector<16xi32>
        tpu.vector_store_idx %arg10[%parallel_loop3A_297], %parallel_loop3A_294 : memref<2048xf32, #tpu.memory_space<vmem>>[vector<16xi32>], vector<16xf32>,
        %parallel_loop3A_298 = arith.constant 16 : i32
        %parallel_loop3A_299 = arith.muli %parallel_loop3A_200, %parallel_loop3A_298 : i32
        %parallel_loop3A_300 = arith.constant 10 : i32
        %parallel_loop3A_301 = arith.index_cast %parallel_loop3A_300 : i32 to index
        %parallel_loop3A_302 = arith.index_cast %parallel_loop3A_299 : i32 to index
        %parallel_loop3A_303 = tpu.vector_load %arg6[%parallel_loop3A_301, %parallel_loop3A_302] {strides = array<i32>} : memref<16x128xf32, #tpu.memory_space<vmem>>, vector<16xf32>,
        %parallel_loop3A_304 = arith.constant 10 : i32
        %parallel_loop3A_305 = vector.broadcast %parallel_loop3A_304 : i32 to vector<16xi32>
        %parallel_loop3A_306 = arith.addi %parallel_loop3A_207, %parallel_loop3A_305 : vector<16xi32>
        tpu.vector_store_idx %arg10[%parallel_loop3A_306], %parallel_loop3A_303 : memref<2048xf32, #tpu.memory_space<vmem>>[vector<16xi32>], vector<16xf32>,
        %parallel_loop3A_307 = arith.constant 16 : i32
        %parallel_loop3A_308 = arith.muli %parallel_loop3A_200, %parallel_loop3A_307 : i32
        %parallel_loop3A_309 = arith.constant 11 : i32
        %parallel_loop3A_310 = arith.index_cast %parallel_loop3A_309 : i32 to index
        %parallel_loop3A_311 = arith.index_cast %parallel_loop3A_308 : i32 to index
        %parallel_loop3A_312 = tpu.vector_load %arg6[%parallel_loop3A_310, %parallel_loop3A_311] {strides = array<i32>} : memref<16x128xf32, #tpu.memory_space<vmem>>, vector<16xf32>,
        %parallel_loop3A_313 = arith.constant 11 : i32
        %parallel_loop3A_314 = vector.broadcast %parallel_loop3A_313 : i32 to vector<16xi32>
        %parallel_loop3A_315 = arith.addi %parallel_loop3A_207, %parallel_loop3A_314 : vector<16xi32>
        tpu.vector_store_idx %arg10[%parallel_loop3A_315], %parallel_loop3A_312 : memref<2048xf32, #tpu.memory_space<vmem>>[vector<16xi32>], vector<16xf32>,
        %parallel_loop3A_316 = arith.constant 16 : i32
        %parallel_loop3A_317 = arith.muli %parallel_loop3A_200, %parallel_loop3A_316 : i32
        %parallel_loop3A_318 = arith.constant 12 : i32
        %parallel_loop3A_319 = arith.index_cast %parallel_loop3A_318 : i32 to index
        %parallel_loop3A_320 = arith.index_cast %parallel_loop3A_317 : i32 to index
        %parallel_loop3A_321 = tpu.vector_load %arg6[%parallel_loop3A_319, %parallel_loop3A_320] {strides = array<i32>} : memref<16x128xf32, #tpu.memory_space<vmem>>, vector<16xf32>,
        %parallel_loop3A_322 = arith.constant 12 : i32
        %parallel_loop3A_323 = vector.broadcast %parallel_loop3A_322 : i32 to vector<16xi32>
        %parallel_loop3A_324 = arith.addi %parallel_loop3A_207, %parallel_loop3A_323 : vector<16xi32>
        tpu.vector_store_idx %arg10[%parallel_loop3A_324], %parallel_loop3A_321 : memref<2048xf32, #tpu.memory_space<vmem>>[vector<16xi32>], vector<16xf32>,
        %parallel_loop3A_325 = arith.constant 16 : i32
        %parallel_loop3A_326 = arith.muli %parallel_loop3A_200, %parallel_loop3A_325 : i32
        %parallel_loop3A_327 = arith.constant 13 : i32
        %parallel_loop3A_328 = arith.index_cast %parallel_loop3A_327 : i32 to index
        %parallel_loop3A_329 = arith.index_cast %parallel_loop3A_326 : i32 to index
        %parallel_loop3A_330 = tpu.vector_load %arg6[%parallel_loop3A_328, %parallel_loop3A_329] {strides = array<i32>} : memref<16x128xf32, #tpu.memory_space<vmem>>, vector<16xf32>,
        %parallel_loop3A_331 = arith.constant 13 : i32
        %parallel_loop3A_332 = vector.broadcast %parallel_loop3A_331 : i32 to vector<16xi32>
        %parallel_loop3A_333 = arith.addi %parallel_loop3A_207, %parallel_loop3A_332 : vector<16xi32>
        tpu.vector_store_idx %arg10[%parallel_loop3A_333], %parallel_loop3A_330 : memref<2048xf32, #tpu.memory_space<vmem>>[vector<16xi32>], vector<16xf32>,
        %parallel_loop3A_334 = arith.constant 16 : i32
        %parallel_loop3A_335 = arith.muli %parallel_loop3A_200, %parallel_loop3A_334 : i32
        %parallel_loop3A_336 = arith.constant 14 : i32
        %parallel_loop3A_337 = arith.index_cast %parallel_loop3A_336 : i32 to index
        %parallel_loop3A_338 = arith.index_cast %parallel_loop3A_335 : i32 to index
        %parallel_loop3A_339 = tpu.vector_load %arg6[%parallel_loop3A_337, %parallel_loop3A_338] {strides = array<i32>} : memref<16x128xf32, #tpu.memory_space<vmem>>, vector<16xf32>,
        %parallel_loop3A_340 = arith.constant 14 : i32
        %parallel_loop3A_341 = vector.broadcast %parallel_loop3A_340 : i32 to vector<16xi32>
        %parallel_loop3A_342 = arith.addi %parallel_loop3A_207, %parallel_loop3A_341 : vector<16xi32>
        tpu.vector_store_idx %arg10[%parallel_loop3A_342], %parallel_loop3A_339 : memref<2048xf32, #tpu.memory_space<vmem>>[vector<16xi32>], vector<16xf32>,
        %parallel_loop3A_343 = arith.constant 16 : i32
        %parallel_loop3A_344 = arith.muli %parallel_loop3A_200, %parallel_loop3A_343 : i32
        %parallel_loop3A_345 = arith.constant 15 : i32
        %parallel_loop3A_346 = arith.index_cast %parallel_loop3A_345 : i32 to index
        %parallel_loop3A_347 = arith.index_cast %parallel_loop3A_344 : i32 to index
        %parallel_loop3A_348 = tpu.vector_load %arg6[%parallel_loop3A_346, %parallel_loop3A_347] {strides = array<i32>} : memref<16x128xf32, #tpu.memory_space<vmem>>, vector<16xf32>,
        %parallel_loop3A_349 = arith.constant 15 : i32
        %parallel_loop3A_350 = vector.broadcast %parallel_loop3A_349 : i32 to vector<16xi32>
        %parallel_loop3A_351 = arith.addi %parallel_loop3A_207, %parallel_loop3A_350 : vector<16xi32>
        tpu.vector_store_idx %arg10[%parallel_loop3A_351], %parallel_loop3A_348 : memref<2048xf32, #tpu.memory_space<vmem>>[vector<16xi32>], vector<16xf32>,
      } {sc.loop_unroll_factor = 4 : i64, sc.parallel_access}
      %mul3A_159 = arith.constant 32 : i32
      %mul3A_160 = arith.muli %mul3A_159, %add3A_135 : i32
      %add3A_161 = arith.addi %add3A, %mul3A_160 : i32
      %mul3A_162 = arith.constant 2048 : i32
      %mul3A_163 = arith.muli %add3A_161, %mul3A_162 : i32
      %dma_start3A_164 = tpu.memref_slice %arg3[%mul3A_163] : memref<16003072xf32, #tpu.memory_space<hbm>> -> memref<2048xf32, #tpu.memory_space<hbm>>
      %dma_start3A_165 = tpu.memref_slice %arg3[%mul3A_163] : memref<16003072xf32, #tpu.memory_space<hbm>> -> memref<2048xf32, #tpu.memory_space<hbm>>
      tpu.enqueue_dma source(%arg10 : memref<2048xf32, #tpu.memory_space<vmem>>) target(%dma_start3A_165 : memref<2048xf32, #tpu.memory_space<hbm>>) target_semaphore(%arg18 : memref<!tpu.dma_semaphore, #tpu.memory_space<semaphore_mem>>)
      %mul3A_166 = arith.constant 4 : i32
      %mul3A_167 = arith.muli %mul3A_166, %scan3A_64 : i32
      %add3A_168 = arith.constant 3 : i32
      %add3A_169 = arith.addi %mul3A_167, %add3A_168 : i32
      %add3A_170 = arith.constant 3 : i32
      %add3A_171 = arith.addi %add3A_169, %add3A_170 : i32
      %mul3A_172 = arith.constant 32 : i32
      %mul3A_173 = arith.muli %mul3A_172, %add3A_171 : i32
      %add3A_174 = arith.addi %add3A, %mul3A_173 : i32
      %lt3A_175 = arith.constant 7813 : i32
      %lt3A_176 = arith.cmpi slt, %add3A_174, %lt3A_175 : i32
      %convert_element_type3A_177 = arith.extui %lt3A_176 : i1 to i32
      %cond3A_178 = arith.constant 0 : i32
      %cond3A_179 = arith.cmpi ne, %convert_element_type3A_177, %cond3A_178 : i32
      scf.if %cond3A_179 {
        %add3A_200 = arith.constant 3 : i32
        %add3A_201 = arith.addi %add3A_169, %add3A_200 : i32
        %mul3A_202 = arith.constant 32 : i32
        %mul3A_203 = arith.muli %mul3A_202, %add3A_201 : i32
        %add3A_204 = arith.addi %add3A, %mul3A_203 : i32
        %mul3A_205 = arith.constant 128 : i32
        %mul3A_206 = arith.muli %add3A_204, %mul3A_205 : i32
        %dma_start3A_207 = arith.constant 0 : i32
        %dma_start3A_208 = tpu.memref_slice %arg2[%dma_start3A_207, %mul3A_206] : memref<16x1000000xf32, #tpu.memory_space<hbm>> -> memref<16x128xf32, #tpu.memory_space<hbm>>
        %dma_start3A_209 = arith.constant 0 : i32
        %dma_start3A_210 = tpu.memref_slice %arg2[%dma_start3A_209, %mul3A_206] : memref<16x1000000xf32, #tpu.memory_space<hbm>> -> memref<16x128xf32, #tpu.memory_space<hbm>>
        tpu.enqueue_dma source(%dma_start3A_210 : memref<16x128xf32, #tpu.memory_space<hbm>>) target(%arg6 : memref<16x128xf32, #tpu.memory_space<vmem>>) target_semaphore(%arg14 : memref<!tpu.dma_semaphore, #tpu.memory_space<semaphore_mem>>)
      } else {
      }
      %dma_wait3A_180 = arith.constant 0 : i32
      %dma_wait3A_181 = arith.constant 0 : i32
      %dma_wait3A_182 = tpu.memref_slice %arg2[%dma_wait3A_180, %dma_wait3A_181] : memref<16x1000000xf32, #tpu.memory_space<hbm>> -> memref<16x128xf32, #tpu.memory_space<hbm>>
      %dma_wait3A_183 = arith.constant 0 : i32
      %dma_wait3A_184 = arith.constant 0 : i32
      %dma_wait3A_185 = tpu.memref_slice %arg2[%dma_wait3A_183, %dma_wait3A_184] : memref<16x1000000xf32, #tpu.memory_space<hbm>> -> memref<16x128xf32, #tpu.memory_space<hbm>>
      tpu.wait_dma2 semaphore(%arg15 : memref<!tpu.dma_semaphore, #tpu.memory_space<semaphore_mem>>) src(%dma_wait3A_185 : memref<16x128xf32, #tpu.memory_space<hbm>>) dst(%arg7 : memref<16x128xf32, #tpu.memory_space<vmem>>)
      %dma_wait3A_186 = arith.constant 0 : i32
      %dma_wait3A_187 = tpu.memref_slice %arg3[%dma_wait3A_186] : memref<16003072xf32, #tpu.memory_space<hbm>> -> memref<2048xf32, #tpu.memory_space<hbm>>
      %dma_wait3A_188 = arith.constant 0 : i32
      %dma_wait3A_189 = tpu.memref_slice %arg3[%dma_wait3A_188] : memref<16003072xf32, #tpu.memory_space<hbm>> -> memref<2048xf32, #tpu.memory_space<hbm>>
      tpu.wait_dma2 semaphore(%arg19 : memref<!tpu.dma_semaphore, #tpu.memory_space<semaphore_mem>>) src(%arg11 : memref<2048xf32, #tpu.memory_space<vmem>>) dst(%dma_wait3A_189 : memref<2048xf32, #tpu.memory_space<hbm>>)
      %parallel_loop3A_190 = arith.constant 0 : i32
      %parallel_loop3A_191 = arith.constant 8 : i32
      %parallel_loop3A_192 = arith.constant 1 : i32
      scf.for %parallel_loop3A_200 = %parallel_loop3A_190 to %parallel_loop3A_191 step %parallel_loop3A_192  : i32 {
        %parallel_loop3A_201 = arith.constant 16 : i32
        %parallel_loop3A_202 = arith.muli %parallel_loop3A_200, %parallel_loop3A_201 : i32
        %parallel_loop3A_203 = vector.broadcast %parallel_loop3A_202 : i32 to vector<16xi32>
        %parallel_loop3A_204 = arith.addi %parallel_loop3A_203, %iota3A : vector<16xi32>
        %parallel_loop3A_205 = arith.constant 16 : i32
        %parallel_loop3A_206 = vector.broadcast %parallel_loop3A_205 : i32 to vector<16xi32>
        %parallel_loop3A_207 = arith.muli %parallel_loop3A_204, %parallel_loop3A_206 : vector<16xi32>
        %parallel_loop3A_208 = arith.constant 16 : i32
        %parallel_loop3A_209 = arith.muli %parallel_loop3A_200, %parallel_loop3A_208 : i32
        %parallel_loop3A_210 = arith.constant 0 : i32
        %parallel_loop3A_211 = arith.index_cast %parallel_loop3A_210 : i32 to index
        %parallel_loop3A_212 = arith.index_cast %parallel_loop3A_209 : i32 to index
        %parallel_loop3A_213 = tpu.vector_load %arg7[%parallel_loop3A_211, %parallel_loop3A_212] {strides = array<i32>} : memref<16x128xf32, #tpu.memory_space<vmem>>, vector<16xf32>,
        %parallel_loop3A_214 = arith.constant 0 : i32
        %parallel_loop3A_215 = vector.broadcast %parallel_loop3A_214 : i32 to vector<16xi32>
        %parallel_loop3A_216 = arith.addi %parallel_loop3A_207, %parallel_loop3A_215 : vector<16xi32>
        tpu.vector_store_idx %arg11[%parallel_loop3A_216], %parallel_loop3A_213 : memref<2048xf32, #tpu.memory_space<vmem>>[vector<16xi32>], vector<16xf32>,
        %parallel_loop3A_217 = arith.constant 16 : i32
        %parallel_loop3A_218 = arith.muli %parallel_loop3A_200, %parallel_loop3A_217 : i32
        %parallel_loop3A_219 = arith.constant 1 : i32
        %parallel_loop3A_220 = arith.index_cast %parallel_loop3A_219 : i32 to index
        %parallel_loop3A_221 = arith.index_cast %parallel_loop3A_218 : i32 to index
        %parallel_loop3A_222 = tpu.vector_load %arg7[%parallel_loop3A_220, %parallel_loop3A_221] {strides = array<i32>} : memref<16x128xf32, #tpu.memory_space<vmem>>, vector<16xf32>,
        %parallel_loop3A_223 = arith.constant 1 : i32
        %parallel_loop3A_224 = vector.broadcast %parallel_loop3A_223 : i32 to vector<16xi32>
        %parallel_loop3A_225 = arith.addi %parallel_loop3A_207, %parallel_loop3A_224 : vector<16xi32>
        tpu.vector_store_idx %arg11[%parallel_loop3A_225], %parallel_loop3A_222 : memref<2048xf32, #tpu.memory_space<vmem>>[vector<16xi32>], vector<16xf32>,
        %parallel_loop3A_226 = arith.constant 16 : i32
        %parallel_loop3A_227 = arith.muli %parallel_loop3A_200, %parallel_loop3A_226 : i32
        %parallel_loop3A_228 = arith.constant 2 : i32
        %parallel_loop3A_229 = arith.index_cast %parallel_loop3A_228 : i32 to index
        %parallel_loop3A_230 = arith.index_cast %parallel_loop3A_227 : i32 to index
        %parallel_loop3A_231 = tpu.vector_load %arg7[%parallel_loop3A_229, %parallel_loop3A_230] {strides = array<i32>} : memref<16x128xf32, #tpu.memory_space<vmem>>, vector<16xf32>,
        %parallel_loop3A_232 = arith.constant 2 : i32
        %parallel_loop3A_233 = vector.broadcast %parallel_loop3A_232 : i32 to vector<16xi32>
        %parallel_loop3A_234 = arith.addi %parallel_loop3A_207, %parallel_loop3A_233 : vector<16xi32>
        tpu.vector_store_idx %arg11[%parallel_loop3A_234], %parallel_loop3A_231 : memref<2048xf32, #tpu.memory_space<vmem>>[vector<16xi32>], vector<16xf32>,
        %parallel_loop3A_235 = arith.constant 16 : i32
        %parallel_loop3A_236 = arith.muli %parallel_loop3A_200, %parallel_loop3A_235 : i32
        %parallel_loop3A_237 = arith.constant 3 : i32
        %parallel_loop3A_238 = arith.index_cast %parallel_loop3A_237 : i32 to index
        %parallel_loop3A_239 = arith.index_cast %parallel_loop3A_236 : i32 to index
        %parallel_loop3A_240 = tpu.vector_load %arg7[%parallel_loop3A_238, %parallel_loop3A_239] {strides = array<i32>} : memref<16x128xf32, #tpu.memory_space<vmem>>, vector<16xf32>,
        %parallel_loop3A_241 = arith.constant 3 : i32
        %parallel_loop3A_242 = vector.broadcast %parallel_loop3A_241 : i32 to vector<16xi32>
        %parallel_loop3A_243 = arith.addi %parallel_loop3A_207, %parallel_loop3A_242 : vector<16xi32>
        tpu.vector_store_idx %arg11[%parallel_loop3A_243], %parallel_loop3A_240 : memref<2048xf32, #tpu.memory_space<vmem>>[vector<16xi32>], vector<16xf32>,
        %parallel_loop3A_244 = arith.constant 16 : i32
        %parallel_loop3A_245 = arith.muli %parallel_loop3A_200, %parallel_loop3A_244 : i32
        %parallel_loop3A_246 = arith.constant 4 : i32
        %parallel_loop3A_247 = arith.index_cast %parallel_loop3A_246 : i32 to index
        %parallel_loop3A_248 = arith.index_cast %parallel_loop3A_245 : i32 to index
        %parallel_loop3A_249 = tpu.vector_load %arg7[%parallel_loop3A_247, %parallel_loop3A_248] {strides = array<i32>} : memref<16x128xf32, #tpu.memory_space<vmem>>, vector<16xf32>,
        %parallel_loop3A_250 = arith.constant 4 : i32
        %parallel_loop3A_251 = vector.broadcast %parallel_loop3A_250 : i32 to vector<16xi32>
        %parallel_loop3A_252 = arith.addi %parallel_loop3A_207, %parallel_loop3A_251 : vector<16xi32>
        tpu.vector_store_idx %arg11[%parallel_loop3A_252], %parallel_loop3A_249 : memref<2048xf32, #tpu.memory_space<vmem>>[vector<16xi32>], vector<16xf32>,
        %parallel_loop3A_253 = arith.constant 16 : i32
        %parallel_loop3A_254 = arith.muli %parallel_loop3A_200, %parallel_loop3A_253 : i32
        %parallel_loop3A_255 = arith.constant 5 : i32
        %parallel_loop3A_256 = arith.index_cast %parallel_loop3A_255 : i32 to index
        %parallel_loop3A_257 = arith.index_cast %parallel_loop3A_254 : i32 to index
        %parallel_loop3A_258 = tpu.vector_load %arg7[%parallel_loop3A_256, %parallel_loop3A_257] {strides = array<i32>} : memref<16x128xf32, #tpu.memory_space<vmem>>, vector<16xf32>,
        %parallel_loop3A_259 = arith.constant 5 : i32
        %parallel_loop3A_260 = vector.broadcast %parallel_loop3A_259 : i32 to vector<16xi32>
        %parallel_loop3A_261 = arith.addi %parallel_loop3A_207, %parallel_loop3A_260 : vector<16xi32>
        tpu.vector_store_idx %arg11[%parallel_loop3A_261], %parallel_loop3A_258 : memref<2048xf32, #tpu.memory_space<vmem>>[vector<16xi32>], vector<16xf32>,
        %parallel_loop3A_262 = arith.constant 16 : i32
        %parallel_loop3A_263 = arith.muli %parallel_loop3A_200, %parallel_loop3A_262 : i32
        %parallel_loop3A_264 = arith.constant 6 : i32
        %parallel_loop3A_265 = arith.index_cast %parallel_loop3A_264 : i32 to index
        %parallel_loop3A_266 = arith.index_cast %parallel_loop3A_263 : i32 to index
        %parallel_loop3A_267 = tpu.vector_load %arg7[%parallel_loop3A_265, %parallel_loop3A_266] {strides = array<i32>} : memref<16x128xf32, #tpu.memory_space<vmem>>, vector<16xf32>,
        %parallel_loop3A_268 = arith.constant 6 : i32
        %parallel_loop3A_269 = vector.broadcast %parallel_loop3A_268 : i32 to vector<16xi32>
        %parallel_loop3A_270 = arith.addi %parallel_loop3A_207, %parallel_loop3A_269 : vector<16xi32>
        tpu.vector_store_idx %arg11[%parallel_loop3A_270], %parallel_loop3A_267 : memref<2048xf32, #tpu.memory_space<vmem>>[vector<16xi32>], vector<16xf32>,
        %parallel_loop3A_271 = arith.constant 16 : i32
        %parallel_loop3A_272 = arith.muli %parallel_loop3A_200, %parallel_loop3A_271 : i32
        %parallel_loop3A_273 = arith.constant 7 : i32
        %parallel_loop3A_274 = arith.index_cast %parallel_loop3A_273 : i32 to index
        %parallel_loop3A_275 = arith.index_cast %parallel_loop3A_272 : i32 to index
        %parallel_loop3A_276 = tpu.vector_load %arg7[%parallel_loop3A_274, %parallel_loop3A_275] {strides = array<i32>} : memref<16x128xf32, #tpu.memory_space<vmem>>, vector<16xf32>,
        %parallel_loop3A_277 = arith.constant 7 : i32
        %parallel_loop3A_278 = vector.broadcast %parallel_loop3A_277 : i32 to vector<16xi32>
        %parallel_loop3A_279 = arith.addi %parallel_loop3A_207, %parallel_loop3A_278 : vector<16xi32>
        tpu.vector_store_idx %arg11[%parallel_loop3A_279], %parallel_loop3A_276 : memref<2048xf32, #tpu.memory_space<vmem>>[vector<16xi32>], vector<16xf32>,
        %parallel_loop3A_280 = arith.constant 16 : i32
        %parallel_loop3A_281 = arith.muli %parallel_loop3A_200, %parallel_loop3A_280 : i32
        %parallel_loop3A_282 = arith.constant 8 : i32
        %parallel_loop3A_283 = arith.index_cast %parallel_loop3A_282 : i32 to index
        %parallel_loop3A_284 = arith.index_cast %parallel_loop3A_281 : i32 to index
        %parallel_loop3A_285 = tpu.vector_load %arg7[%parallel_loop3A_283, %parallel_loop3A_284] {strides = array<i32>} : memref<16x128xf32, #tpu.memory_space<vmem>>, vector<16xf32>,
        %parallel_loop3A_286 = arith.constant 8 : i32
        %parallel_loop3A_287 = vector.broadcast %parallel_loop3A_286 : i32 to vector<16xi32>
        %parallel_loop3A_288 = arith.addi %parallel_loop3A_207, %parallel_loop3A_287 : vector<16xi32>
        tpu.vector_store_idx %arg11[%parallel_loop3A_288], %parallel_loop3A_285 : memref<2048xf32, #tpu.memory_space<vmem>>[vector<16xi32>], vector<16xf32>,
        %parallel_loop3A_289 = arith.constant 16 : i32
        %parallel_loop3A_290 = arith.muli %parallel_loop3A_200, %parallel_loop3A_289 : i32
        %parallel_loop3A_291 = arith.constant 9 : i32
        %parallel_loop3A_292 = arith.index_cast %parallel_loop3A_291 : i32 to index
        %parallel_loop3A_293 = arith.index_cast %parallel_loop3A_290 : i32 to index
        %parallel_loop3A_294 = tpu.vector_load %arg7[%parallel_loop3A_292, %parallel_loop3A_293] {strides = array<i32>} : memref<16x128xf32, #tpu.memory_space<vmem>>, vector<16xf32>,
        %parallel_loop3A_295 = arith.constant 9 : i32
        %parallel_loop3A_296 = vector.broadcast %parallel_loop3A_295 : i32 to vector<16xi32>
        %parallel_loop3A_297 = arith.addi %parallel_loop3A_207, %parallel_loop3A_296 : vector<16xi32>
        tpu.vector_store_idx %arg11[%parallel_loop3A_297], %parallel_loop3A_294 : memref<2048xf32, #tpu.memory_space<vmem>>[vector<16xi32>], vector<16xf32>,
        %parallel_loop3A_298 = arith.constant 16 : i32
        %parallel_loop3A_299 = arith.muli %parallel_loop3A_200, %parallel_loop3A_298 : i32
        %parallel_loop3A_300 = arith.constant 10 : i32
        %parallel_loop3A_301 = arith.index_cast %parallel_loop3A_300 : i32 to index
        %parallel_loop3A_302 = arith.index_cast %parallel_loop3A_299 : i32 to index
        %parallel_loop3A_303 = tpu.vector_load %arg7[%parallel_loop3A_301, %parallel_loop3A_302] {strides = array<i32>} : memref<16x128xf32, #tpu.memory_space<vmem>>, vector<16xf32>,
        %parallel_loop3A_304 = arith.constant 10 : i32
        %parallel_loop3A_305 = vector.broadcast %parallel_loop3A_304 : i32 to vector<16xi32>
        %parallel_loop3A_306 = arith.addi %parallel_loop3A_207, %parallel_loop3A_305 : vector<16xi32>
        tpu.vector_store_idx %arg11[%parallel_loop3A_306], %parallel_loop3A_303 : memref<2048xf32, #tpu.memory_space<vmem>>[vector<16xi32>], vector<16xf32>,
        %parallel_loop3A_307 = arith.constant 16 : i32
        %parallel_loop3A_308 = arith.muli %parallel_loop3A_200, %parallel_loop3A_307 : i32
        %parallel_loop3A_309 = arith.constant 11 : i32
        %parallel_loop3A_310 = arith.index_cast %parallel_loop3A_309 : i32 to index
        %parallel_loop3A_311 = arith.index_cast %parallel_loop3A_308 : i32 to index
        %parallel_loop3A_312 = tpu.vector_load %arg7[%parallel_loop3A_310, %parallel_loop3A_311] {strides = array<i32>} : memref<16x128xf32, #tpu.memory_space<vmem>>, vector<16xf32>,
        %parallel_loop3A_313 = arith.constant 11 : i32
        %parallel_loop3A_314 = vector.broadcast %parallel_loop3A_313 : i32 to vector<16xi32>
        %parallel_loop3A_315 = arith.addi %parallel_loop3A_207, %parallel_loop3A_314 : vector<16xi32>
        tpu.vector_store_idx %arg11[%parallel_loop3A_315], %parallel_loop3A_312 : memref<2048xf32, #tpu.memory_space<vmem>>[vector<16xi32>], vector<16xf32>,
        %parallel_loop3A_316 = arith.constant 16 : i32
        %parallel_loop3A_317 = arith.muli %parallel_loop3A_200, %parallel_loop3A_316 : i32
        %parallel_loop3A_318 = arith.constant 12 : i32
        %parallel_loop3A_319 = arith.index_cast %parallel_loop3A_318 : i32 to index
        %parallel_loop3A_320 = arith.index_cast %parallel_loop3A_317 : i32 to index
        %parallel_loop3A_321 = tpu.vector_load %arg7[%parallel_loop3A_319, %parallel_loop3A_320] {strides = array<i32>} : memref<16x128xf32, #tpu.memory_space<vmem>>, vector<16xf32>,
        %parallel_loop3A_322 = arith.constant 12 : i32
        %parallel_loop3A_323 = vector.broadcast %parallel_loop3A_322 : i32 to vector<16xi32>
        %parallel_loop3A_324 = arith.addi %parallel_loop3A_207, %parallel_loop3A_323 : vector<16xi32>
        tpu.vector_store_idx %arg11[%parallel_loop3A_324], %parallel_loop3A_321 : memref<2048xf32, #tpu.memory_space<vmem>>[vector<16xi32>], vector<16xf32>,
        %parallel_loop3A_325 = arith.constant 16 : i32
        %parallel_loop3A_326 = arith.muli %parallel_loop3A_200, %parallel_loop3A_325 : i32
        %parallel_loop3A_327 = arith.constant 13 : i32
        %parallel_loop3A_328 = arith.index_cast %parallel_loop3A_327 : i32 to index
        %parallel_loop3A_329 = arith.index_cast %parallel_loop3A_326 : i32 to index
        %parallel_loop3A_330 = tpu.vector_load %arg7[%parallel_loop3A_328, %parallel_loop3A_329] {strides = array<i32>} : memref<16x128xf32, #tpu.memory_space<vmem>>, vector<16xf32>,
        %parallel_loop3A_331 = arith.constant 13 : i32
        %parallel_loop3A_332 = vector.broadcast %parallel_loop3A_331 : i32 to vector<16xi32>
        %parallel_loop3A_333 = arith.addi %parallel_loop3A_207, %parallel_loop3A_332 : vector<16xi32>
        tpu.vector_store_idx %arg11[%parallel_loop3A_333], %parallel_loop3A_330 : memref<2048xf32, #tpu.memory_space<vmem>>[vector<16xi32>], vector<16xf32>,
        %parallel_loop3A_334 = arith.constant 16 : i32
        %parallel_loop3A_335 = arith.muli %parallel_loop3A_200, %parallel_loop3A_334 : i32
        %parallel_loop3A_336 = arith.constant 14 : i32
        %parallel_loop3A_337 = arith.index_cast %parallel_loop3A_336 : i32 to index
        %parallel_loop3A_338 = arith.index_cast %parallel_loop3A_335 : i32 to index
        %parallel_loop3A_339 = tpu.vector_load %arg7[%parallel_loop3A_337, %parallel_loop3A_338] {strides = array<i32>} : memref<16x128xf32, #tpu.memory_space<vmem>>, vector<16xf32>,
        %parallel_loop3A_340 = arith.constant 14 : i32
        %parallel_loop3A_341 = vector.broadcast %parallel_loop3A_340 : i32 to vector<16xi32>
        %parallel_loop3A_342 = arith.addi %parallel_loop3A_207, %parallel_loop3A_341 : vector<16xi32>
        tpu.vector_store_idx %arg11[%parallel_loop3A_342], %parallel_loop3A_339 : memref<2048xf32, #tpu.memory_space<vmem>>[vector<16xi32>], vector<16xf32>,
        %parallel_loop3A_343 = arith.constant 16 : i32
        %parallel_loop3A_344 = arith.muli %parallel_loop3A_200, %parallel_loop3A_343 : i32
        %parallel_loop3A_345 = arith.constant 15 : i32
        %parallel_loop3A_346 = arith.index_cast %parallel_loop3A_345 : i32 to index
        %parallel_loop3A_347 = arith.index_cast %parallel_loop3A_344 : i32 to index
        %parallel_loop3A_348 = tpu.vector_load %arg7[%parallel_loop3A_346, %parallel_loop3A_347] {strides = array<i32>} : memref<16x128xf32, #tpu.memory_space<vmem>>, vector<16xf32>,
        %parallel_loop3A_349 = arith.constant 15 : i32
        %parallel_loop3A_350 = vector.broadcast %parallel_loop3A_349 : i32 to vector<16xi32>
        %parallel_loop3A_351 = arith.addi %parallel_loop3A_207, %parallel_loop3A_350 : vector<16xi32>
        tpu.vector_store_idx %arg11[%parallel_loop3A_351], %parallel_loop3A_348 : memref<2048xf32, #tpu.memory_space<vmem>>[vector<16xi32>], vector<16xf32>,
      } {sc.loop_unroll_factor = 4 : i64, sc.parallel_access}
      %mul3A_193 = arith.constant 32 : i32
      %mul3A_194 = arith.muli %mul3A_193, %add3A_169 : i32
      %add3A_195 = arith.addi %add3A, %mul3A_194 : i32
      %mul3A_196 = arith.constant 2048 : i32
      %mul3A_197 = arith.muli %add3A_195, %mul3A_196 : i32
      %dma_start3A_198 = tpu.memref_slice %arg3[%mul3A_197] : memref<16003072xf32, #tpu.memory_space<hbm>> -> memref<2048xf32, #tpu.memory_space<hbm>>
      %dma_start3A_199 = tpu.memref_slice %arg3[%mul3A_197] : memref<16003072xf32, #tpu.memory_space<hbm>> -> memref<2048xf32, #tpu.memory_space<hbm>>
      tpu.enqueue_dma source(%arg11 : memref<2048xf32, #tpu.memory_space<vmem>>) target(%dma_start3A_199 : memref<2048xf32, #tpu.memory_space<hbm>>) target_semaphore(%arg19 : memref<!tpu.dma_semaphore, #tpu.memory_space<semaphore_mem>>)
    }
    %scan3A_44 = arith.constant 61 : i32
    %add3A_45 = arith.constant 7808 : i32
    %add3A_46 = arith.addi %add3A, %add3A_45 : i32
    %lt3A = arith.constant 7813 : i32
    %lt3A_47 = arith.cmpi slt, %add3A_46, %lt3A : i32
    %convert_element_type3A = arith.extui %lt3A_47 : i1 to i32
    %cond3A = arith.constant 0 : i32
    %cond3A_48 = arith.cmpi ne, %convert_element_type3A, %cond3A : i32
    scf.if %cond3A_48 {
      %dma_wait3A_64 = arith.constant 0 : i32
      %dma_wait3A_65 = arith.constant 0 : i32
      %dma_wait3A_66 = tpu.memref_slice %arg2[%dma_wait3A_64, %dma_wait3A_65] : memref<16x1000000xf32, #tpu.memory_space<hbm>> -> memref<16x128xf32, #tpu.memory_space<hbm>>
      %dma_wait3A_67 = arith.constant 0 : i32
      %dma_wait3A_68 = arith.constant 0 : i32
      %dma_wait3A_69 = tpu.memref_slice %arg2[%dma_wait3A_67, %dma_wait3A_68] : memref<16x1000000xf32, #tpu.memory_space<hbm>> -> memref<16x128xf32, #tpu.memory_space<hbm>>
      tpu.wait_dma2 semaphore(%arg12 : memref<!tpu.dma_semaphore, #tpu.memory_space<semaphore_mem>>) src(%dma_wait3A_69 : memref<16x128xf32, #tpu.memory_space<hbm>>) dst(%arg4 : memref<16x128xf32, #tpu.memory_space<vmem>>)
      %dma_wait3A_70 = arith.constant 0 : i32
      %dma_wait3A_71 = tpu.memref_slice %arg3[%dma_wait3A_70] : memref<16003072xf32, #tpu.memory_space<hbm>> -> memref<2048xf32, #tpu.memory_space<hbm>>
      %dma_wait3A_72 = arith.constant 0 : i32
      %dma_wait3A_73 = tpu.memref_slice %arg3[%dma_wait3A_72] : memref<16003072xf32, #tpu.memory_space<hbm>> -> memref<2048xf32, #tpu.memory_space<hbm>>
      tpu.wait_dma2 semaphore(%arg16 : memref<!tpu.dma_semaphore, #tpu.memory_space<semaphore_mem>>) src(%arg8 : memref<2048xf32, #tpu.memory_space<vmem>>) dst(%dma_wait3A_73 : memref<2048xf32, #tpu.memory_space<hbm>>)
      %parallel_loop3A = arith.constant 0 : i32
      %parallel_loop3A_74 = arith.constant 8 : i32
      %parallel_loop3A_75 = arith.constant 1 : i32
      scf.for %parallel_loop3A_82 = %parallel_loop3A to %parallel_loop3A_74 step %parallel_loop3A_75  : i32 {
        %parallel_loop3A_83 = arith.constant 16 : i32
        %parallel_loop3A_84 = arith.muli %parallel_loop3A_82, %parallel_loop3A_83 : i32
        %parallel_loop3A_85 = vector.broadcast %parallel_loop3A_84 : i32 to vector<16xi32>
        %parallel_loop3A_86 = arith.addi %parallel_loop3A_85, %iota3A : vector<16xi32>
        %parallel_loop3A_87 = arith.constant 16 : i32
        %parallel_loop3A_88 = vector.broadcast %parallel_loop3A_87 : i32 to vector<16xi32>
        %parallel_loop3A_89 = arith.muli %parallel_loop3A_86, %parallel_loop3A_88 : vector<16xi32>
        %parallel_loop3A_90 = arith.constant 16 : i32
        %parallel_loop3A_91 = arith.muli %parallel_loop3A_82, %parallel_loop3A_90 : i32
        %parallel_loop3A_92 = arith.constant 0 : i32
        %parallel_loop3A_93 = arith.index_cast %parallel_loop3A_92 : i32 to index
        %parallel_loop3A_94 = arith.index_cast %parallel_loop3A_91 : i32 to index
        %parallel_loop3A_95 = tpu.vector_load %arg4[%parallel_loop3A_93, %parallel_loop3A_94] {strides = array<i32>} : memref<16x128xf32, #tpu.memory_space<vmem>>, vector<16xf32>,
        %parallel_loop3A_96 = arith.constant 0 : i32
        %parallel_loop3A_97 = vector.broadcast %parallel_loop3A_96 : i32 to vector<16xi32>
        %parallel_loop3A_98 = arith.addi %parallel_loop3A_89, %parallel_loop3A_97 : vector<16xi32>
        tpu.vector_store_idx %arg8[%parallel_loop3A_98], %parallel_loop3A_95 : memref<2048xf32, #tpu.memory_space<vmem>>[vector<16xi32>], vector<16xf32>,
        %parallel_loop3A_99 = arith.constant 16 : i32
        %parallel_loop3A_100 = arith.muli %parallel_loop3A_82, %parallel_loop3A_99 : i32
        %parallel_loop3A_101 = arith.constant 1 : i32
        %parallel_loop3A_102 = arith.index_cast %parallel_loop3A_101 : i32 to index
        %parallel_loop3A_103 = arith.index_cast %parallel_loop3A_100 : i32 to index
        %parallel_loop3A_104 = tpu.vector_load %arg4[%parallel_loop3A_102, %parallel_loop3A_103] {strides = array<i32>} : memref<16x128xf32, #tpu.memory_space<vmem>>, vector<16xf32>,
        %parallel_loop3A_105 = arith.constant 1 : i32
        %parallel_loop3A_106 = vector.broadcast %parallel_loop3A_105 : i32 to vector<16xi32>
        %parallel_loop3A_107 = arith.addi %parallel_loop3A_89, %parallel_loop3A_106 : vector<16xi32>
        tpu.vector_store_idx %arg8[%parallel_loop3A_107], %parallel_loop3A_104 : memref<2048xf32, #tpu.memory_space<vmem>>[vector<16xi32>], vector<16xf32>,
        %parallel_loop3A_108 = arith.constant 16 : i32
        %parallel_loop3A_109 = arith.muli %parallel_loop3A_82, %parallel_loop3A_108 : i32
        %parallel_loop3A_110 = arith.constant 2 : i32
        %parallel_loop3A_111 = arith.index_cast %parallel_loop3A_110 : i32 to index
        %parallel_loop3A_112 = arith.index_cast %parallel_loop3A_109 : i32 to index
        %parallel_loop3A_113 = tpu.vector_load %arg4[%parallel_loop3A_111, %parallel_loop3A_112] {strides = array<i32>} : memref<16x128xf32, #tpu.memory_space<vmem>>, vector<16xf32>,
        %parallel_loop3A_114 = arith.constant 2 : i32
        %parallel_loop3A_115 = vector.broadcast %parallel_loop3A_114 : i32 to vector<16xi32>
        %parallel_loop3A_116 = arith.addi %parallel_loop3A_89, %parallel_loop3A_115 : vector<16xi32>
        tpu.vector_store_idx %arg8[%parallel_loop3A_116], %parallel_loop3A_113 : memref<2048xf32, #tpu.memory_space<vmem>>[vector<16xi32>], vector<16xf32>,
        %parallel_loop3A_117 = arith.constant 16 : i32
        %parallel_loop3A_118 = arith.muli %parallel_loop3A_82, %parallel_loop3A_117 : i32
        %parallel_loop3A_119 = arith.constant 3 : i32
        %parallel_loop3A_120 = arith.index_cast %parallel_loop3A_119 : i32 to index
        %parallel_loop3A_121 = arith.index_cast %parallel_loop3A_118 : i32 to index
        %parallel_loop3A_122 = tpu.vector_load %arg4[%parallel_loop3A_120, %parallel_loop3A_121] {strides = array<i32>} : memref<16x128xf32, #tpu.memory_space<vmem>>, vector<16xf32>,
        %parallel_loop3A_123 = arith.constant 3 : i32
        %parallel_loop3A_124 = vector.broadcast %parallel_loop3A_123 : i32 to vector<16xi32>
        %parallel_loop3A_125 = arith.addi %parallel_loop3A_89, %parallel_loop3A_124 : vector<16xi32>
        tpu.vector_store_idx %arg8[%parallel_loop3A_125], %parallel_loop3A_122 : memref<2048xf32, #tpu.memory_space<vmem>>[vector<16xi32>], vector<16xf32>,
        %parallel_loop3A_126 = arith.constant 16 : i32
        %parallel_loop3A_127 = arith.muli %parallel_loop3A_82, %parallel_loop3A_126 : i32
        %parallel_loop3A_128 = arith.constant 4 : i32
        %parallel_loop3A_129 = arith.index_cast %parallel_loop3A_128 : i32 to index
        %parallel_loop3A_130 = arith.index_cast %parallel_loop3A_127 : i32 to index
        %parallel_loop3A_131 = tpu.vector_load %arg4[%parallel_loop3A_129, %parallel_loop3A_130] {strides = array<i32>} : memref<16x128xf32, #tpu.memory_space<vmem>>, vector<16xf32>,
        %parallel_loop3A_132 = arith.constant 4 : i32
        %parallel_loop3A_133 = vector.broadcast %parallel_loop3A_132 : i32 to vector<16xi32>
        %parallel_loop3A_134 = arith.addi %parallel_loop3A_89, %parallel_loop3A_133 : vector<16xi32>
        tpu.vector_store_idx %arg8[%parallel_loop3A_134], %parallel_loop3A_131 : memref<2048xf32, #tpu.memory_space<vmem>>[vector<16xi32>], vector<16xf32>,
        %parallel_loop3A_135 = arith.constant 16 : i32
        %parallel_loop3A_136 = arith.muli %parallel_loop3A_82, %parallel_loop3A_135 : i32
        %parallel_loop3A_137 = arith.constant 5 : i32
        %parallel_loop3A_138 = arith.index_cast %parallel_loop3A_137 : i32 to index
        %parallel_loop3A_139 = arith.index_cast %parallel_loop3A_136 : i32 to index
        %parallel_loop3A_140 = tpu.vector_load %arg4[%parallel_loop3A_138, %parallel_loop3A_139] {strides = array<i32>} : memref<16x128xf32, #tpu.memory_space<vmem>>, vector<16xf32>,
        %parallel_loop3A_141 = arith.constant 5 : i32
        %parallel_loop3A_142 = vector.broadcast %parallel_loop3A_141 : i32 to vector<16xi32>
        %parallel_loop3A_143 = arith.addi %parallel_loop3A_89, %parallel_loop3A_142 : vector<16xi32>
        tpu.vector_store_idx %arg8[%parallel_loop3A_143], %parallel_loop3A_140 : memref<2048xf32, #tpu.memory_space<vmem>>[vector<16xi32>], vector<16xf32>,
        %parallel_loop3A_144 = arith.constant 16 : i32
        %parallel_loop3A_145 = arith.muli %parallel_loop3A_82, %parallel_loop3A_144 : i32
        %parallel_loop3A_146 = arith.constant 6 : i32
        %parallel_loop3A_147 = arith.index_cast %parallel_loop3A_146 : i32 to index
        %parallel_loop3A_148 = arith.index_cast %parallel_loop3A_145 : i32 to index
        %parallel_loop3A_149 = tpu.vector_load %arg4[%parallel_loop3A_147, %parallel_loop3A_148] {strides = array<i32>} : memref<16x128xf32, #tpu.memory_space<vmem>>, vector<16xf32>,
        %parallel_loop3A_150 = arith.constant 6 : i32
        %parallel_loop3A_151 = vector.broadcast %parallel_loop3A_150 : i32 to vector<16xi32>
        %parallel_loop3A_152 = arith.addi %parallel_loop3A_89, %parallel_loop3A_151 : vector<16xi32>
        tpu.vector_store_idx %arg8[%parallel_loop3A_152], %parallel_loop3A_149 : memref<2048xf32, #tpu.memory_space<vmem>>[vector<16xi32>], vector<16xf32>,
        %parallel_loop3A_153 = arith.constant 16 : i32
        %parallel_loop3A_154 = arith.muli %parallel_loop3A_82, %parallel_loop3A_153 : i32
        %parallel_loop3A_155 = arith.constant 7 : i32
        %parallel_loop3A_156 = arith.index_cast %parallel_loop3A_155 : i32 to index
        %parallel_loop3A_157 = arith.index_cast %parallel_loop3A_154 : i32 to index
        %parallel_loop3A_158 = tpu.vector_load %arg4[%parallel_loop3A_156, %parallel_loop3A_157] {strides = array<i32>} : memref<16x128xf32, #tpu.memory_space<vmem>>, vector<16xf32>,
        %parallel_loop3A_159 = arith.constant 7 : i32
        %parallel_loop3A_160 = vector.broadcast %parallel_loop3A_159 : i32 to vector<16xi32>
        %parallel_loop3A_161 = arith.addi %parallel_loop3A_89, %parallel_loop3A_160 : vector<16xi32>
        tpu.vector_store_idx %arg8[%parallel_loop3A_161], %parallel_loop3A_158 : memref<2048xf32, #tpu.memory_space<vmem>>[vector<16xi32>], vector<16xf32>,
        %parallel_loop3A_162 = arith.constant 16 : i32
        %parallel_loop3A_163 = arith.muli %parallel_loop3A_82, %parallel_loop3A_162 : i32
        %parallel_loop3A_164 = arith.constant 8 : i32
        %parallel_loop3A_165 = arith.index_cast %parallel_loop3A_164 : i32 to index
        %parallel_loop3A_166 = arith.index_cast %parallel_loop3A_163 : i32 to index
        %parallel_loop3A_167 = tpu.vector_load %arg4[%parallel_loop3A_165, %parallel_loop3A_166] {strides = array<i32>} : memref<16x128xf32, #tpu.memory_space<vmem>>, vector<16xf32>,
        %parallel_loop3A_168 = arith.constant 8 : i32
        %parallel_loop3A_169 = vector.broadcast %parallel_loop3A_168 : i32 to vector<16xi32>
        %parallel_loop3A_170 = arith.addi %parallel_loop3A_89, %parallel_loop3A_169 : vector<16xi32>
        tpu.vector_store_idx %arg8[%parallel_loop3A_170], %parallel_loop3A_167 : memref<2048xf32, #tpu.memory_space<vmem>>[vector<16xi32>], vector<16xf32>,
        %parallel_loop3A_171 = arith.constant 16 : i32
        %parallel_loop3A_172 = arith.muli %parallel_loop3A_82, %parallel_loop3A_171 : i32
        %parallel_loop3A_173 = arith.constant 9 : i32
        %parallel_loop3A_174 = arith.index_cast %parallel_loop3A_173 : i32 to index
        %parallel_loop3A_175 = arith.index_cast %parallel_loop3A_172 : i32 to index
        %parallel_loop3A_176 = tpu.vector_load %arg4[%parallel_loop3A_174, %parallel_loop3A_175] {strides = array<i32>} : memref<16x128xf32, #tpu.memory_space<vmem>>, vector<16xf32>,
        %parallel_loop3A_177 = arith.constant 9 : i32
        %parallel_loop3A_178 = vector.broadcast %parallel_loop3A_177 : i32 to vector<16xi32>
        %parallel_loop3A_179 = arith.addi %parallel_loop3A_89, %parallel_loop3A_178 : vector<16xi32>
        tpu.vector_store_idx %arg8[%parallel_loop3A_179], %parallel_loop3A_176 : memref<2048xf32, #tpu.memory_space<vmem>>[vector<16xi32>], vector<16xf32>,
        %parallel_loop3A_180 = arith.constant 16 : i32
        %parallel_loop3A_181 = arith.muli %parallel_loop3A_82, %parallel_loop3A_180 : i32
        %parallel_loop3A_182 = arith.constant 10 : i32
        %parallel_loop3A_183 = arith.index_cast %parallel_loop3A_182 : i32 to index
        %parallel_loop3A_184 = arith.index_cast %parallel_loop3A_181 : i32 to index
        %parallel_loop3A_185 = tpu.vector_load %arg4[%parallel_loop3A_183, %parallel_loop3A_184] {strides = array<i32>} : memref<16x128xf32, #tpu.memory_space<vmem>>, vector<16xf32>,
        %parallel_loop3A_186 = arith.constant 10 : i32
        %parallel_loop3A_187 = vector.broadcast %parallel_loop3A_186 : i32 to vector<16xi32>
        %parallel_loop3A_188 = arith.addi %parallel_loop3A_89, %parallel_loop3A_187 : vector<16xi32>
        tpu.vector_store_idx %arg8[%parallel_loop3A_188], %parallel_loop3A_185 : memref<2048xf32, #tpu.memory_space<vmem>>[vector<16xi32>], vector<16xf32>,
        %parallel_loop3A_189 = arith.constant 16 : i32
        %parallel_loop3A_190 = arith.muli %parallel_loop3A_82, %parallel_loop3A_189 : i32
        %parallel_loop3A_191 = arith.constant 11 : i32
        %parallel_loop3A_192 = arith.index_cast %parallel_loop3A_191 : i32 to index
        %parallel_loop3A_193 = arith.index_cast %parallel_loop3A_190 : i32 to index
        %parallel_loop3A_194 = tpu.vector_load %arg4[%parallel_loop3A_192, %parallel_loop3A_193] {strides = array<i32>} : memref<16x128xf32, #tpu.memory_space<vmem>>, vector<16xf32>,
        %parallel_loop3A_195 = arith.constant 11 : i32
        %parallel_loop3A_196 = vector.broadcast %parallel_loop3A_195 : i32 to vector<16xi32>
        %parallel_loop3A_197 = arith.addi %parallel_loop3A_89, %parallel_loop3A_196 : vector<16xi32>
        tpu.vector_store_idx %arg8[%parallel_loop3A_197], %parallel_loop3A_194 : memref<2048xf32, #tpu.memory_space<vmem>>[vector<16xi32>], vector<16xf32>,
        %parallel_loop3A_198 = arith.constant 16 : i32
        %parallel_loop3A_199 = arith.muli %parallel_loop3A_82, %parallel_loop3A_198 : i32
        %parallel_loop3A_200 = arith.constant 12 : i32
        %parallel_loop3A_201 = arith.index_cast %parallel_loop3A_200 : i32 to index
        %parallel_loop3A_202 = arith.index_cast %parallel_loop3A_199 : i32 to index
        %parallel_loop3A_203 = tpu.vector_load %arg4[%parallel_loop3A_201, %parallel_loop3A_202] {strides = array<i32>} : memref<16x128xf32, #tpu.memory_space<vmem>>, vector<16xf32>,
        %parallel_loop3A_204 = arith.constant 12 : i32
        %parallel_loop3A_205 = vector.broadcast %parallel_loop3A_204 : i32 to vector<16xi32>
        %parallel_loop3A_206 = arith.addi %parallel_loop3A_89, %parallel_loop3A_205 : vector<16xi32>
        tpu.vector_store_idx %arg8[%parallel_loop3A_206], %parallel_loop3A_203 : memref<2048xf32, #tpu.memory_space<vmem>>[vector<16xi32>], vector<16xf32>,
        %parallel_loop3A_207 = arith.constant 16 : i32
        %parallel_loop3A_208 = arith.muli %parallel_loop3A_82, %parallel_loop3A_207 : i32
        %parallel_loop3A_209 = arith.constant 13 : i32
        %parallel_loop3A_210 = arith.index_cast %parallel_loop3A_209 : i32 to index
        %parallel_loop3A_211 = arith.index_cast %parallel_loop3A_208 : i32 to index
        %parallel_loop3A_212 = tpu.vector_load %arg4[%parallel_loop3A_210, %parallel_loop3A_211] {strides = array<i32>} : memref<16x128xf32, #tpu.memory_space<vmem>>, vector<16xf32>,
        %parallel_loop3A_213 = arith.constant 13 : i32
        %parallel_loop3A_214 = vector.broadcast %parallel_loop3A_213 : i32 to vector<16xi32>
        %parallel_loop3A_215 = arith.addi %parallel_loop3A_89, %parallel_loop3A_214 : vector<16xi32>
        tpu.vector_store_idx %arg8[%parallel_loop3A_215], %parallel_loop3A_212 : memref<2048xf32, #tpu.memory_space<vmem>>[vector<16xi32>], vector<16xf32>,
        %parallel_loop3A_216 = arith.constant 16 : i32
        %parallel_loop3A_217 = arith.muli %parallel_loop3A_82, %parallel_loop3A_216 : i32
        %parallel_loop3A_218 = arith.constant 14 : i32
        %parallel_loop3A_219 = arith.index_cast %parallel_loop3A_218 : i32 to index
        %parallel_loop3A_220 = arith.index_cast %parallel_loop3A_217 : i32 to index
        %parallel_loop3A_221 = tpu.vector_load %arg4[%parallel_loop3A_219, %parallel_loop3A_220] {strides = array<i32>} : memref<16x128xf32, #tpu.memory_space<vmem>>, vector<16xf32>,
        %parallel_loop3A_222 = arith.constant 14 : i32
        %parallel_loop3A_223 = vector.broadcast %parallel_loop3A_222 : i32 to vector<16xi32>
        %parallel_loop3A_224 = arith.addi %parallel_loop3A_89, %parallel_loop3A_223 : vector<16xi32>
        tpu.vector_store_idx %arg8[%parallel_loop3A_224], %parallel_loop3A_221 : memref<2048xf32, #tpu.memory_space<vmem>>[vector<16xi32>], vector<16xf32>,
        %parallel_loop3A_225 = arith.constant 16 : i32
        %parallel_loop3A_226 = arith.muli %parallel_loop3A_82, %parallel_loop3A_225 : i32
        %parallel_loop3A_227 = arith.constant 15 : i32
        %parallel_loop3A_228 = arith.index_cast %parallel_loop3A_227 : i32 to index
        %parallel_loop3A_229 = arith.index_cast %parallel_loop3A_226 : i32 to index
        %parallel_loop3A_230 = tpu.vector_load %arg4[%parallel_loop3A_228, %parallel_loop3A_229] {strides = array<i32>} : memref<16x128xf32, #tpu.memory_space<vmem>>, vector<16xf32>,
        %parallel_loop3A_231 = arith.constant 15 : i32
        %parallel_loop3A_232 = vector.broadcast %parallel_loop3A_231 : i32 to vector<16xi32>
        %parallel_loop3A_233 = arith.addi %parallel_loop3A_89, %parallel_loop3A_232 : vector<16xi32>
        tpu.vector_store_idx %arg8[%parallel_loop3A_233], %parallel_loop3A_230 : memref<2048xf32, #tpu.memory_space<vmem>>[vector<16xi32>], vector<16xf32>,
      } {sc.loop_unroll_factor = 4 : i64, sc.parallel_access}
      %add3A_76 = arith.constant 7808 : i32
      %add3A_77 = arith.addi %add3A, %add3A_76 : i32
      %mul3A_78 = arith.constant 2048 : i32
      %mul3A_79 = arith.muli %add3A_77, %mul3A_78 : i32
      %dma_start3A_80 = tpu.memref_slice %arg3[%mul3A_79] : memref<16003072xf32, #tpu.memory_space<hbm>> -> memref<2048xf32, #tpu.memory_space<hbm>>
      %dma_start3A_81 = tpu.memref_slice %arg3[%mul3A_79] : memref<16003072xf32, #tpu.memory_space<hbm>> -> memref<2048xf32, #tpu.memory_space<hbm>>
      tpu.enqueue_dma source(%arg8 : memref<2048xf32, #tpu.memory_space<vmem>>) target(%dma_start3A_81 : memref<2048xf32, #tpu.memory_space<hbm>>) target_semaphore(%arg16 : memref<!tpu.dma_semaphore, #tpu.memory_space<semaphore_mem>>)
    } else {
    }
    %dma_wait3A = arith.constant 0 : i32
    %dma_wait3A_49 = tpu.memref_slice %arg3[%dma_wait3A] : memref<16003072xf32, #tpu.memory_space<hbm>> -> memref<2048xf32, #tpu.memory_space<hbm>>
    %dma_wait3A_50 = arith.constant 0 : i32
    %dma_wait3A_51 = tpu.memref_slice %arg3[%dma_wait3A_50] : memref<16003072xf32, #tpu.memory_space<hbm>> -> memref<2048xf32, #tpu.memory_space<hbm>>
    tpu.wait_dma2 semaphore(%arg16 : memref<!tpu.dma_semaphore, #tpu.memory_space<semaphore_mem>>) src(%arg8 : memref<2048xf32, #tpu.memory_space<vmem>>) dst(%dma_wait3A_51 : memref<2048xf32, #tpu.memory_space<hbm>>)
    %dma_wait3A_52 = arith.constant 0 : i32
    %dma_wait3A_53 = tpu.memref_slice %arg3[%dma_wait3A_52] : memref<16003072xf32, #tpu.memory_space<hbm>> -> memref<2048xf32, #tpu.memory_space<hbm>>
    %dma_wait3A_54 = arith.constant 0 : i32
    %dma_wait3A_55 = tpu.memref_slice %arg3[%dma_wait3A_54] : memref<16003072xf32, #tpu.memory_space<hbm>> -> memref<2048xf32, #tpu.memory_space<hbm>>
    tpu.wait_dma2 semaphore(%arg17 : memref<!tpu.dma_semaphore, #tpu.memory_space<semaphore_mem>>) src(%arg9 : memref<2048xf32, #tpu.memory_space<vmem>>) dst(%dma_wait3A_55 : memref<2048xf32, #tpu.memory_space<hbm>>)
    %dma_wait3A_56 = arith.constant 0 : i32
    %dma_wait3A_57 = tpu.memref_slice %arg3[%dma_wait3A_56] : memref<16003072xf32, #tpu.memory_space<hbm>> -> memref<2048xf32, #tpu.memory_space<hbm>>
    %dma_wait3A_58 = arith.constant 0 : i32
    %dma_wait3A_59 = tpu.memref_slice %arg3[%dma_wait3A_58] : memref<16003072xf32, #tpu.memory_space<hbm>> -> memref<2048xf32, #tpu.memory_space<hbm>>
    tpu.wait_dma2 semaphore(%arg18 : memref<!tpu.dma_semaphore, #tpu.memory_space<semaphore_mem>>) src(%arg10 : memref<2048xf32, #tpu.memory_space<vmem>>) dst(%dma_wait3A_59 : memref<2048xf32, #tpu.memory_space<hbm>>)
    %dma_wait3A_60 = arith.constant 0 : i32
    %dma_wait3A_61 = tpu.memref_slice %arg3[%dma_wait3A_60] : memref<16003072xf32, #tpu.memory_space<hbm>> -> memref<2048xf32, #tpu.memory_space<hbm>>
    %dma_wait3A_62 = arith.constant 0 : i32
    %dma_wait3A_63 = tpu.memref_slice %arg3[%dma_wait3A_62] : memref<16003072xf32, #tpu.memory_space<hbm>> -> memref<2048xf32, #tpu.memory_space<hbm>>
    tpu.wait_dma2 semaphore(%arg19 : memref<!tpu.dma_semaphore, #tpu.memory_space<semaphore_mem>>) src(%arg11 : memref<2048xf32, #tpu.memory_space<vmem>>) dst(%dma_wait3A_63 : memref<2048xf32, #tpu.memory_space<hbm>>)
    return
  }
}

</mosaic_0001>

<sc_bundles>
// kernel: kernel.4.cloned.1.call-start
scs
__scs_entry_jumppad:
0x0: {  	(pc) =	sbr.rel $0x88, $3  }
0x1: {  	(tag) =	ssettag $0x0;
	lr =	simm.s32 $0x1  }
0x2: {  	[smem:$0x3F9F] =	sst lr;
	_ =	strace $0xD0000000  }
0x3: {  	_ = 	snop  }
0x4: {  	_ = 	snop  }
0x5: {  	_ = 	snop  }
0x6: {  	_ = 	snop  }
0x7: {  	_ = 	snop  }
__scs_overlays_trampoline_lowered:
0x8: {  	[smem:$0x3FAE] =	sst s0  }
0x9: {  	[smem:$0x3FAF] =	sst s1  }
0xa: {  	[smem:$0x3FB0] =	sst s2  }
0xb: {  	[smem:$0x3FB1] =	sst s3  }
0xc: {  	[smem:$0x3FB2] =	sst s4  }
0xd: {  	[smem:$0x3FB3] =	sst s5  }
0xe: {  	[smem:$0x3FB4] =	sst s6  }
0xf: {  	[smem:$0x3FB5] =	sst s7  }
0x10: {  	[smem:$0x3FB6] =	sst s8  }
0x11: {  	[smem:$0x3FB7] =	sst s9;
	s0 =	simm.s32 @!p0 $0x0  }
0x12: {  	s1 =	sld [smem:$0x3F9D];
	s0 =	simm.s32 @p0 $0x1  }
0x13: {  	[smem:$0x3FB8] =	sst s0;
	s0 =	simm.s32 @!p1 $0x0  }
0x14: {  	s2 =	sld [smem:$0x3F9C];
	s0 =	simm.s32 @p1 $0x1  }
0x15: {  	[smem:$0x3FB9] =	sst s0;
	s0 =	simm.s32 @!p2 $0x0  }
0x16: {  	s3 =	sld [smem:$0x3FDB];
	s0 =	simm.s32 @p2 $0x1  }
0x17: {  	s4 =	simm.s32 $0x1BF5;
	[smem:$0x3FBB] =	sst s0  }
0x18: {  	s0 =	sld [smem:$0x3F9E];
	_ =	swait.ge [sflag:s4], $0x0  }
0x19: {  	s7 =	sld [smem:$0x3F9F]  }
0x1a: {  	s8 =	sadd.s32 $0xFFFFE003, lr  }
0x1b: {  	s9 =	sadd.s32 $0xFFFFFEF7, lr;
	s5 =	simm.s32 $0xFFFFFFFF;
	p2 =	slt.u32 s8, $0xFFFFF086  }
0x1c: {  	p1 =	slt.u32 s9, $0xF7A;
	s5 =	simm.s32 @!p2 $0x0  }
0x1d: {  	s5 =	simm.s32 @p1 $0x1;
	p0 =	seq.s32 s7, s2  }
0x1e: {  	s7 =	smul.u32 @!p0 $0xF7A, s2;
	p2 =	seq.s32 @!p0 s5, $0x0  }
0x1f: {  	s9 =	smul.u32 $0xF7A, s1;
	s8 =	simm.s32 @!p0 $0x1BF5;
	p2 =	por !p2, p0  }
0x20: {  	[sflag:s8] =	ssyncset.s32 @!p0 $0xFFFFF086;
	s6 =	sadd.s32 @!p0 s3, s7;
	s7 =	simm.s32 @!p0 $0x108  }
0x21: {  	s3 =	sadd.s32 s3, s9;
	s6 =	sadd.s32 @!p0 $0x88, s6;
	s7 =	simm.s32 @p2 $0x1082  }
0x22: {  	[simem:s7], [sflag:s8] =	dma.local @!p0 [hbm:s6], $0xF7A  }
0x23: {  	s9 =	sor.u32 $0xD0000000, s2;
	s6 =	simm.s32 $0x108;
	_ =	swait.ge @!p0 [sflag:s8], $0x0  }
0x24: {  	s3 =	sadd.s32 $0x88, s3;
	s6 =	simm.s32 @!p1 $0x1082;
	[sflag:s4] =	ssyncset.s32 $0xFFFFF086  }
0x25: {  	[simem:s6], [sflag:s4] =	dma.local [hbm:s3], $0xF7A  }
0x26: {  	[smem:$0x3F9F] =	sst s1;
	(tag) =	ssettag s2;
	_ =	strace s9  }
0x27: {  	s1 =	sld [smem:$0x3FAF]  }
0x28: {  	s2 =	sld [smem:$0x3FB0]  }
0x29: {  	s4 =	sld [smem:$0x3FB2]  }
0x2a: {  	p0 =	seq.s32 s5, $0x0;
	s5 =	sld [smem:$0x3FB3]  }
0x2b: {  	s6 =	sld [smem:$0x3FB4]  }
0x2c: {  	s7 =	sld [smem:$0x3FB5]  }
0x2d: {  	s3 =	simm.s32 $0x108;
	s8 =	sld [smem:$0x3FB6]  }
0x2e: {  	s3 =	simm.s32 @!p0 $0x1082;
	s9 =	sld [smem:$0x3FB7]  }
0x2f: {  	lr =	sadd.s32 s0, s3;
	s0 =	sld [smem:$0x3FAE]  }
0x30: {  	s3 =	sld [smem:$0x3FB1]  }
0x31: {  	[smem:$0x3FBA] =	sst s10  }
0x32: {  	s10 =	sld [smem:$0x3FB8];
	_ =	sdelay $0x3  }
0x33: {  	p0 =	seq.s32 s10, $0x1;
	s10 =	sld [smem:$0x3FBA];
	_ =	sdelay $0x3  }
0x34: {  	[smem:$0x3FBA] =	sst s10  }
0x35: {  	s10 =	sld [smem:$0x3FB9];
	_ =	sdelay $0x3  }
0x36: {  	p1 =	seq.s32 s10, $0x1;
	s10 =	sld [smem:$0x3FBA];
	_ =	sdelay $0x3  }
0x37: {  	[smem:$0x3FBA] =	sst s10  }
0x38: {  	s10 =	sld [smem:$0x3FBB]  }
0x39: {  	_ = 	snop;
	(pc) =	sbr.ind lr, $3  }
0x3a: {  	_ = 	snop  }
0x3b: {  	_ = 	snop  }
0x3c: {  	p2 =	seq.s32 s10, $0x1;
	s10 =	sld [smem:$0x3FBA]  }
0x3d: {  	_ =	shalt  }
0x3e: {  	_ =	shalt  }
0x3f: {  	_ =	shalt  }
0x40: {  	_ =	shalt  }
0x41: {  	_ =	shalt  }
0x42: {  	_ =	shalt  }
0x43: {  	_ =	shalt  }
0x44: {  	_ =	shalt  }
0x45: {  	_ =	shalt  }
0x46: {  	_ =	shalt  }
0x47: {  	_ =	shalt  }
0x48: {  	_ =	shalt  }
0x49: {  	_ =	shalt  }
0x4a: {  	_ =	shalt  }
0x4b: {  	_ =	shalt  }
0x4c: {  	_ =	shalt  }
0x4d: {  	_ =	shalt  }
0x4e: {  	_ =	shalt  }
0x4f: {  	_ =	shalt  }
0x50: {  	_ =	shalt  }
0x51: {  	_ =	shalt  }
0x52: {  	_ =	shalt  }
0x53: {  	_ =	shalt  }
0x54: {  	_ =	shalt  }
0x55: {  	_ =	shalt  }
0x56: {  	_ =	shalt  }
0x57: {  	_ =	shalt  }
0x58: {  	_ =	shalt  }
0x59: {  	_ =	shalt  }
0x5a: {  	_ =	shalt  }
0x5b: {  	_ =	shalt  }
0x5c: {  	_ =	shalt  }
0x5d: {  	_ =	shalt  }
0x5e: {  	_ =	shalt  }
0x5f: {  	_ =	shalt  }
0x60: {  	_ =	shalt  }
0x61: {  	_ =	shalt  }
0x62: {  	_ =	shalt  }
0x63: {  	_ =	shalt  }
0x64: {  	_ =	shalt  }
0x65: {  	_ =	shalt  }
0x66: {  	_ =	shalt  }
0x67: {  	_ =	shalt  }
0x68: {  	_ =	shalt  }
0x69: {  	_ =	shalt  }
0x6a: {  	_ =	shalt  }
0x6b: {  	_ =	shalt  }
0x6c: {  	_ =	shalt  }
0x6d: {  	_ =	shalt  }
0x6e: {  	_ =	shalt  }
0x6f: {  	_ =	shalt  }
0x70: {  	_ =	shalt  }
0x71: {  	_ =	shalt  }
0x72: {  	_ =	shalt  }
0x73: {  	_ =	shalt  }
0x74: {  	_ =	shalt  }
0x75: {  	_ =	shalt  }
0x76: {  	_ =	shalt  }
0x77: {  	_ =	shalt  }
0x78: {  	_ =	shalt  }
0x79: {  	_ =	shalt  }
0x7a: {  	_ =	shalt  }
0x7b: {  	_ =	shalt  }
0x7c: {  	_ =	shalt  }
0x7d: {  	_ =	shalt  }
0x7e: {  	_ =	shalt  }
0x7f: {  	_ =	shalt  }
0x80: {  	_ =	shalt  }
0x81: {  	_ =	shalt  }
0x82: {  	_ =	shalt  }
0x83: {  	_ =	shalt  }
0x84: {  	_ =	shalt  }
0x85: {  	_ =	shalt  }
0x86: {  	_ =	shalt  }
0x87: {  	_ =	shalt  }
.Lfunc_end0:
.L_simem_size_0:
called_computation_lowered:
.L_overlay_start_0:
0x88: {  	s2 =	sld [smem:$0x3FD9]  }
0x89: {  	s3 =	sld [smem:$0x3FFE];
	_ =	sdelay $0x1  }
0x8a: {  	s1 =	srdreg.scid  }
0x8b: {  	s0 =	sand.u32 $0x1, s1  }
0x8c: {  	s17 =	sshll.u32 s0, $0xA;
	s2 =	sadd.s32 s3, s2  }
0x8d: {  	s2 =	sadd.s32 s2, s17  }
0x8e: {  	[smem:$0x3FC6] =	sst s2  }
0x8f: {  	_ = 	snop  }
0x90: {  	s2 =	sld [smem:$0x3FC8];
	(tm) =	ssettm $0x1  }
0x91: {  	s18 =	sld [smem:$0x3FFB];
	_ =	sdelay $0x3  }
0x92: {  	_ =	strace s18  }
0x93: {  	s3 =	sld [smem:$0x3FFC];
	_ =	sdelay $0x3  }
0x94: {  	_ =	strace s3  }
0x95: {  	s3 =	sld [smem:$0x3FFD];
	_ =	sdelay $0x3  }
0x96: {  	_ =	strace s3  }
0x97: {  	_ =	strace $0x8FFFFFFF  }
0x98: {  	s19 =	sld [smem:$0x3FDB];
	_ =	sdelay $0x1  }
0x99: {  	s4 =	simm.s32 $_scs_section_size  }
0x9a: {  	s5 =	simm.s32 $_size__tile_overlayer_lowered;
	s6 =	simm.s32 $_tile_overlayer_lowered  }
0x9b: {  	s22 =	simm.s32 $0x1BFF;
	s21 =	sshll.u32 s6, $0x1;
	s3 =	sadd.s32 s4, s19  }
0x9c: {  	s7 =	simm.s32 $0x0;
	s20 =	sshll.u32 s5, $0x1;
	s5 =	sadd.s32 s21, s3  }
0x9d: {  	[timem:s7], [sflag:s22] =	dma.local [hbm:s5], s20  }
0x9e: {  	_ =	swait.ge [sflag:s22], s20  }
0x9f: {  	s4 =	ssub.s32 $0x0, s20;
	[sflag:s22] =	ssyncset.done $0x0  }
0xa0: {  	[sflag:s22] =	ssyncadd.s32 s4;
	_ =	sdelay $0x1  }
0xa1: {  	s23 =	simm.s32 $0x1B8B  }
0xa2: {  	_ =	swait.ge [sflag:s23], $0x1  }
0xa3: {  	[sflag:s23] =	ssyncset.done $0x0  }
0xa4: {  	s25 =	simm.s32 $0x1B8E;
	s24 =	sld [smem:$0x3FFE];
	[sflag:s23] =	ssyncadd.s32 $0xFFFFFFFF  }
0xa5: {  	s26 =	simm.s32 $execute0_lowered;
	[smem:$0x3FD2] =	sst s25  }
0xa6: {  	s5 =	sshll.u32 s26, $0x1;
	_ =	strace $0x80000046;
	[dreg:$0x1] =	wrdreg $0xFFFFFFFF  }
0xa7: {  	s28 =	simm.s32 $_size_execute0_lowered;
	s3 =	sadd.s32 s3, s5;
	[dreg:$0x0] =	wrdreg $0x0  }
0xa8: {  	s5 =	sshll.u32 s28, $0x1;
	[dreg:$0x2] =	wrdreg s3  }
0xa9: {  	[dreg:$0x3] =	wrdreg s5  }
0xaa: {  	[dreg:$0x4] =	wrdreg $0xC0  }
0xab: {  	_ =	task [dreg:s7], $0x5FFFF  }
0xac: {  	[dreg:$0x1] =	wrdreg $0xFFFFFFFF  }
0xad: {  	[dreg:$0x0] =	wrdreg $0x60  }
0xae: {  	[dreg:$0x2] =	wrdreg s2  }
0xaf: {  	[dreg:$0x3] =	wrdreg s24  }
0xb0: {  	[dreg:$0x4] =	wrdreg $0x9  }
0xb1: {  	_ =	task.clear_ibuf [dreg:s7], $0x5FFFF;
	_ =	strace $0x90000046  }
0xb2: {  	s29 =	simm.s32 $0x9;
	_ =	strace $0x80000048  }
0xb3: {  	_ =	swait.ge [sflag:s29], $0x1  }
0xb4: {  	[sflag:s29] =	ssyncadd.s32 $0xFFFFFFFF  }
0xb5: {  	_ =	strace $0x90000048  }
0xb6: {  	_ =	sfence  }
0xb7: {  	s30 =	sld [smem:$0x0];
	_ =	sdelay $0x2  }
0xb8: {  	s31 =	sshll.u32 s1, $0xD;
	s1 =	sshrl.u32 s1, $0x2  }
0xb9: {  	s3 =	sand.u32 $0x4000, s31;
	s1 =	sadd.s32 s1, s30  }
0xba: {  	s0 =	sor.u32 s3, s0;
	s1 =	sshll.u32 s1, $0x11  }
0xbb: {  	s0 =	sor.u32 s1, s0  }
0xbc: {  	s0 =	sadd.s32 $0x8F2B, s0  }
0xbd: {  	[sflag:s0] =	ssyncadd.remote.s32 $0x1  }
0xbe: {  	_ =	sfence.sel $0xFFFF  }
0xbf: {  	[dreg:$0x0] =	wrdreg $0xFFFFFFFF;
	(pc) =	sbr.abs _section_cstart, $3  }
0xc0: {  	[dreg:$0x1] =	wrdreg $0xFFFFFFFF  }
0xc1: {  	_ =	task.clear_ibuf [dreg:s7], $0x2FFFF;
	_ =	strace $0x9FFFFFFF  }
0xc2: {  	(tm) =	ssettm $0x7FFFFFFF  }
0xc3: {  	_ =	shalt  }
tec
execute0_lowered:
.L_overlay_start_1:
0x0: {  	(tag) =	ssettag $0x1  }
0x1: {  	s2 =	rddreg [dreg:$0x0]  }
0x2: {  	s0 =	rddreg [dreg:$0x1]  }
0x3: {  	s1 =	srdreg.scid;
	s4 =	stileid.u32;
	s3 =	simm.s32 $0x0  }
0x4: {  	s16 =	simm.s32 $0x2000;
	s17 =	simm.s32 $0x2800;
	s18 =	simm.s32 $0x3000  }
0x5: {  	s19 =	simm.s32 $0x3800;
	s20 =	simm.s32 $0x400;
	s21 =	simm.s32 $0x7A1400  }
0x6: {  	s28 =	simm.s32 $0x2;
	s29 =	simm.s32 $0x6;
	s30 =	simm.s32 $0x3  }
0x7: {  	s31 =	simm.s32 $0x7;
	s1 =	sand.u32 $0x1, s1;
	s4 =	sshll.u32 s4, $0x1  }
0x8: {  	[smem:$0x7FF] =	sst s3;
	s5 =	sadd.s32 $0x800, s0;
	s0 =	sadd.s32 $0x1E8D00, s0  }
0x9: {  	s4 =	sor.u32 s1, s4;
	_ =	strace $0x80000047;
	s1 =	ssub.s32 $0x2, s1  }
0xa: {  	[dreg:$0x4] =	wrdreg s0;
	s6 =	sshll.u32 s4, $0x7;
	s7 =	sshrl.u32 s1, $0x1  }
0xb: {  	s10 =	sor.u32 $0x80, s4;
	s25 =	sshll.u32 s4, $0x8;
	s11 =	sor.u32 $0xA0, s4  }
0xc: {  	s12 =	sor.u32 $0xC0, s4;
	p0 =	sgt.u32 s4, $0x4;
	s6 =	sadd.s32 s2, s6  }
0xd: {  	s13 =	sadd.s32 s5, s25;
	s23 =	sadd.s32 $0x1000, s6;
	[dreg:$0x3] =	wrdreg s6  }
.Ltmp0:
0xe: {  	s24 =	sadd.s32 $0x2000, s6;
	[dreg:$0x5] =	wrdreg s23;
	(pc) =	sbr.rel .LBB2_1-.Ltmp0, $4  }
0xf: {  	s1 =	ssub.s32 s1, s7;
	s0 =	sadd.s32 $0x1E8000, s13;
	[dreg:$0x6] =	wrdreg s24  }
0x10: {  	s25 =	simm.s32 $0x1;
	s26 =	smax.u32 s1, $0x1;
	[dreg:$0x7] =	wrdreg s0  }
0x11: {  	v0 =	vlaneseq.u32;
	s7 =	simm.s32 $0x0;
	s1 =	simm.s32 $0x8;
	[dreg:$0x8] =	wrdreg s26  }
0x12: {  	v0 =	vmul.u32 $0x10, v0;
	s24 =	simm.s32 $0x1800;
	s26 =	simm.s32 $0x5;
	s0 =	simm.s32 $0x4  }
.LBB2_15:
0x13: {  	_ =	swait.ge [sflag:s26], $0x800  }
0x14: {  	[sflag:s26] =	ssyncset.done $0x0  }
0x15: {  	[sflag:s26] =	ssyncadd.s32 $0xFFFFF800  }
0x16: {  	_ =	swait.ge [sflag:s29], $0x800  }
0x17: {  	[sflag:s29] =	ssyncset.done $0x0  }
0x18: {  	[sflag:s29] =	ssyncadd.s32 $0xFFFFF800  }
0x19: {  	_ =	swait.ge [sflag:s31], $0x800  }
0x1a: {  	[sflag:s31] =	ssyncset.done $0x0  }
0x1b: {  	[sflag:s31] =	ssyncadd.s32 $0xFFFFF800  }
0x1c: {  	_ =	swait.ge [sflag:s1], $0x800  }
0x1d: {  	s7 =	sadd.s32 $0x1, s7;
	s6 =	rddreg [dreg:$0x8]  }
0x1e: {  	p1 =	sne.s32 s7, s6  }
.Ltmp1:
0x1f: {  	_ = 	snop;
	(pc) =	sbr.rel @!p1 .LBB2_16-.Ltmp1, $3  }
0x20: {  	_ =	sdelay $0x1  }
0x21: {  	[sflag:s1] =	ssyncset.done $0x0  }
0x22: {  	[sflag:s1] =	ssyncadd.s32 $0xFFFFF800  }
.LBB2_1:
0x23: {  	s6 =	rddreg [dreg:$0x4]  }
0x24: {  	[hbm4b:s6+s3] =	stream.linear.scatter [tilespmem:s16], [sflag:$0x5], $0x800, $0x38;
	[tilespmem:$0x4000] =	vst v63  }
0x25: {  	_ = 	snop  }
0x26: {  	[hbm4b:s6+s3] =	stream.linear.scatter [tilespmem:s17], [sflag:$0x6], $0x800, $0x38;
	[tilespmem:$0x4000] =	vst v63  }
0x27: {  	_ = 	snop  }
0x28: {  	[hbm4b:s6+s3] =	stream.linear.scatter [tilespmem:s18], [sflag:$0x7], $0x800, $0x38;
	[tilespmem:$0x4000] =	vst v63  }
0x29: {  	_ = 	snop  }
0x2a: {  	[hbm4b:s6+s3] =	stream.linear.scatter [tilespmem:s19], [sflag:$0x8], $0x800, $0x38;
	[tilespmem:$0x4000] =	vst v63  }
0x2b: {  	s9 =	rddreg [dreg:$0x3]  }
0x2c: {  	[tilespmem:s3], [sflag:$0x1] =	stream.strided.gather [hbm4b:s9+s20], $0x800, s21, s20, $0x38;
	[tilespmem:$0x4000] =	vst v63  }
0x2d: {  	s14 =	rddreg [dreg:$0x5];
	s15 =	simm.s32 $0x800  }
0x2e: {  	[tilespmem:s15], [sflag:$0x2] =	stream.strided.gather [hbm4b:s14+s20], $0x800, s21, s20, $0x38;
	[tilespmem:$0x4000] =	vst v63  }
0x2f: {  	s22 =	rddreg [dreg:$0x6];
	s23 =	simm.s32 $0x1000  }
0x30: {  	[tilespmem:s23], [sflag:$0x3] =	stream.strided.gather [hbm4b:s22+s20], $0x800, s21, s20, $0x38;
	[tilespmem:$0x4000] =	vst v63  }
0x31: {  	[dreg:$0x9] =	wrdreg s7;
	s23 =	simm.s32 $0x0  }
.LBB2_2:
0x32: {  	s8 =	sshll.u32 s23, $0x7  }
0x33: {  	s9 =	sor.u32 s8, s4  }
0x34: {  	s14 =	sor.u32 $0x60, s9  }
0x35: {  	s15 =	sshll.u32 s14, $0x7  }
0x36: {  	s15 =	sadd.s32 s2, s15  }
0x37: {  	[tilespmem:s24], [sflag:$0x4] =	stream.strided.gather [hbm4b:s15+s20], $0x800, s21, s20, $0x38;
	[tilespmem:$0x4000] =	vst v63  }
0x38: {  	_ =	swait.ge [sflag:s25], $0x800  }
0x39: {  	[sflag:s25] =	ssyncset.done $0x0  }
0x3a: {  	[sflag:s25] =	ssyncadd.s32 $0xFFFFF800  }
0x3b: {  	_ =	swait.ge [sflag:s26], $0x800  }
0x3c: {  	[sflag:s26] =	ssyncset.done $0x0  }
0x3d: {  	p1 =	por $0x1, $0x1;
	s15 =	simm.s32 $0x0;
	[sflag:s26] =	ssyncadd.s32 $0xFFFFF800  }
.LBB2_3:
0x3e: {  	v1 =	vmov s15;
	s6 =	sor.u32 $0x10, s15  }
0x3f: {  	s7 =	sor.u32 $0x20, s15;
	v1 =	vshll.u32 v1, $0x4;
	v2 =	vmov s6  }
0x40: {  	v5 =	vld [tilespmem:s15+$0x0];
	s22 =	sor.u32 $0x30, s15;
	v3 =	vmov s7;
	v1 =	vor.u32 v0, v1;
	v2 =	vshll.u32 v2, $0x4  }
0x41: {  	v6 =	vld [tilespmem:s6+$0x0];
	v4 =	vmov s22;
	v3 =	vshll.u32 v3, $0x4;
	v2 =	vor.u32 v0, v2  }
0x42: {  	v7 =	vld [tilespmem:s7+$0x0];
	v4 =	vshll.u32 v4, $0x4;
	v3 =	vor.u32 v0, v3  }
0x43: {  	v8 =	vld [tilespmem:s22+$0x0];
	v4 =	vor.u32 v0, v4;
	_ =	sdelay $0x1  }
0x44: {  	[tilespmem:v1+s16+$0x0] =	vst.idx.msk $0xffff, v5  }
0x45: {  	v9 =	vor.u32 $0x1, v1;
	v5 =	vld [tilespmem:s15+$0x80];
	[tilespmem:v2+s16+$0x0] =	vst.idx.msk $0xffff, v6  }
0x46: {  	v10 =	vor.u32 $0x1, v2;
	[tilespmem:v3+s16+$0x0] =	vst.idx.msk $0xffff, v7;
	v6 =	vld [tilespmem:s15+$0x90]  }
0x47: {  	v11 =	vor.u32 $0x1, v3;
	[tilespmem:v4+s16+$0x0] =	vst.idx.msk $0xffff, v8;
	v7 =	vld [tilespmem:s15+$0xA0]  }
0x48: {  	v12 =	vor.u32 $0x1, v4;
	v8 =	vld [tilespmem:s15+$0xB0];
	_ =	sdelay $0x1  }
0x49: {  	[tilespmem:v9+s16+$0x0] =	vst.idx.msk $0xffff, v5  }
0x4a: {  	v60 =	vor.u32 $0x2, v1;
	v5 =	vld [tilespmem:s15+$0x100];
	[tilespmem:v10+s16+$0x0] =	vst.idx.msk $0xffff, v6  }
0x4b: {  	v61 =	vor.u32 $0x2, v2;
	[tilespmem:v11+s16+$0x0] =	vst.idx.msk $0xffff, v7;
	v6 =	vld [tilespmem:s15+$0x110]  }
0x4c: {  	v62 =	vor.u32 $0x2, v3;
	[tilespmem:v12+s16+$0x0] =	vst.idx.msk $0xffff, v8;
	v7 =	vld [tilespmem:s15+$0x120]  }
0x4d: {  	v63 =	vor.u32 $0x2, v4;
	v8 =	vld [tilespmem:s15+$0x130];
	_ =	sdelay $0x1  }
0x4e: {  	[tilespmem:v60+s16+$0x0] =	vst.idx.msk $0xffff, v5  }
0x4f: {  	v16 =	vor.u32 $0x3, v1;
	v5 =	vld [tilespmem:s15+$0x180];
	[tilespmem:v61+s16+$0x0] =	vst.idx.msk $0xffff, v6  }
0x50: {  	v17 =	vor.u32 $0x3, v2;
	[tilespmem:v62+s16+$0x0] =	vst.idx.msk $0xffff, v7;
	v6 =	vld [tilespmem:s15+$0x190]  }
0x51: {  	v18 =	vor.u32 $0x3, v3;
	[tilespmem:v63+s16+$0x0] =	vst.idx.msk $0xffff, v8;
	v7 =	vld [tilespmem:s15+$0x1A0]  }
0x52: {  	v19 =	vor.u32 $0x3, v4;
	v8 =	vld [tilespmem:s15+$0x1B0];
	_ =	sdelay $0x1  }
0x53: {  	[tilespmem:v16+s16+$0x0] =	vst.idx.msk $0xffff, v5  }
0x54: {  	v20 =	vor.u32 $0x4, v1;
	v5 =	vld [tilespmem:s15+$0x200];
	[tilespmem:v17+s16+$0x0] =	vst.idx.msk $0xffff, v6  }
0x55: {  	v21 =	vor.u32 $0x4, v2;
	[tilespmem:v18+s16+$0x0] =	vst.idx.msk $0xffff, v7;
	v6 =	vld [tilespmem:s15+$0x210]  }
0x56: {  	v22 =	vor.u32 $0x4, v3;
	[tilespmem:v19+s16+$0x0] =	vst.idx.msk $0xffff, v8;
	v7 =	vld [tilespmem:s15+$0x220]  }
0x57: {  	v23 =	vor.u32 $0x4, v4;
	v8 =	vld [tilespmem:s15+$0x230];
	_ =	sdelay $0x1  }
0x58: {  	[tilespmem:v20+s16+$0x0] =	vst.idx.msk $0xffff, v5  }
0x59: {  	v24 =	vor.u32 $0x5, v1;
	v5 =	vld [tilespmem:s15+$0x280];
	[tilespmem:v21+s16+$0x0] =	vst.idx.msk $0xffff, v6  }
0x5a: {  	v25 =	vor.u32 $0x5, v2;
	[tilespmem:v22+s16+$0x0] =	vst.idx.msk $0xffff, v7;
	v6 =	vld [tilespmem:s15+$0x290]  }
0x5b: {  	v26 =	vor.u32 $0x5, v3;
	[tilespmem:v23+s16+$0x0] =	vst.idx.msk $0xffff, v8;
	v7 =	vld [tilespmem:s15+$0x2A0]  }
0x5c: {  	v27 =	vor.u32 $0x5, v4;
	v8 =	vld [tilespmem:s15+$0x2B0];
	_ =	sdelay $0x1  }
0x5d: {  	[tilespmem:v24+s16+$0x0] =	vst.idx.msk $0xffff, v5  }
0x5e: {  	v28 =	vor.u32 $0x6, v1;
	v5 =	vld [tilespmem:s15+$0x300];
	[tilespmem:v25+s16+$0x0] =	vst.idx.msk $0xffff, v6  }
0x5f: {  	v29 =	vor.u32 $0x6, v2;
	[tilespmem:v26+s16+$0x0] =	vst.idx.msk $0xffff, v7;
	v6 =	vld [tilespmem:s15+$0x310]  }
0x60: {  	v30 =	vor.u32 $0x6, v3;
	[tilespmem:v27+s16+$0x0] =	vst.idx.msk $0xffff, v8;
	v7 =	vld [tilespmem:s15+$0x320]  }
0x61: {  	v31 =	vor.u32 $0x6, v4;
	v8 =	vld [tilespmem:s15+$0x330];
	_ =	sdelay $0x1  }
0x62: {  	[tilespmem:v28+s16+$0x0] =	vst.idx.msk $0xffff, v5  }
0x63: {  	v32 =	vor.u32 $0x7, v1;
	v5 =	vld [tilespmem:s15+$0x380];
	[tilespmem:v29+s16+$0x0] =	vst.idx.msk $0xffff, v6  }
0x64: {  	v33 =	vor.u32 $0x7, v2;
	[tilespmem:v30+s16+$0x0] =	vst.idx.msk $0xffff, v7;
	v6 =	vld [tilespmem:s15+$0x390]  }
0x65: {  	v34 =	vor.u32 $0x7, v3;
	[tilespmem:v31+s16+$0x0] =	vst.idx.msk $0xffff, v8;
	v7 =	vld [tilespmem:s15+$0x3A0]  }
0x66: {  	v35 =	vor.u32 $0x7, v4;
	v8 =	vld [tilespmem:s15+$0x3B0];
	_ =	sdelay $0x1  }
0x67: {  	[tilespmem:v32+s16+$0x0] =	vst.idx.msk $0xffff, v5  }
0x68: {  	v36 =	vor.u32 $0x8, v1;
	v5 =	vld [tilespmem:s15+$0x400];
	[tilespmem:v33+s16+$0x0] =	vst.idx.msk $0xffff, v6  }
0x69: {  	v37 =	vor.u32 $0x8, v2;
	[tilespmem:v34+s16+$0x0] =	vst.idx.msk $0xffff, v7;
	v6 =	vld [tilespmem:s15+$0x410]  }
0x6a: {  	v38 =	vor.u32 $0x8, v3;
	[tilespmem:v35+s16+$0x0] =	vst.idx.msk $0xffff, v8;
	v7 =	vld [tilespmem:s15+$0x420]  }
0x6b: {  	v39 =	vor.u32 $0x8, v4;
	v8 =	vld [tilespmem:s15+$0x430];
	_ =	sdelay $0x1  }
0x6c: {  	[tilespmem:v36+s16+$0x0] =	vst.idx.msk $0xffff, v5  }
0x6d: {  	v40 =	vor.u32 $0x9, v1;
	v5 =	vld [tilespmem:s15+$0x480];
	[tilespmem:v37+s16+$0x0] =	vst.idx.msk $0xffff, v6  }
0x6e: {  	v41 =	vor.u32 $0x9, v2;
	[tilespmem:v38+s16+$0x0] =	vst.idx.msk $0xffff, v7;
	v6 =	vld [tilespmem:s15+$0x490]  }
0x6f: {  	v42 =	vor.u32 $0x9, v3;
	[tilespmem:v39+s16+$0x0] =	vst.idx.msk $0xffff, v8;
	v7 =	vld [tilespmem:s15+$0x4A0]  }
0x70: {  	v43 =	vor.u32 $0x9, v4;
	v8 =	vld [tilespmem:s15+$0x4B0];
	_ =	sdelay $0x1  }
0x71: {  	[tilespmem:v40+s16+$0x0] =	vst.idx.msk $0xffff, v5  }
0x72: {  	v44 =	vor.u32 $0xA, v1;
	v5 =	vld [tilespmem:s15+$0x500];
	[tilespmem:v41+s16+$0x0] =	vst.idx.msk $0xffff, v6  }
0x73: {  	v45 =	vor.u32 $0xA, v2;
	[tilespmem:v42+s16+$0x0] =	vst.idx.msk $0xffff, v7;
	v6 =	vld [tilespmem:s15+$0x510]  }
0x74: {  	v46 =	vor.u32 $0xA, v3;
	[tilespmem:v43+s16+$0x0] =	vst.idx.msk $0xffff, v8;
	v7 =	vld [tilespmem:s15+$0x520]  }
0x75: {  	v47 =	vor.u32 $0xA, v4;
	v8 =	vld [tilespmem:s15+$0x530];
	_ =	sdelay $0x1  }
0x76: {  	[tilespmem:v44+s16+$0x0] =	vst.idx.msk $0xffff, v5  }
0x77: {  	v48 =	vor.u32 $0xB, v1;
	v5 =	vld [tilespmem:s15+$0x580];
	[tilespmem:v45+s16+$0x0] =	vst.idx.msk $0xffff, v6  }
0x78: {  	v49 =	vor.u32 $0xB, v2;
	[tilespmem:v46+s16+$0x0] =	vst.idx.msk $0xffff, v7;
	v6 =	vld [tilespmem:s15+$0x590]  }
0x79: {  	v50 =	vor.u32 $0xB, v3;
	[tilespmem:v47+s16+$0x0] =	vst.idx.msk $0xffff, v8;
	v7 =	vld [tilespmem:s15+$0x5A0]  }
0x7a: {  	v51 =	vor.u32 $0xB, v4;
	v8 =	vld [tilespmem:s15+$0x5B0];
	_ =	sdelay $0x1  }
0x7b: {  	[tilespmem:v48+s16+$0x0] =	vst.idx.msk $0xffff, v5  }
0x7c: {  	v52 =	vor.u32 $0xC, v1;
	v5 =	vld [tilespmem:s15+$0x600];
	[tilespmem:v49+s16+$0x0] =	vst.idx.msk $0xffff, v6  }
0x7d: {  	v53 =	vor.u32 $0xC, v2;
	[tilespmem:v50+s16+$0x0] =	vst.idx.msk $0xffff, v7;
	v6 =	vld [tilespmem:s15+$0x610]  }
0x7e: {  	v54 =	vor.u32 $0xC, v3;
	[tilespmem:v51+s16+$0x0] =	vst.idx.msk $0xffff, v8;
	v7 =	vld [tilespmem:s15+$0x620]  }
0x7f: {  	v55 =	vor.u32 $0xC, v4;
	v8 =	vld [tilespmem:s15+$0x630];
	_ =	sdelay $0x1  }
0x80: {  	[tilespmem:v52+s16+$0x0] =	vst.idx.msk $0xffff, v5  }
0x81: {  	v56 =	vor.u32 $0xD, v1;
	v5 =	vld [tilespmem:s15+$0x680];
	[tilespmem:v53+s16+$0x0] =	vst.idx.msk $0xffff, v6  }
0x82: {  	v57 =	vor.u32 $0xD, v2;
	[tilespmem:v54+s16+$0x0] =	vst.idx.msk $0xffff, v7;
	v6 =	vld [tilespmem:s15+$0x690]  }
0x83: {  	v58 =	vor.u32 $0xD, v3;
	[tilespmem:v55+s16+$0x0] =	vst.idx.msk $0xffff, v8;
	v7 =	vld [tilespmem:s15+$0x6A0]  }
0x84: {  	v59 =	vor.u32 $0xD, v4;
	v8 =	vld [tilespmem:s15+$0x6B0];
	_ =	sdelay $0x1  }
0x85: {  	[tilespmem:v56+s16+$0x0] =	vst.idx.msk $0xffff, v5  }
0x86: {  	v60 =	vor.u32 $0xE, v1;
	v5 =	vld [tilespmem:s15+$0x700];
	[tilespmem:v57+s16+$0x0] =	vst.idx.msk $0xffff, v6  }
0x87: {  	v61 =	vor.u32 $0xE, v2;
	[tilespmem:v58+s16+$0x0] =	vst.idx.msk $0xffff, v7;
	v6 =	vld [tilespmem:s15+$0x710]  }
0x88: {  	v62 =	vor.u32 $0xE, v3;
	[tilespmem:v59+s16+$0x0] =	vst.idx.msk $0xffff, v8;
	v7 =	vld [tilespmem:s15+$0x720]  }
0x89: {  	v63 =	vor.u32 $0xE, v4;
	v8 =	vld [tilespmem:s15+$0x730];
	_ =	sdelay $0x1  }
0x8a: {  	[tilespmem:v60+s16+$0x0] =	vst.idx.msk $0xffff, v5  }
0x8b: {  	v1 =	vor.u32 $0xF, v1;
	[tilespmem:v61+s16+$0x0] =	vst.idx.msk $0xffff, v6;
	v5 =	vld [tilespmem:s15+$0x780]  }
0x8c: {  	v2 =	vor.u32 $0xF, v2;
	[tilespmem:v62+s16+$0x0] =	vst.idx.msk $0xffff, v7;
	v6 =	vld [tilespmem:s15+$0x790]  }
0x8d: {  	v3 =	vor.u32 $0xF, v3;
	[tilespmem:v63+s16+$0x0] =	vst.idx.msk $0xffff, v8;
	v7 =	vld [tilespmem:s15+$0x7A0]  }
0x8e: {  	p2 =	por p1, p1;
	v4 =	vor.u32 $0xF, v4;
	v8 =	vld [tilespmem:s15+$0x7B0]  }
.Ltmp2:
0x8f: {  	_ = 	snop;
	(pc) =	sbr.rel @p2 .LBB2_3-.Ltmp2, $4  }
0x90: {  	[tilespmem:v1+s16+$0x0] =	vst.idx.msk $0xffff, v5  }
0x91: {  	[tilespmem:v2+s16+$0x0] =	vst.idx.msk $0xffff, v6  }
0x92: {  	[tilespmem:v3+s16+$0x0] =	vst.idx.msk $0xffff, v7  }
0x93: {  	p1 =	por $0x0, $0x0;
	s15 =	simm.s32 $0x40;
	[tilespmem:v4+s16+$0x0] =	vst.idx.msk $0xffff, v8  }
0x94: {  	s6 =	sshll.u32 s23, $0xF  }
0x95: {  	s6 =	sadd.s32 s6, s13  }
0x96: {  	[hbm4b:s6+s3] =	stream.linear.scatter [tilespmem:s16], [sflag:$0x5], $0x800, $0x38;
	[tilespmem:$0x4000] =	vst v63  }
0x97: {  	s6 =	sadd.s32 s10, s8  }
0x98: {  	p1 =	sgt.u32 s6, $0x1E84  }
0x99: {  	s6 =	sshll.u32 @!p1 s6, $0x7;
	s7 =	simm.s32 @!p1 $0x400  }
0x9a: {  	s15 =	simm.s32 @!p1 $0x7A1400;
	s22 =	simm.s32 @!p1 $0x0;
	s6 =	sadd.s32 @!p1 s2, s6  }
0x9b: {  	[tilespmem:s22], [sflag:$0x1] =	stream.strided.gather @!p1 [hbm4b:s6+s7], $0x800, s15, s7, $0x38;
	[tilespmem:$0x4000] =	vst v63  }
0x9c: {  	_ =	swait.ge [sflag:s28], $0x800  }
0x9d: {  	[sflag:s28] =	ssyncset.done $0x0  }
0x9e: {  	[sflag:s28] =	ssyncadd.s32 $0xFFFFF800  }
0x9f: {  	_ =	swait.ge [sflag:s29], $0x800  }
0xa0: {  	[sflag:s29] =	ssyncset.done $0x0  }
0xa1: {  	s15 =	simm.s32 $0x0;
	p1 =	por $0x1, $0x1;
	[sflag:s29] =	ssyncadd.s32 $0xFFFFF800  }
.LBB2_5:
0xa2: {  	v1 =	vmov s15;
	s6 =	sor.u32 $0x10, s15  }
0xa3: {  	s7 =	sor.u32 $0x20, s15;
	v1 =	vshll.u32 v1, $0x4;
	v2 =	vmov s6  }
0xa4: {  	v5 =	vld [tilespmem:s15+$0x800];
	s22 =	sor.u32 $0x30, s15;
	v3 =	vmov s7;
	v1 =	vor.u32 v0, v1;
	v2 =	vshll.u32 v2, $0x4  }
0xa5: {  	v6 =	vld [tilespmem:s15+$0x810];
	v4 =	vmov s22;
	v3 =	vshll.u32 v3, $0x4;
	v2 =	vor.u32 v0, v2  }
0xa6: {  	v7 =	vld [tilespmem:s15+$0x820];
	v4 =	vshll.u32 v4, $0x4;
	v3 =	vor.u32 v0, v3  }
0xa7: {  	v8 =	vld [tilespmem:s15+$0x830];
	v4 =	vor.u32 v0, v4;
	_ =	sdelay $0x1  }
0xa8: {  	[tilespmem:v1+s17+$0x0] =	vst.idx.msk $0xffff, v5  }
0xa9: {  	v9 =	vor.u32 $0x1, v1;
	v5 =	vld [tilespmem:s15+$0x880];
	[tilespmem:v2+s17+$0x0] =	vst.idx.msk $0xffff, v6  }
0xaa: {  	v10 =	vor.u32 $0x1, v2;
	[tilespmem:v3+s17+$0x0] =	vst.idx.msk $0xffff, v7;
	v6 =	vld [tilespmem:s15+$0x890]  }
0xab: {  	v11 =	vor.u32 $0x1, v3;
	[tilespmem:v4+s17+$0x0] =	vst.idx.msk $0xffff, v8;
	v7 =	vld [tilespmem:s15+$0x8A0]  }
0xac: {  	v12 =	vor.u32 $0x1, v4;
	v8 =	vld [tilespmem:s15+$0x8B0];
	_ =	sdelay $0x1  }
0xad: {  	[tilespmem:v9+s17+$0x0] =	vst.idx.msk $0xffff, v5  }
0xae: {  	v60 =	vor.u32 $0x2, v1;
	v5 =	vld [tilespmem:s15+$0x900];
	[tilespmem:v10+s17+$0x0] =	vst.idx.msk $0xffff, v6  }
0xaf: {  	v61 =	vor.u32 $0x2, v2;
	[tilespmem:v11+s17+$0x0] =	vst.idx.msk $0xffff, v7;
	v6 =	vld [tilespmem:s15+$0x910]  }
0xb0: {  	v62 =	vor.u32 $0x2, v3;
	[tilespmem:v12+s17+$0x0] =	vst.idx.msk $0xffff, v8;
	v7 =	vld [tilespmem:s15+$0x920]  }
0xb1: {  	v63 =	vor.u32 $0x2, v4;
	v8 =	vld [tilespmem:s15+$0x930];
	_ =	sdelay $0x1  }
0xb2: {  	[tilespmem:v60+s17+$0x0] =	vst.idx.msk $0xffff, v5  }
0xb3: {  	v16 =	vor.u32 $0x3, v1;
	v5 =	vld [tilespmem:s15+$0x980];
	[tilespmem:v61+s17+$0x0] =	vst.idx.msk $0xffff, v6  }
0xb4: {  	v17 =	vor.u32 $0x3, v2;
	[tilespmem:v62+s17+$0x0] =	vst.idx.msk $0xffff, v7;
	v6 =	vld [tilespmem:s15+$0x990]  }
0xb5: {  	v18 =	vor.u32 $0x3, v3;
	[tilespmem:v63+s17+$0x0] =	vst.idx.msk $0xffff, v8;
	v7 =	vld [tilespmem:s15+$0x9A0]  }
0xb6: {  	v19 =	vor.u32 $0x3, v4;
	v8 =	vld [tilespmem:s15+$0x9B0];
	_ =	sdelay $0x1  }
0xb7: {  	[tilespmem:v16+s17+$0x0] =	vst.idx.msk $0xffff, v5  }
0xb8: {  	v20 =	vor.u32 $0x4, v1;
	v5 =	vld [tilespmem:s15+$0xA00];
	[tilespmem:v17+s17+$0x0] =	vst.idx.msk $0xffff, v6  }
0xb9: {  	v21 =	vor.u32 $0x4, v2;
	[tilespmem:v18+s17+$0x0] =	vst.idx.msk $0xffff, v7;
	v6 =	vld [tilespmem:s15+$0xA10]  }
0xba: {  	v22 =	vor.u32 $0x4, v3;
	[tilespmem:v19+s17+$0x0] =	vst.idx.msk $0xffff, v8;
	v7 =	vld [tilespmem:s15+$0xA20]  }
0xbb: {  	v23 =	vor.u32 $0x4, v4;
	v8 =	vld [tilespmem:s15+$0xA30];
	_ =	sdelay $0x1  }
0xbc: {  	[tilespmem:v20+s17+$0x0] =	vst.idx.msk $0xffff, v5  }
0xbd: {  	v24 =	vor.u32 $0x5, v1;
	v5 =	vld [tilespmem:s15+$0xA80];
	[tilespmem:v21+s17+$0x0] =	vst.idx.msk $0xffff, v6  }
0xbe: {  	v25 =	vor.u32 $0x5, v2;
	[tilespmem:v22+s17+$0x0] =	vst.idx.msk $0xffff, v7;
	v6 =	vld [tilespmem:s15+$0xA90]  }
0xbf: {  	v26 =	vor.u32 $0x5, v3;
	[tilespmem:v23+s17+$0x0] =	vst.idx.msk $0xffff, v8;
	v7 =	vld [tilespmem:s15+$0xAA0]  }
0xc0: {  	v27 =	vor.u32 $0x5, v4;
	v8 =	vld [tilespmem:s15+$0xAB0];
	_ =	sdelay $0x1  }
0xc1: {  	[tilespmem:v24+s17+$0x0] =	vst.idx.msk $0xffff, v5  }
0xc2: {  	v28 =	vor.u32 $0x6, v1;
	v5 =	vld [tilespmem:s15+$0xB00];
	[tilespmem:v25+s17+$0x0] =	vst.idx.msk $0xffff, v6  }
0xc3: {  	v29 =	vor.u32 $0x6, v2;
	[tilespmem:v26+s17+$0x0] =	vst.idx.msk $0xffff, v7;
	v6 =	vld [tilespmem:s15+$0xB10]  }
0xc4: {  	v30 =	vor.u32 $0x6, v3;
	[tilespmem:v27+s17+$0x0] =	vst.idx.msk $0xffff, v8;
	v7 =	vld [tilespmem:s15+$0xB20]  }
0xc5: {  	v31 =	vor.u32 $0x6, v4;
	v8 =	vld [tilespmem:s15+$0xB30];
	_ =	sdelay $0x1  }
0xc6: {  	[tilespmem:v28+s17+$0x0] =	vst.idx.msk $0xffff, v5  }
0xc7: {  	v32 =	vor.u32 $0x7, v1;
	v5 =	vld [tilespmem:s15+$0xB80];
	[tilespmem:v29+s17+$0x0] =	vst.idx.msk $0xffff, v6  }
0xc8: {  	v33 =	vor.u32 $0x7, v2;
	[tilespmem:v30+s17+$0x0] =	vst.idx.msk $0xffff, v7;
	v6 =	vld [tilespmem:s15+$0xB90]  }
0xc9: {  	v34 =	vor.u32 $0x7, v3;
	[tilespmem:v31+s17+$0x0] =	vst.idx.msk $0xffff, v8;
	v7 =	vld [tilespmem:s15+$0xBA0]  }
0xca: {  	v35 =	vor.u32 $0x7, v4;
	v8 =	vld [tilespmem:s15+$0xBB0];
	_ =	sdelay $0x1  }
0xcb: {  	[tilespmem:v32+s17+$0x0] =	vst.idx.msk $0xffff, v5  }
0xcc: {  	v36 =	vor.u32 $0x8, v1;
	v5 =	vld [tilespmem:s15+$0xC00];
	[tilespmem:v33+s17+$0x0] =	vst.idx.msk $0xffff, v6  }
0xcd: {  	v37 =	vor.u32 $0x8, v2;
	[tilespmem:v34+s17+$0x0] =	vst.idx.msk $0xffff, v7;
	v6 =	vld [tilespmem:s15+$0xC10]  }
0xce: {  	v38 =	vor.u32 $0x8, v3;
	[tilespmem:v35+s17+$0x0] =	vst.idx.msk $0xffff, v8;
	v7 =	vld [tilespmem:s15+$0xC20]  }
0xcf: {  	v39 =	vor.u32 $0x8, v4;
	v8 =	vld [tilespmem:s15+$0xC30];
	_ =	sdelay $0x1  }
0xd0: {  	[tilespmem:v36+s17+$0x0] =	vst.idx.msk $0xffff, v5  }
0xd1: {  	v40 =	vor.u32 $0x9, v1;
	v5 =	vld [tilespmem:s15+$0xC80];
	[tilespmem:v37+s17+$0x0] =	vst.idx.msk $0xffff, v6  }
0xd2: {  	v41 =	vor.u32 $0x9, v2;
	[tilespmem:v38+s17+$0x0] =	vst.idx.msk $0xffff, v7;
	v6 =	vld [tilespmem:s15+$0xC90]  }
0xd3: {  	v42 =	vor.u32 $0x9, v3;
	[tilespmem:v39+s17+$0x0] =	vst.idx.msk $0xffff, v8;
	v7 =	vld [tilespmem:s15+$0xCA0]  }
0xd4: {  	v43 =	vor.u32 $0x9, v4;
	v8 =	vld [tilespmem:s15+$0xCB0];
	_ =	sdelay $0x1  }
0xd5: {  	[tilespmem:v40+s17+$0x0] =	vst.idx.msk $0xffff, v5  }
0xd6: {  	v44 =	vor.u32 $0xA, v1;
	v5 =	vld [tilespmem:s15+$0xD00];
	[tilespmem:v41+s17+$0x0] =	vst.idx.msk $0xffff, v6  }
0xd7: {  	v45 =	vor.u32 $0xA, v2;
	[tilespmem:v42+s17+$0x0] =	vst.idx.msk $0xffff, v7;
	v6 =	vld [tilespmem:s15+$0xD10]  }
0xd8: {  	v46 =	vor.u32 $0xA, v3;
	[tilespmem:v43+s17+$0x0] =	vst.idx.msk $0xffff, v8;
	v7 =	vld [tilespmem:s15+$0xD20]  }
0xd9: {  	v47 =	vor.u32 $0xA, v4;
	v8 =	vld [tilespmem:s15+$0xD30];
	_ =	sdelay $0x1  }
0xda: {  	[tilespmem:v44+s17+$0x0] =	vst.idx.msk $0xffff, v5  }
0xdb: {  	v48 =	vor.u32 $0xB, v1;
	v5 =	vld [tilespmem:s15+$0xD80];
	[tilespmem:v45+s17+$0x0] =	vst.idx.msk $0xffff, v6  }
0xdc: {  	v49 =	vor.u32 $0xB, v2;
	[tilespmem:v46+s17+$0x0] =	vst.idx.msk $0xffff, v7;
	v6 =	vld [tilespmem:s15+$0xD90]  }
0xdd: {  	v50 =	vor.u32 $0xB, v3;
	[tilespmem:v47+s17+$0x0] =	vst.idx.msk $0xffff, v8;
	v7 =	vld [tilespmem:s15+$0xDA0]  }
0xde: {  	v51 =	vor.u32 $0xB, v4;
	v8 =	vld [tilespmem:s15+$0xDB0];
	_ =	sdelay $0x1  }
0xdf: {  	[tilespmem:v48+s17+$0x0] =	vst.idx.msk $0xffff, v5  }
0xe0: {  	v52 =	vor.u32 $0xC, v1;
	v5 =	vld [tilespmem:s15+$0xE00];
	[tilespmem:v49+s17+$0x0] =	vst.idx.msk $0xffff, v6  }
0xe1: {  	v53 =	vor.u32 $0xC, v2;
	[tilespmem:v50+s17+$0x0] =	vst.idx.msk $0xffff, v7;
	v6 =	vld [tilespmem:s15+$0xE10]  }
0xe2: {  	v54 =	vor.u32 $0xC, v3;
	[tilespmem:v51+s17+$0x0] =	vst.idx.msk $0xffff, v8;
	v7 =	vld [tilespmem:s15+$0xE20]  }
0xe3: {  	v55 =	vor.u32 $0xC, v4;
	v8 =	vld [tilespmem:s15+$0xE30];
	_ =	sdelay $0x1  }
0xe4: {  	[tilespmem:v52+s17+$0x0] =	vst.idx.msk $0xffff, v5  }
0xe5: {  	v56 =	vor.u32 $0xD, v1;
	v5 =	vld [tilespmem:s15+$0xE80];
	[tilespmem:v53+s17+$0x0] =	vst.idx.msk $0xffff, v6  }
0xe6: {  	v57 =	vor.u32 $0xD, v2;
	[tilespmem:v54+s17+$0x0] =	vst.idx.msk $0xffff, v7;
	v6 =	vld [tilespmem:s15+$0xE90]  }
0xe7: {  	v58 =	vor.u32 $0xD, v3;
	[tilespmem:v55+s17+$0x0] =	vst.idx.msk $0xffff, v8;
	v7 =	vld [tilespmem:s15+$0xEA0]  }
0xe8: {  	v59 =	vor.u32 $0xD, v4;
	v8 =	vld [tilespmem:s15+$0xEB0];
	_ =	sdelay $0x1  }
0xe9: {  	[tilespmem:v56+s17+$0x0] =	vst.idx.msk $0xffff, v5  }
0xea: {  	v60 =	vor.u32 $0xE, v1;
	v5 =	vld [tilespmem:s15+$0xF00];
	[tilespmem:v57+s17+$0x0] =	vst.idx.msk $0xffff, v6  }
0xeb: {  	v61 =	vor.u32 $0xE, v2;
	[tilespmem:v58+s17+$0x0] =	vst.idx.msk $0xffff, v7;
	v6 =	vld [tilespmem:s15+$0xF10]  }
0xec: {  	v62 =	vor.u32 $0xE, v3;
	[tilespmem:v59+s17+$0x0] =	vst.idx.msk $0xffff, v8;
	v7 =	vld [tilespmem:s15+$0xF20]  }
0xed: {  	v63 =	vor.u32 $0xE, v4;
	v8 =	vld [tilespmem:s15+$0xF30];
	_ =	sdelay $0x1  }
0xee: {  	[tilespmem:v60+s17+$0x0] =	vst.idx.msk $0xffff, v5  }
0xef: {  	v1 =	vor.u32 $0xF, v1;
	[tilespmem:v61+s17+$0x0] =	vst.idx.msk $0xffff, v6;
	v5 =	vld [tilespmem:s15+$0xF80]  }
0xf0: {  	v2 =	vor.u32 $0xF, v2;
	[tilespmem:v62+s17+$0x0] =	vst.idx.msk $0xffff, v7;
	v6 =	vld [tilespmem:s15+$0xF90]  }
0xf1: {  	v3 =	vor.u32 $0xF, v3;
	[tilespmem:v63+s17+$0x0] =	vst.idx.msk $0xffff, v8;
	v7 =	vld [tilespmem:s15+$0xFA0]  }
0xf2: {  	p2 =	por p1, p1;
	v4 =	vor.u32 $0xF, v4;
	v8 =	vld [tilespmem:s15+$0xFB0]  }
.Ltmp3:
0xf3: {  	_ = 	snop;
	(pc) =	sbr.rel @p2 .LBB2_5-.Ltmp3, $4  }
0xf4: {  	[tilespmem:v1+s17+$0x0] =	vst.idx.msk $0xffff, v5  }
0xf5: {  	[tilespmem:v2+s17+$0x0] =	vst.idx.msk $0xffff, v6  }
0xf6: {  	[tilespmem:v3+s17+$0x0] =	vst.idx.msk $0xffff, v7  }
0xf7: {  	p1 =	por $0x0, $0x0;
	s15 =	simm.s32 $0x40;
	[tilespmem:v4+s17+$0x0] =	vst.idx.msk $0xffff, v8  }
0xf8: {  	s6 =	sshll.u32 s9, $0x8  }
0xf9: {  	s9 =	sadd.s32 s6, s5  }
0xfa: {  	s6 =	sadd.s32 $0x2000, s9  }
0xfb: {  	[hbm4b:s6+s3] =	stream.linear.scatter [tilespmem:s17], [sflag:$0x6], $0x800, $0x38;
	[tilespmem:$0x4000] =	vst v63  }
0xfc: {  	s6 =	sadd.s32 s11, s8  }
0xfd: {  	p1 =	sgt.u32 s6, $0x1E84  }
0xfe: {  	s6 =	sshll.u32 @!p1 s6, $0x7;
	s7 =	simm.s32 @!p1 $0x400  }
0xff: {  	s15 =	simm.s32 @!p1 $0x7A1400;
	s22 =	simm.s32 @!p1 $0x800;
	s6 =	sadd.s32 @!p1 s2, s6  }
0x100: {  	[tilespmem:s22], [sflag:$0x2] =	stream.strided.gather @!p1 [hbm4b:s6+s7], $0x800, s15, s7, $0x38;
	[tilespmem:$0x4000] =	vst v63  }
0x101: {  	_ =	swait.ge [sflag:s30], $0x800  }
0x102: {  	[sflag:s30] =	ssyncset.done $0x0  }
0x103: {  	[sflag:s30] =	ssyncadd.s32 $0xFFFFF800  }
0x104: {  	_ =	swait.ge [sflag:s31], $0x800  }
0x105: {  	[sflag:s31] =	ssyncset.done $0x0  }
0x106: {  	s15 =	simm.s32 $0x0;
	p1 =	por $0x1, $0x1;
	[sflag:s31] =	ssyncadd.s32 $0xFFFFF800  }
.LBB2_7:
0x107: {  	v1 =	vmov s15;
	s6 =	sor.u32 $0x10, s15  }
0x108: {  	s7 =	sor.u32 $0x20, s15;
	v1 =	vshll.u32 v1, $0x4;
	v2 =	vmov s6  }
0x109: {  	v5 =	vld [tilespmem:s15+$0x1000];
	s22 =	sor.u32 $0x30, s15;
	v3 =	vmov s7;
	v1 =	vor.u32 v0, v1;
	v2 =	vshll.u32 v2, $0x4  }
0x10a: {  	v6 =	vld [tilespmem:s15+$0x1010];
	v4 =	vmov s22;
	v3 =	vshll.u32 v3, $0x4;
	v2 =	vor.u32 v0, v2  }
0x10b: {  	v7 =	vld [tilespmem:s15+$0x1020];
	v4 =	vshll.u32 v4, $0x4;
	v3 =	vor.u32 v0, v3  }
0x10c: {  	v8 =	vld [tilespmem:s15+$0x1030];
	v4 =	vor.u32 v0, v4;
	_ =	sdelay $0x1  }
0x10d: {  	[tilespmem:v1+s18+$0x0] =	vst.idx.msk $0xffff, v5  }
0x10e: {  	v9 =	vor.u32 $0x1, v1;
	v5 =	vld [tilespmem:s15+$0x1080];
	[tilespmem:v2+s18+$0x0] =	vst.idx.msk $0xffff, v6  }
0x10f: {  	v10 =	vor.u32 $0x1, v2;
	[tilespmem:v3+s18+$0x0] =	vst.idx.msk $0xffff, v7;
	v6 =	vld [tilespmem:s15+$0x1090]  }
0x110: {  	v11 =	vor.u32 $0x1, v3;
	[tilespmem:v4+s18+$0x0] =	vst.idx.msk $0xffff, v8;
	v7 =	vld [tilespmem:s15+$0x10A0]  }
0x111: {  	v12 =	vor.u32 $0x1, v4;
	v8 =	vld [tilespmem:s15+$0x10B0];
	_ =	sdelay $0x1  }
0x112: {  	[tilespmem:v9+s18+$0x0] =	vst.idx.msk $0xffff, v5  }
0x113: {  	v60 =	vor.u32 $0x2, v1;
	v5 =	vld [tilespmem:s15+$0x1100];
	[tilespmem:v10+s18+$0x0] =	vst.idx.msk $0xffff, v6  }
0x114: {  	v61 =	vor.u32 $0x2, v2;
	[tilespmem:v11+s18+$0x0] =	vst.idx.msk $0xffff, v7;
	v6 =	vld [tilespmem:s15+$0x1110]  }
0x115: {  	v62 =	vor.u32 $0x2, v3;
	[tilespmem:v12+s18+$0x0] =	vst.idx.msk $0xffff, v8;
	v7 =	vld [tilespmem:s15+$0x1120]  }
0x116: {  	v63 =	vor.u32 $0x2, v4;
	v8 =	vld [tilespmem:s15+$0x1130];
	_ =	sdelay $0x1  }
0x117: {  	[tilespmem:v60+s18+$0x0] =	vst.idx.msk $0xffff, v5  }
0x118: {  	v16 =	vor.u32 $0x3, v1;
	v5 =	vld [tilespmem:s15+$0x1180];
	[tilespmem:v61+s18+$0x0] =	vst.idx.msk $0xffff, v6  }
0x119: {  	v17 =	vor.u32 $0x3, v2;
	[tilespmem:v62+s18+$0x0] =	vst.idx.msk $0xffff, v7;
	v6 =	vld [tilespmem:s15+$0x1190]  }
0x11a: {  	v18 =	vor.u32 $0x3, v3;
	[tilespmem:v63+s18+$0x0] =	vst.idx.msk $0xffff, v8;
	v7 =	vld [tilespmem:s15+$0x11A0]  }
0x11b: {  	v19 =	vor.u32 $0x3, v4;
	v8 =	vld [tilespmem:s15+$0x11B0];
	_ =	sdelay $0x1  }
0x11c: {  	[tilespmem:v16+s18+$0x0] =	vst.idx.msk $0xffff, v5  }
0x11d: {  	v20 =	vor.u32 $0x4, v1;
	v5 =	vld [tilespmem:s15+$0x1200];
	[tilespmem:v17+s18+$0x0] =	vst.idx.msk $0xffff, v6  }
0x11e: {  	v21 =	vor.u32 $0x4, v2;
	[tilespmem:v18+s18+$0x0] =	vst.idx.msk $0xffff, v7;
	v6 =	vld [tilespmem:s15+$0x1210]  }
0x11f: {  	v22 =	vor.u32 $0x4, v3;
	[tilespmem:v19+s18+$0x0] =	vst.idx.msk $0xffff, v8;
	v7 =	vld [tilespmem:s15+$0x1220]  }
0x120: {  	v23 =	vor.u32 $0x4, v4;
	v8 =	vld [tilespmem:s15+$0x1230];
	_ =	sdelay $0x1  }
0x121: {  	[tilespmem:v20+s18+$0x0] =	vst.idx.msk $0xffff, v5  }
0x122: {  	v24 =	vor.u32 $0x5, v1;
	v5 =	vld [tilespmem:s15+$0x1280];
	[tilespmem:v21+s18+$0x0] =	vst.idx.msk $0xffff, v6  }
0x123: {  	v25 =	vor.u32 $0x5, v2;
	[tilespmem:v22+s18+$0x0] =	vst.idx.msk $0xffff, v7;
	v6 =	vld [tilespmem:s15+$0x1290]  }
0x124: {  	v26 =	vor.u32 $0x5, v3;
	[tilespmem:v23+s18+$0x0] =	vst.idx.msk $0xffff, v8;
	v7 =	vld [tilespmem:s15+$0x12A0]  }
0x125: {  	v27 =	vor.u32 $0x5, v4;
	v8 =	vld [tilespmem:s15+$0x12B0];
	_ =	sdelay $0x1  }
0x126: {  	[tilespmem:v24+s18+$0x0] =	vst.idx.msk $0xffff, v5  }
0x127: {  	v28 =	vor.u32 $0x6, v1;
	v5 =	vld [tilespmem:s15+$0x1300];
	[tilespmem:v25+s18+$0x0] =	vst.idx.msk $0xffff, v6  }
0x128: {  	v29 =	vor.u32 $0x6, v2;
	[tilespmem:v26+s18+$0x0] =	vst.idx.msk $0xffff, v7;
	v6 =	vld [tilespmem:s15+$0x1310]  }
0x129: {  	v30 =	vor.u32 $0x6, v3;
	[tilespmem:v27+s18+$0x0] =	vst.idx.msk $0xffff, v8;
	v7 =	vld [tilespmem:s15+$0x1320]  }
0x12a: {  	v31 =	vor.u32 $0x6, v4;
	v8 =	vld [tilespmem:s15+$0x1330];
	_ =	sdelay $0x1  }
0x12b: {  	[tilespmem:v28+s18+$0x0] =	vst.idx.msk $0xffff, v5  }
0x12c: {  	v32 =	vor.u32 $0x7, v1;
	v5 =	vld [tilespmem:s15+$0x1380];
	[tilespmem:v29+s18+$0x0] =	vst.idx.msk $0xffff, v6  }
0x12d: {  	v33 =	vor.u32 $0x7, v2;
	[tilespmem:v30+s18+$0x0] =	vst.idx.msk $0xffff, v7;
	v6 =	vld [tilespmem:s15+$0x1390]  }
0x12e: {  	v34 =	vor.u32 $0x7, v3;
	[tilespmem:v31+s18+$0x0] =	vst.idx.msk $0xffff, v8;
	v7 =	vld [tilespmem:s15+$0x13A0]  }
0x12f: {  	v35 =	vor.u32 $0x7, v4;
	v8 =	vld [tilespmem:s15+$0x13B0];
	_ =	sdelay $0x1  }
0x130: {  	[tilespmem:v32+s18+$0x0] =	vst.idx.msk $0xffff, v5  }
0x131: {  	v36 =	vor.u32 $0x8, v1;
	v5 =	vld [tilespmem:s15+$0x1400];
	[tilespmem:v33+s18+$0x0] =	vst.idx.msk $0xffff, v6  }
0x132: {  	v37 =	vor.u32 $0x8, v2;
	[tilespmem:v34+s18+$0x0] =	vst.idx.msk $0xffff, v7;
	v6 =	vld [tilespmem:s15+$0x1410]  }
0x133: {  	v38 =	vor.u32 $0x8, v3;
	[tilespmem:v35+s18+$0x0] =	vst.idx.msk $0xffff, v8;
	v7 =	vld [tilespmem:s15+$0x1420]  }
0x134: {  	v39 =	vor.u32 $0x8, v4;
	v8 =	vld [tilespmem:s15+$0x1430];
	_ =	sdelay $0x1  }
0x135: {  	[tilespmem:v36+s18+$0x0] =	vst.idx.msk $0xffff, v5  }
0x136: {  	v40 =	vor.u32 $0x9, v1;
	v5 =	vld [tilespmem:s15+$0x1480];
	[tilespmem:v37+s18+$0x0] =	vst.idx.msk $0xffff, v6  }
0x137: {  	v41 =	vor.u32 $0x9, v2;
	[tilespmem:v38+s18+$0x0] =	vst.idx.msk $0xffff, v7;
	v6 =	vld [tilespmem:s15+$0x1490]  }
0x138: {  	v42 =	vor.u32 $0x9, v3;
	[tilespmem:v39+s18+$0x0] =	vst.idx.msk $0xffff, v8;
	v7 =	vld [tilespmem:s15+$0x14A0]  }
0x139: {  	v43 =	vor.u32 $0x9, v4;
	v8 =	vld [tilespmem:s15+$0x14B0];
	_ =	sdelay $0x1  }
0x13a: {  	[tilespmem:v40+s18+$0x0] =	vst.idx.msk $0xffff, v5  }
0x13b: {  	v44 =	vor.u32 $0xA, v1;
	v5 =	vld [tilespmem:s15+$0x1500];
	[tilespmem:v41+s18+$0x0] =	vst.idx.msk $0xffff, v6  }
0x13c: {  	v45 =	vor.u32 $0xA, v2;
	[tilespmem:v42+s18+$0x0] =	vst.idx.msk $0xffff, v7;
	v6 =	vld [tilespmem:s15+$0x1510]  }
0x13d: {  	v46 =	vor.u32 $0xA, v3;
	[tilespmem:v43+s18+$0x0] =	vst.idx.msk $0xffff, v8;
	v7 =	vld [tilespmem:s15+$0x1520]  }
0x13e: {  	v47 =	vor.u32 $0xA, v4;
	v8 =	vld [tilespmem:s15+$0x1530];
	_ =	sdelay $0x1  }
0x13f: {  	[tilespmem:v44+s18+$0x0] =	vst.idx.msk $0xffff, v5  }
0x140: {  	v48 =	vor.u32 $0xB, v1;
	v5 =	vld [tilespmem:s15+$0x1580];
	[tilespmem:v45+s18+$0x0] =	vst.idx.msk $0xffff, v6  }
0x141: {  	v49 =	vor.u32 $0xB, v2;
	[tilespmem:v46+s18+$0x0] =	vst.idx.msk $0xffff, v7;
	v6 =	vld [tilespmem:s15+$0x1590]  }
0x142: {  	v50 =	vor.u32 $0xB, v3;
	[tilespmem:v47+s18+$0x0] =	vst.idx.msk $0xffff, v8;
	v7 =	vld [tilespmem:s15+$0x15A0]  }
0x143: {  	v51 =	vor.u32 $0xB, v4;
	v8 =	vld [tilespmem:s15+$0x15B0];
	_ =	sdelay $0x1  }
0x144: {  	[tilespmem:v48+s18+$0x0] =	vst.idx.msk $0xffff, v5  }
0x145: {  	v52 =	vor.u32 $0xC, v1;
	v5 =	vld [tilespmem:s15+$0x1600];
	[tilespmem:v49+s18+$0x0] =	vst.idx.msk $0xffff, v6  }
0x146: {  	v53 =	vor.u32 $0xC, v2;
	[tilespmem:v50+s18+$0x0] =	vst.idx.msk $0xffff, v7;
	v6 =	vld [tilespmem:s15+$0x1610]  }
0x147: {  	v54 =	vor.u32 $0xC, v3;
	[tilespmem:v51+s18+$0x0] =	vst.idx.msk $0xffff, v8;
	v7 =	vld [tilespmem:s15+$0x1620]  }
0x148: {  	v55 =	vor.u32 $0xC, v4;
	v8 =	vld [tilespmem:s15+$0x1630];
	_ =	sdelay $0x1  }
0x149: {  	[tilespmem:v52+s18+$0x0] =	vst.idx.msk $0xffff, v5  }
0x14a: {  	v56 =	vor.u32 $0xD, v1;
	v5 =	vld [tilespmem:s15+$0x1680];
	[tilespmem:v53+s18+$0x0] =	vst.idx.msk $0xffff, v6  }
0x14b: {  	v57 =	vor.u32 $0xD, v2;
	[tilespmem:v54+s18+$0x0] =	vst.idx.msk $0xffff, v7;
	v6 =	vld [tilespmem:s15+$0x1690]  }
0x14c: {  	v58 =	vor.u32 $0xD, v3;
	[tilespmem:v55+s18+$0x0] =	vst.idx.msk $0xffff, v8;
	v7 =	vld [tilespmem:s15+$0x16A0]  }
0x14d: {  	v59 =	vor.u32 $0xD, v4;
	v8 =	vld [tilespmem:s15+$0x16B0];
	_ =	sdelay $0x1  }
0x14e: {  	[tilespmem:v56+s18+$0x0] =	vst.idx.msk $0xffff, v5  }
0x14f: {  	v60 =	vor.u32 $0xE, v1;
	v5 =	vld [tilespmem:s15+$0x1700];
	[tilespmem:v57+s18+$0x0] =	vst.idx.msk $0xffff, v6  }
0x150: {  	v61 =	vor.u32 $0xE, v2;
	[tilespmem:v58+s18+$0x0] =	vst.idx.msk $0xffff, v7;
	v6 =	vld [tilespmem:s15+$0x1710]  }
0x151: {  	v62 =	vor.u32 $0xE, v3;
	[tilespmem:v59+s18+$0x0] =	vst.idx.msk $0xffff, v8;
	v7 =	vld [tilespmem:s15+$0x1720]  }
0x152: {  	v63 =	vor.u32 $0xE, v4;
	v8 =	vld [tilespmem:s15+$0x1730];
	_ =	sdelay $0x1  }
0x153: {  	[tilespmem:v60+s18+$0x0] =	vst.idx.msk $0xffff, v5  }
0x154: {  	v1 =	vor.u32 $0xF, v1;
	[tilespmem:v61+s18+$0x0] =	vst.idx.msk $0xffff, v6;
	v5 =	vld [tilespmem:s15+$0x1780]  }
0x155: {  	v2 =	vor.u32 $0xF, v2;
	[tilespmem:v62+s18+$0x0] =	vst.idx.msk $0xffff, v7;
	v6 =	vld [tilespmem:s15+$0x1790]  }
0x156: {  	v3 =	vor.u32 $0xF, v3;
	[tilespmem:v63+s18+$0x0] =	vst.idx.msk $0xffff, v8;
	v7 =	vld [tilespmem:s15+$0x17A0]  }
0x157: {  	p2 =	por p1, p1;
	v4 =	vor.u32 $0xF, v4;
	v8 =	vld [tilespmem:s15+$0x17B0]  }
.Ltmp4:
0x158: {  	_ = 	snop;
	(pc) =	sbr.rel @p2 .LBB2_7-.Ltmp4, $4  }
0x159: {  	[tilespmem:v1+s18+$0x0] =	vst.idx.msk $0xffff, v5  }
0x15a: {  	[tilespmem:v2+s18+$0x0] =	vst.idx.msk $0xffff, v6  }
0x15b: {  	[tilespmem:v3+s18+$0x0] =	vst.idx.msk $0xffff, v7  }
0x15c: {  	p1 =	por $0x0, $0x0;
	s15 =	simm.s32 $0x40;
	[tilespmem:v4+s18+$0x0] =	vst.idx.msk $0xffff, v8  }
0x15d: {  	s6 =	sadd.s32 $0x4000, s9  }
0x15e: {  	[hbm4b:s6+s3] =	stream.linear.scatter [tilespmem:s18], [sflag:$0x7], $0x800, $0x38;
	[tilespmem:$0x4000] =	vst v63  }
0x15f: {  	s6 =	sadd.s32 s12, s8  }
0x160: {  	p1 =	sgt.u32 s6, $0x1E84  }
0x161: {  	s6 =	sshll.u32 @!p1 s6, $0x7;
	s7 =	simm.s32 @!p1 $0x400  }
0x162: {  	s8 =	simm.s32 @!p1 $0x7A1400;
	s9 =	simm.s32 @!p1 $0x1000;
	s6 =	sadd.s32 @!p1 s2, s6  }
0x163: {  	[tilespmem:s9], [sflag:$0x3] =	stream.strided.gather @!p1 [hbm4b:s6+s7], $0x800, s8, s7, $0x38;
	[tilespmem:$0x4000] =	vst v63  }
0x164: {  	_ =	swait.ge [sflag:s0], $0x800  }
0x165: {  	[sflag:s0] =	ssyncset.done $0x0  }
0x166: {  	[sflag:s0] =	ssyncadd.s32 $0xFFFFF800  }
0x167: {  	_ =	swait.ge [sflag:s1], $0x800  }
0x168: {  	[sflag:s1] =	ssyncset.done $0x0  }
0x169: {  	s8 =	simm.s32 $0x0;
	p1 =	por $0x1, $0x1;
	[sflag:s1] =	ssyncadd.s32 $0xFFFFF800  }
.LBB2_9:
0x16a: {  	v1 =	vmov s8;
	s6 =	sor.u32 $0x10, s8  }
0x16b: {  	s15 =	sor.u32 $0x20, s8;
	v1 =	vshll.u32 v1, $0x4;
	v2 =	vmov s6  }
0x16c: {  	v5 =	vld [tilespmem:s8+$0x1800];
	s22 =	sor.u32 $0x30, s8;
	v3 =	vmov s15;
	v1 =	vor.u32 v0, v1;
	v2 =	vshll.u32 v2, $0x4  }
0x16d: {  	v6 =	vld [tilespmem:s8+$0x1810];
	v4 =	vmov s22;
	v3 =	vshll.u32 v3, $0x4;
	v2 =	vor.u32 v0, v2  }
0x16e: {  	v7 =	vld [tilespmem:s8+$0x1820];
	v4 =	vshll.u32 v4, $0x4;
	v3 =	vor.u32 v0, v3  }
0x16f: {  	v8 =	vld [tilespmem:s8+$0x1830];
	v4 =	vor.u32 v0, v4;
	_ =	sdelay $0x1  }
0x170: {  	[tilespmem:v1+s19+$0x0] =	vst.idx.msk $0xffff, v5  }
0x171: {  	v9 =	vor.u32 $0x1, v1;
	v5 =	vld [tilespmem:s8+$0x1880];
	[tilespmem:v2+s19+$0x0] =	vst.idx.msk $0xffff, v6  }
0x172: {  	v10 =	vor.u32 $0x1, v2;
	[tilespmem:v3+s19+$0x0] =	vst.idx.msk $0xffff, v7;
	v6 =	vld [tilespmem:s8+$0x1890]  }
0x173: {  	v11 =	vor.u32 $0x1, v3;
	[tilespmem:v4+s19+$0x0] =	vst.idx.msk $0xffff, v8;
	v7 =	vld [tilespmem:s8+$0x18A0]  }
0x174: {  	v12 =	vor.u32 $0x1, v4;
	v8 =	vld [tilespmem:s8+$0x18B0];
	_ =	sdelay $0x1  }
0x175: {  	[tilespmem:v9+s19+$0x0] =	vst.idx.msk $0xffff, v5  }
0x176: {  	v60 =	vor.u32 $0x2, v1;
	v5 =	vld [tilespmem:s8+$0x1900];
	[tilespmem:v10+s19+$0x0] =	vst.idx.msk $0xffff, v6  }
0x177: {  	v61 =	vor.u32 $0x2, v2;
	[tilespmem:v11+s19+$0x0] =	vst.idx.msk $0xffff, v7;
	v6 =	vld [tilespmem:s8+$0x1910]  }
0x178: {  	v62 =	vor.u32 $0x2, v3;
	[tilespmem:v12+s19+$0x0] =	vst.idx.msk $0xffff, v8;
	v7 =	vld [tilespmem:s8+$0x1920]  }
0x179: {  	v63 =	vor.u32 $0x2, v4;
	v8 =	vld [tilespmem:s8+$0x1930];
	_ =	sdelay $0x1  }
0x17a: {  	[tilespmem:v60+s19+$0x0] =	vst.idx.msk $0xffff, v5  }
0x17b: {  	v16 =	vor.u32 $0x3, v1;
	v5 =	vld [tilespmem:s8+$0x1980];
	[tilespmem:v61+s19+$0x0] =	vst.idx.msk $0xffff, v6  }
0x17c: {  	v17 =	vor.u32 $0x3, v2;
	[tilespmem:v62+s19+$0x0] =	vst.idx.msk $0xffff, v7;
	v6 =	vld [tilespmem:s8+$0x1990]  }
0x17d: {  	v18 =	vor.u32 $0x3, v3;
	[tilespmem:v63+s19+$0x0] =	vst.idx.msk $0xffff, v8;
	v7 =	vld [tilespmem:s8+$0x19A0]  }
0x17e: {  	v19 =	vor.u32 $0x3, v4;
	v8 =	vld [tilespmem:s8+$0x19B0];
	_ =	sdelay $0x1  }
0x17f: {  	[tilespmem:v16+s19+$0x0] =	vst.idx.msk $0xffff, v5  }
0x180: {  	v20 =	vor.u32 $0x4, v1;
	v5 =	vld [tilespmem:s8+$0x1A00];
	[tilespmem:v17+s19+$0x0] =	vst.idx.msk $0xffff, v6  }
0x181: {  	v21 =	vor.u32 $0x4, v2;
	[tilespmem:v18+s19+$0x0] =	vst.idx.msk $0xffff, v7;
	v6 =	vld [tilespmem:s8+$0x1A10]  }
0x182: {  	v22 =	vor.u32 $0x4, v3;
	[tilespmem:v19+s19+$0x0] =	vst.idx.msk $0xffff, v8;
	v7 =	vld [tilespmem:s8+$0x1A20]  }
0x183: {  	v23 =	vor.u32 $0x4, v4;
	v8 =	vld [tilespmem:s8+$0x1A30];
	_ =	sdelay $0x1  }
0x184: {  	[tilespmem:v20+s19+$0x0] =	vst.idx.msk $0xffff, v5  }
0x185: {  	v24 =	vor.u32 $0x5, v1;
	v5 =	vld [tilespmem:s8+$0x1A80];
	[tilespmem:v21+s19+$0x0] =	vst.idx.msk $0xffff, v6  }
0x186: {  	v25 =	vor.u32 $0x5, v2;
	[tilespmem:v22+s19+$0x0] =	vst.idx.msk $0xffff, v7;
	v6 =	vld [tilespmem:s8+$0x1A90]  }
0x187: {  	v26 =	vor.u32 $0x5, v3;
	[tilespmem:v23+s19+$0x0] =	vst.idx.msk $0xffff, v8;
	v7 =	vld [tilespmem:s8+$0x1AA0]  }
0x188: {  	v27 =	vor.u32 $0x5, v4;
	v8 =	vld [tilespmem:s8+$0x1AB0];
	_ =	sdelay $0x1  }
0x189: {  	[tilespmem:v24+s19+$0x0] =	vst.idx.msk $0xffff, v5  }
0x18a: {  	v28 =	vor.u32 $0x6, v1;
	v5 =	vld [tilespmem:s8+$0x1B00];
	[tilespmem:v25+s19+$0x0] =	vst.idx.msk $0xffff, v6  }
0x18b: {  	v29 =	vor.u32 $0x6, v2;
	[tilespmem:v26+s19+$0x0] =	vst.idx.msk $0xffff, v7;
	v6 =	vld [tilespmem:s8+$0x1B10]  }
0x18c: {  	v30 =	vor.u32 $0x6, v3;
	[tilespmem:v27+s19+$0x0] =	vst.idx.msk $0xffff, v8;
	v7 =	vld [tilespmem:s8+$0x1B20]  }
0x18d: {  	v31 =	vor.u32 $0x6, v4;
	v8 =	vld [tilespmem:s8+$0x1B30];
	_ =	sdelay $0x1  }
0x18e: {  	[tilespmem:v28+s19+$0x0] =	vst.idx.msk $0xffff, v5  }
0x18f: {  	v32 =	vor.u32 $0x7, v1;
	v5 =	vld [tilespmem:s8+$0x1B80];
	[tilespmem:v29+s19+$0x0] =	vst.idx.msk $0xffff, v6  }
0x190: {  	v33 =	vor.u32 $0x7, v2;
	[tilespmem:v30+s19+$0x0] =	vst.idx.msk $0xffff, v7;
	v6 =	vld [tilespmem:s8+$0x1B90]  }
0x191: {  	v34 =	vor.u32 $0x7, v3;
	[tilespmem:v31+s19+$0x0] =	vst.idx.msk $0xffff, v8;
	v7 =	vld [tilespmem:s8+$0x1BA0]  }
0x192: {  	v35 =	vor.u32 $0x7, v4;
	v8 =	vld [tilespmem:s8+$0x1BB0];
	_ =	sdelay $0x1  }
0x193: {  	[tilespmem:v32+s19+$0x0] =	vst.idx.msk $0xffff, v5  }
0x194: {  	v36 =	vor.u32 $0x8, v1;
	v5 =	vld [tilespmem:s8+$0x1C00];
	[tilespmem:v33+s19+$0x0] =	vst.idx.msk $0xffff, v6  }
0x195: {  	v37 =	vor.u32 $0x8, v2;
	[tilespmem:v34+s19+$0x0] =	vst.idx.msk $0xffff, v7;
	v6 =	vld [tilespmem:s8+$0x1C10]  }
0x196: {  	v38 =	vor.u32 $0x8, v3;
	[tilespmem:v35+s19+$0x0] =	vst.idx.msk $0xffff, v8;
	v7 =	vld [tilespmem:s8+$0x1C20]  }
0x197: {  	v39 =	vor.u32 $0x8, v4;
	v8 =	vld [tilespmem:s8+$0x1C30];
	_ =	sdelay $0x1  }
0x198: {  	[tilespmem:v36+s19+$0x0] =	vst.idx.msk $0xffff, v5  }
0x199: {  	v40 =	vor.u32 $0x9, v1;
	v5 =	vld [tilespmem:s8+$0x1C80];
	[tilespmem:v37+s19+$0x0] =	vst.idx.msk $0xffff, v6  }
0x19a: {  	v41 =	vor.u32 $0x9, v2;
	[tilespmem:v38+s19+$0x0] =	vst.idx.msk $0xffff, v7;
	v6 =	vld [tilespmem:s8+$0x1C90]  }
0x19b: {  	v42 =	vor.u32 $0x9, v3;
	[tilespmem:v39+s19+$0x0] =	vst.idx.msk $0xffff, v8;
	v7 =	vld [tilespmem:s8+$0x1CA0]  }
0x19c: {  	v43 =	vor.u32 $0x9, v4;
	v8 =	vld [tilespmem:s8+$0x1CB0];
	_ =	sdelay $0x1  }
0x19d: {  	[tilespmem:v40+s19+$0x0] =	vst.idx.msk $0xffff, v5  }
0x19e: {  	v44 =	vor.u32 $0xA, v1;
	v5 =	vld [tilespmem:s8+$0x1D00];
	[tilespmem:v41+s19+$0x0] =	vst.idx.msk $0xffff, v6  }
0x19f: {  	v45 =	vor.u32 $0xA, v2;
	[tilespmem:v42+s19+$0x0] =	vst.idx.msk $0xffff, v7;
	v6 =	vld [tilespmem:s8+$0x1D10]  }
0x1a0: {  	v46 =	vor.u32 $0xA, v3;
	[tilespmem:v43+s19+$0x0] =	vst.idx.msk $0xffff, v8;
	v7 =	vld [tilespmem:s8+$0x1D20]  }
0x1a1: {  	v47 =	vor.u32 $0xA, v4;
	v8 =	vld [tilespmem:s8+$0x1D30];
	_ =	sdelay $0x1  }
0x1a2: {  	[tilespmem:v44+s19+$0x0] =	vst.idx.msk $0xffff, v5  }
0x1a3: {  	v48 =	vor.u32 $0xB, v1;
	v5 =	vld [tilespmem:s8+$0x1D80];
	[tilespmem:v45+s19+$0x0] =	vst.idx.msk $0xffff, v6  }
0x1a4: {  	v49 =	vor.u32 $0xB, v2;
	[tilespmem:v46+s19+$0x0] =	vst.idx.msk $0xffff, v7;
	v6 =	vld [tilespmem:s8+$0x1D90]  }
0x1a5: {  	v50 =	vor.u32 $0xB, v3;
	[tilespmem:v47+s19+$0x0] =	vst.idx.msk $0xffff, v8;
	v7 =	vld [tilespmem:s8+$0x1DA0]  }
0x1a6: {  	v51 =	vor.u32 $0xB, v4;
	v8 =	vld [tilespmem:s8+$0x1DB0];
	_ =	sdelay $0x1  }
0x1a7: {  	[tilespmem:v48+s19+$0x0] =	vst.idx.msk $0xffff, v5  }
0x1a8: {  	v52 =	vor.u32 $0xC, v1;
	v5 =	vld [tilespmem:s8+$0x1E00];
	[tilespmem:v49+s19+$0x0] =	vst.idx.msk $0xffff, v6  }
0x1a9: {  	v53 =	vor.u32 $0xC, v2;
	[tilespmem:v50+s19+$0x0] =	vst.idx.msk $0xffff, v7;
	v6 =	vld [tilespmem:s8+$0x1E10]  }
0x1aa: {  	v54 =	vor.u32 $0xC, v3;
	[tilespmem:v51+s19+$0x0] =	vst.idx.msk $0xffff, v8;
	v7 =	vld [tilespmem:s8+$0x1E20]  }
0x1ab: {  	v55 =	vor.u32 $0xC, v4;
	v8 =	vld [tilespmem:s8+$0x1E30];
	_ =	sdelay $0x1  }
0x1ac: {  	[tilespmem:v52+s19+$0x0] =	vst.idx.msk $0xffff, v5  }
0x1ad: {  	v56 =	vor.u32 $0xD, v1;
	v5 =	vld [tilespmem:s8+$0x1E80];
	[tilespmem:v53+s19+$0x0] =	vst.idx.msk $0xffff, v6  }
0x1ae: {  	v57 =	vor.u32 $0xD, v2;
	[tilespmem:v54+s19+$0x0] =	vst.idx.msk $0xffff, v7;
	v6 =	vld [tilespmem:s8+$0x1E90]  }
0x1af: {  	v58 =	vor.u32 $0xD, v3;
	[tilespmem:v55+s19+$0x0] =	vst.idx.msk $0xffff, v8;
	v7 =	vld [tilespmem:s8+$0x1EA0]  }
0x1b0: {  	v59 =	vor.u32 $0xD, v4;
	v8 =	vld [tilespmem:s8+$0x1EB0];
	_ =	sdelay $0x1  }
0x1b1: {  	[tilespmem:v56+s19+$0x0] =	vst.idx.msk $0xffff, v5  }
0x1b2: {  	v60 =	vor.u32 $0xE, v1;
	v5 =	vld [tilespmem:s8+$0x1F00];
	[tilespmem:v57+s19+$0x0] =	vst.idx.msk $0xffff, v6  }
0x1b3: {  	v61 =	vor.u32 $0xE, v2;
	[tilespmem:v58+s19+$0x0] =	vst.idx.msk $0xffff, v7;
	v6 =	vld [tilespmem:s8+$0x1F10]  }
0x1b4: {  	v62 =	vor.u32 $0xE, v3;
	[tilespmem:v59+s19+$0x0] =	vst.idx.msk $0xffff, v8;
	v7 =	vld [tilespmem:s8+$0x1F20]  }
0x1b5: {  	v63 =	vor.u32 $0xE, v4;
	v8 =	vld [tilespmem:s8+$0x1F30];
	_ =	sdelay $0x1  }
0x1b6: {  	[tilespmem:v60+s19+$0x0] =	vst.idx.msk $0xffff, v5  }
0x1b7: {  	v1 =	vor.u32 $0xF, v1;
	[tilespmem:v61+s19+$0x0] =	vst.idx.msk $0xffff, v6;
	v5 =	vld [tilespmem:s8+$0x1F80]  }
0x1b8: {  	v2 =	vor.u32 $0xF, v2;
	[tilespmem:v62+s19+$0x0] =	vst.idx.msk $0xffff, v7;
	v6 =	vld [tilespmem:s8+$0x1F90]  }
0x1b9: {  	v3 =	vor.u32 $0xF, v3;
	[tilespmem:v63+s19+$0x0] =	vst.idx.msk $0xffff, v8;
	v7 =	vld [tilespmem:s8+$0x1FA0]  }
0x1ba: {  	p2 =	por p1, p1;
	v4 =	vor.u32 $0xF, v4;
	v8 =	vld [tilespmem:s8+$0x1FB0]  }
.Ltmp5:
0x1bb: {  	_ = 	snop;
	(pc) =	sbr.rel @p2 .LBB2_9-.Ltmp5, $4  }
0x1bc: {  	[tilespmem:v1+s19+$0x0] =	vst.idx.msk $0xffff, v5  }
0x1bd: {  	[tilespmem:v2+s19+$0x0] =	vst.idx.msk $0xffff, v6  }
0x1be: {  	[tilespmem:v3+s19+$0x0] =	vst.idx.msk $0xffff, v7  }
0x1bf: {  	p1 =	por $0x0, $0x0;
	s8 =	simm.s32 $0x40;
	[tilespmem:v4+s19+$0x0] =	vst.idx.msk $0xffff, v8  }
0x1c0: {  	s23 =	sadd.s32 $0x1, s23  }
0x1c1: {  	p1 =	sne.s32 s23, $0x3D  }
.Ltmp6:
0x1c2: {  	_ = 	snop;
	(pc) =	sbr.rel @p1 .LBB2_2-.Ltmp6, $4  }
0x1c3: {  	_ = 	snop  }
0x1c4: {  	s6 =	sshll.u32 s14, $0x8  }
0x1c5: {  	s6 =	sadd.s32 s5, s6  }
0x1c6: {  	[hbm4b:s6+s3] =	stream.linear.scatter [tilespmem:s19], [sflag:$0x8], $0x800, $0x38;
	[tilespmem:$0x4000] =	vst v63  }
.Ltmp7:
0x1c7: {  	(pc) =	sbr.rel @p0 .LBB2_15-.Ltmp7, $2  }
0x1c8: {  	_ =	sdelay $0x2  }
0x1c9: {  	s7 =	rddreg [dreg:$0x9]  }
0x1ca: {  	_ =	swait.ge [sflag:s25], $0x800  }
0x1cb: {  	[sflag:s25] =	ssyncset.done $0x0  }
0x1cc: {  	[sflag:s25] =	ssyncadd.s32 $0xFFFFF800  }
0x1cd: {  	_ =	swait.ge [sflag:s26], $0x800  }
0x1ce: {  	[sflag:s26] =	ssyncset.done $0x0  }
0x1cf: {  	s8 =	simm.s32 $0x0;
	p1 =	por $0x1, $0x1;
	[sflag:s26] =	ssyncadd.s32 $0xFFFFF800  }
.LBB2_13:
0x1d0: {  	v1 =	vmov s8;
	s6 =	sor.u32 $0x10, s8  }
0x1d1: {  	s7 =	sor.u32 $0x20, s8;
	v1 =	vshll.u32 v1, $0x4;
	v2 =	vmov s6  }
0x1d2: {  	v5 =	vld [tilespmem:s8+$0x0];
	s9 =	sor.u32 $0x30, s8;
	v3 =	vmov s7;
	v1 =	vor.u32 v0, v1;
	v2 =	vshll.u32 v2, $0x4  }
0x1d3: {  	v6 =	vld [tilespmem:s6+$0x0];
	v4 =	vmov s9;
	v3 =	vshll.u32 v3, $0x4;
	v2 =	vor.u32 v0, v2  }
0x1d4: {  	v7 =	vld [tilespmem:s7+$0x0];
	v4 =	vshll.u32 v4, $0x4;
	v3 =	vor.u32 v0, v3  }
0x1d5: {  	v8 =	vld [tilespmem:s9+$0x0];
	v4 =	vor.u32 v0, v4;
	_ =	sdelay $0x1  }
0x1d6: {  	[tilespmem:v1+s16+$0x0] =	vst.idx.msk $0xffff, v5  }
0x1d7: {  	v9 =	vor.u32 $0x1, v1;
	v5 =	vld [tilespmem:s8+$0x80];
	[tilespmem:v2+s16+$0x0] =	vst.idx.msk $0xffff, v6  }
0x1d8: {  	v10 =	vor.u32 $0x1, v2;
	[tilespmem:v3+s16+$0x0] =	vst.idx.msk $0xffff, v7;
	v6 =	vld [tilespmem:s8+$0x90]  }
0x1d9: {  	v11 =	vor.u32 $0x1, v3;
	[tilespmem:v4+s16+$0x0] =	vst.idx.msk $0xffff, v8;
	v7 =	vld [tilespmem:s8+$0xA0]  }
0x1da: {  	v12 =	vor.u32 $0x1, v4;
	v8 =	vld [tilespmem:s8+$0xB0];
	_ =	sdelay $0x1  }
0x1db: {  	[tilespmem:v9+s16+$0x0] =	vst.idx.msk $0xffff, v5  }
0x1dc: {  	v60 =	vor.u32 $0x2, v1;
	v5 =	vld [tilespmem:s8+$0x100];
	[tilespmem:v10+s16+$0x0] =	vst.idx.msk $0xffff, v6  }
0x1dd: {  	v61 =	vor.u32 $0x2, v2;
	[tilespmem:v11+s16+$0x0] =	vst.idx.msk $0xffff, v7;
	v6 =	vld [tilespmem:s8+$0x110]  }
0x1de: {  	v62 =	vor.u32 $0x2, v3;
	[tilespmem:v12+s16+$0x0] =	vst.idx.msk $0xffff, v8;
	v7 =	vld [tilespmem:s8+$0x120]  }
0x1df: {  	v63 =	vor.u32 $0x2, v4;
	v8 =	vld [tilespmem:s8+$0x130];
	_ =	sdelay $0x1  }
0x1e0: {  	[tilespmem:v60+s16+$0x0] =	vst.idx.msk $0xffff, v5  }
0x1e1: {  	v16 =	vor.u32 $0x3, v1;
	v5 =	vld [tilespmem:s8+$0x180];
	[tilespmem:v61+s16+$0x0] =	vst.idx.msk $0xffff, v6  }
0x1e2: {  	v17 =	vor.u32 $0x3, v2;
	[tilespmem:v62+s16+$0x0] =	vst.idx.msk $0xffff, v7;
	v6 =	vld [tilespmem:s8+$0x190]  }
0x1e3: {  	v18 =	vor.u32 $0x3, v3;
	[tilespmem:v63+s16+$0x0] =	vst.idx.msk $0xffff, v8;
	v7 =	vld [tilespmem:s8+$0x1A0]  }
0x1e4: {  	v19 =	vor.u32 $0x3, v4;
	v8 =	vld [tilespmem:s8+$0x1B0];
	_ =	sdelay $0x1  }
0x1e5: {  	[tilespmem:v16+s16+$0x0] =	vst.idx.msk $0xffff, v5  }
0x1e6: {  	v20 =	vor.u32 $0x4, v1;
	v5 =	vld [tilespmem:s8+$0x200];
	[tilespmem:v17+s16+$0x0] =	vst.idx.msk $0xffff, v6  }
0x1e7: {  	v21 =	vor.u32 $0x4, v2;
	[tilespmem:v18+s16+$0x0] =	vst.idx.msk $0xffff, v7;
	v6 =	vld [tilespmem:s8+$0x210]  }
0x1e8: {  	v22 =	vor.u32 $0x4, v3;
	[tilespmem:v19+s16+$0x0] =	vst.idx.msk $0xffff, v8;
	v7 =	vld [tilespmem:s8+$0x220]  }
0x1e9: {  	v23 =	vor.u32 $0x4, v4;
	v8 =	vld [tilespmem:s8+$0x230];
	_ =	sdelay $0x1  }
0x1ea: {  	[tilespmem:v20+s16+$0x0] =	vst.idx.msk $0xffff, v5  }
0x1eb: {  	v24 =	vor.u32 $0x5, v1;
	v5 =	vld [tilespmem:s8+$0x280];
	[tilespmem:v21+s16+$0x0] =	vst.idx.msk $0xffff, v6  }
0x1ec: {  	v25 =	vor.u32 $0x5, v2;
	[tilespmem:v22+s16+$0x0] =	vst.idx.msk $0xffff, v7;
	v6 =	vld [tilespmem:s8+$0x290]  }
0x1ed: {  	v26 =	vor.u32 $0x5, v3;
	[tilespmem:v23+s16+$0x0] =	vst.idx.msk $0xffff, v8;
	v7 =	vld [tilespmem:s8+$0x2A0]  }
0x1ee: {  	v27 =	vor.u32 $0x5, v4;
	v8 =	vld [tilespmem:s8+$0x2B0];
	_ =	sdelay $0x1  }
0x1ef: {  	[tilespmem:v24+s16+$0x0] =	vst.idx.msk $0xffff, v5  }
0x1f0: {  	v28 =	vor.u32 $0x6, v1;
	v5 =	vld [tilespmem:s8+$0x300];
	[tilespmem:v25+s16+$0x0] =	vst.idx.msk $0xffff, v6  }
0x1f1: {  	v29 =	vor.u32 $0x6, v2;
	[tilespmem:v26+s16+$0x0] =	vst.idx.msk $0xffff, v7;
	v6 =	vld [tilespmem:s8+$0x310]  }
0x1f2: {  	v30 =	vor.u32 $0x6, v3;
	[tilespmem:v27+s16+$0x0] =	vst.idx.msk $0xffff, v8;
	v7 =	vld [tilespmem:s8+$0x320]  }
0x1f3: {  	v31 =	vor.u32 $0x6, v4;
	v8 =	vld [tilespmem:s8+$0x330];
	_ =	sdelay $0x1  }
0x1f4: {  	[tilespmem:v28+s16+$0x0] =	vst.idx.msk $0xffff, v5  }
0x1f5: {  	v32 =	vor.u32 $0x7, v1;
	v5 =	vld [tilespmem:s8+$0x380];
	[tilespmem:v29+s16+$0x0] =	vst.idx.msk $0xffff, v6  }
0x1f6: {  	v33 =	vor.u32 $0x7, v2;
	[tilespmem:v30+s16+$0x0] =	vst.idx.msk $0xffff, v7;
	v6 =	vld [tilespmem:s8+$0x390]  }
0x1f7: {  	v34 =	vor.u32 $0x7, v3;
	[tilespmem:v31+s16+$0x0] =	vst.idx.msk $0xffff, v8;
	v7 =	vld [tilespmem:s8+$0x3A0]  }
0x1f8: {  	v35 =	vor.u32 $0x7, v4;
	v8 =	vld [tilespmem:s8+$0x3B0];
	_ =	sdelay $0x1  }
0x1f9: {  	[tilespmem:v32+s16+$0x0] =	vst.idx.msk $0xffff, v5  }
0x1fa: {  	v36 =	vor.u32 $0x8, v1;
	v5 =	vld [tilespmem:s8+$0x400];
	[tilespmem:v33+s16+$0x0] =	vst.idx.msk $0xffff, v6  }
0x1fb: {  	v37 =	vor.u32 $0x8, v2;
	[tilespmem:v34+s16+$0x0] =	vst.idx.msk $0xffff, v7;
	v6 =	vld [tilespmem:s8+$0x410]  }
0x1fc: {  	v38 =	vor.u32 $0x8, v3;
	[tilespmem:v35+s16+$0x0] =	vst.idx.msk $0xffff, v8;
	v7 =	vld [tilespmem:s8+$0x420]  }
0x1fd: {  	v39 =	vor.u32 $0x8, v4;
	v8 =	vld [tilespmem:s8+$0x430];
	_ =	sdelay $0x1  }
0x1fe: {  	[tilespmem:v36+s16+$0x0] =	vst.idx.msk $0xffff, v5  }
0x1ff: {  	v40 =	vor.u32 $0x9, v1;
	v5 =	vld [tilespmem:s8+$0x480];
	[tilespmem:v37+s16+$0x0] =	vst.idx.msk $0xffff, v6  }
0x200: {  	v41 =	vor.u32 $0x9, v2;
	[tilespmem:v38+s16+$0x0] =	vst.idx.msk $0xffff, v7;
	v6 =	vld [tilespmem:s8+$0x490]  }
0x201: {  	v42 =	vor.u32 $0x9, v3;
	[tilespmem:v39+s16+$0x0] =	vst.idx.msk $0xffff, v8;
	v7 =	vld [tilespmem:s8+$0x4A0]  }
0x202: {  	v43 =	vor.u32 $0x9, v4;
	v8 =	vld [tilespmem:s8+$0x4B0];
	_ =	sdelay $0x1  }
0x203: {  	[tilespmem:v40+s16+$0x0] =	vst.idx.msk $0xffff, v5  }
0x204: {  	v44 =	vor.u32 $0xA, v1;
	v5 =	vld [tilespmem:s8+$0x500];
	[tilespmem:v41+s16+$0x0] =	vst.idx.msk $0xffff, v6  }
0x205: {  	v45 =	vor.u32 $0xA, v2;
	[tilespmem:v42+s16+$0x0] =	vst.idx.msk $0xffff, v7;
	v6 =	vld [tilespmem:s8+$0x510]  }
0x206: {  	v46 =	vor.u32 $0xA, v3;
	[tilespmem:v43+s16+$0x0] =	vst.idx.msk $0xffff, v8;
	v7 =	vld [tilespmem:s8+$0x520]  }
0x207: {  	v47 =	vor.u32 $0xA, v4;
	v8 =	vld [tilespmem:s8+$0x530];
	_ =	sdelay $0x1  }
0x208: {  	[tilespmem:v44+s16+$0x0] =	vst.idx.msk $0xffff, v5  }
0x209: {  	v48 =	vor.u32 $0xB, v1;
	v5 =	vld [tilespmem:s8+$0x580];
	[tilespmem:v45+s16+$0x0] =	vst.idx.msk $0xffff, v6  }
0x20a: {  	v49 =	vor.u32 $0xB, v2;
	[tilespmem:v46+s16+$0x0] =	vst.idx.msk $0xffff, v7;
	v6 =	vld [tilespmem:s8+$0x590]  }
0x20b: {  	v50 =	vor.u32 $0xB, v3;
	[tilespmem:v47+s16+$0x0] =	vst.idx.msk $0xffff, v8;
	v7 =	vld [tilespmem:s8+$0x5A0]  }
0x20c: {  	v51 =	vor.u32 $0xB, v4;
	v8 =	vld [tilespmem:s8+$0x5B0];
	_ =	sdelay $0x1  }
0x20d: {  	[tilespmem:v48+s16+$0x0] =	vst.idx.msk $0xffff, v5  }
0x20e: {  	v52 =	vor.u32 $0xC, v1;
	v5 =	vld [tilespmem:s8+$0x600];
	[tilespmem:v49+s16+$0x0] =	vst.idx.msk $0xffff, v6  }
0x20f: {  	v53 =	vor.u32 $0xC, v2;
	[tilespmem:v50+s16+$0x0] =	vst.idx.msk $0xffff, v7;
	v6 =	vld [tilespmem:s8+$0x610]  }
0x210: {  	v54 =	vor.u32 $0xC, v3;
	[tilespmem:v51+s16+$0x0] =	vst.idx.msk $0xffff, v8;
	v7 =	vld [tilespmem:s8+$0x620]  }
0x211: {  	v55 =	vor.u32 $0xC, v4;
	v8 =	vld [tilespmem:s8+$0x630];
	_ =	sdelay $0x1  }
0x212: {  	[tilespmem:v52+s16+$0x0] =	vst.idx.msk $0xffff, v5  }
0x213: {  	v56 =	vor.u32 $0xD, v1;
	v5 =	vld [tilespmem:s8+$0x680];
	[tilespmem:v53+s16+$0x0] =	vst.idx.msk $0xffff, v6  }
0x214: {  	v57 =	vor.u32 $0xD, v2;
	[tilespmem:v54+s16+$0x0] =	vst.idx.msk $0xffff, v7;
	v6 =	vld [tilespmem:s8+$0x690]  }
0x215: {  	v58 =	vor.u32 $0xD, v3;
	[tilespmem:v55+s16+$0x0] =	vst.idx.msk $0xffff, v8;
	v7 =	vld [tilespmem:s8+$0x6A0]  }
0x216: {  	v59 =	vor.u32 $0xD, v4;
	v8 =	vld [tilespmem:s8+$0x6B0];
	_ =	sdelay $0x1  }
0x217: {  	[tilespmem:v56+s16+$0x0] =	vst.idx.msk $0xffff, v5  }
0x218: {  	v60 =	vor.u32 $0xE, v1;
	v5 =	vld [tilespmem:s8+$0x700];
	[tilespmem:v57+s16+$0x0] =	vst.idx.msk $0xffff, v6  }
0x219: {  	v61 =	vor.u32 $0xE, v2;
	[tilespmem:v58+s16+$0x0] =	vst.idx.msk $0xffff, v7;
	v6 =	vld [tilespmem:s8+$0x710]  }
0x21a: {  	v62 =	vor.u32 $0xE, v3;
	[tilespmem:v59+s16+$0x0] =	vst.idx.msk $0xffff, v8;
	v7 =	vld [tilespmem:s8+$0x720]  }
0x21b: {  	v63 =	vor.u32 $0xE, v4;
	v8 =	vld [tilespmem:s8+$0x730];
	_ =	sdelay $0x1  }
0x21c: {  	[tilespmem:v60+s16+$0x0] =	vst.idx.msk $0xffff, v5  }
0x21d: {  	v1 =	vor.u32 $0xF, v1;
	[tilespmem:v61+s16+$0x0] =	vst.idx.msk $0xffff, v6;
	v5 =	vld [tilespmem:s8+$0x780]  }
0x21e: {  	v2 =	vor.u32 $0xF, v2;
	[tilespmem:v62+s16+$0x0] =	vst.idx.msk $0xffff, v7;
	v6 =	vld [tilespmem:s8+$0x790]  }
0x21f: {  	v3 =	vor.u32 $0xF, v3;
	[tilespmem:v63+s16+$0x0] =	vst.idx.msk $0xffff, v8;
	v7 =	vld [tilespmem:s8+$0x7A0]  }
0x220: {  	p2 =	por p1, p1;
	v4 =	vor.u32 $0xF, v4;
	v8 =	vld [tilespmem:s8+$0x7B0]  }
.Ltmp8:
0x221: {  	_ = 	snop;
	(pc) =	sbr.rel @p2 .LBB2_13-.Ltmp8, $4  }
0x222: {  	[tilespmem:v1+s16+$0x0] =	vst.idx.msk $0xffff, v5  }
0x223: {  	[tilespmem:v2+s16+$0x0] =	vst.idx.msk $0xffff, v6  }
0x224: {  	[tilespmem:v3+s16+$0x0] =	vst.idx.msk $0xffff, v7  }
0x225: {  	p1 =	por $0x0, $0x0;
	s8 =	simm.s32 $0x40;
	[tilespmem:v4+s16+$0x0] =	vst.idx.msk $0xffff, v8  }
.Ltmp9:
0x226: {  	(pc) =	sbr.rel .LBB2_15-.Ltmp9, $4  }
0x227: {  	_ = 	snop  }
0x228: {  	s6 =	rddreg [dreg:$0x7]  }
0x229: {  	s7 =	rddreg [dreg:$0x9]  }
0x22a: {  	[hbm4b:s6+s3] =	stream.linear.scatter [tilespmem:s16], [sflag:$0x5], $0x800, $0x38;
	[tilespmem:$0x4000] =	vst v63  }
.LBB2_16:
0x22b: {  	_ =	sfence.sel $0x180000  }
0x22c: {  	[bflag:$0x0] =	sbarrier.arrive $0xFFFF  }
0x22d: {  	_ =	strace $0x90000047  }
0x22e: {  	s0 =	stileid.u32;
	[bflag:$0x2] =	sbarrier.arrive $0xFFFF  }
0x22f: {  	p0 =	sne.s32 s0, $0x0;
	s0 =	rddreg [dreg:$0x2]  }
0x230: {  	s0 =	sadd.s32 @!p0 $0x100000, s0  }
0x231: {  	[sflag:s0] =	ssyncadd.tile.s32 @!p0 $0x1;
	_ =	shalt  }
.Lfunc_end2:
_tile_overlayer_lowered:
.L_overlay_start_2:
0x232: {  	(tag) =	ssettag $0x2  }
0x233: {  	s0 =	rddreg [dreg:$0x0];
	s2 =	stileid.u32  }
0x234: {  	s1 =	rddreg [dreg:$0x1];
	p0 =	sne.s32 s2, $0x0  }
0x235: {  	s3 =	rddreg [dreg:$0x2];
	[bflag:$0x3] =	sbarrier.arrive $0xFFFF;
	s2 =	simm.s32 @!p0 $0x1C09  }
0x236: {  	[timem:s3], [sflag:s2] =	dma.local @!p0 [hbm:s0], s1  }
0x237: {  	s0 =	simm.s32 @!p0 $0x9  }
0x238: {  	_ =	swait.ge @!p0 [sflag:s0], s1  }
0x239: {  	s1 =	ssub.s32 @!p0 $0x0, s1;
	[sflag:s0] =	ssyncset.done @!p0 $0x0  }
0x23a: {  	[sflag:s0] =	ssyncadd.s32 @!p0 s1  }
0x23b: {  	[bflag:$0x3] =	sbarrier.arrive $0xFFFF  }
0x23c: {  	_ =	shalt  }

// kernel: kernel.7.cloned.1.call-start
scs
__scs_entry_jumppad:
0x0: {  	(pc) =	sbr.rel $0x88, $3  }
0x1: {  	(tag) =	ssettag $0x0;
	lr =	simm.s32 $0x1  }
0x2: {  	[smem:$0x3F9F] =	sst lr;
	_ =	strace $0xD0000000  }
0x3: {  	_ = 	snop  }
0x4: {  	_ = 	snop  }
0x5: {  	_ = 	snop  }
0x6: {  	_ = 	snop  }
0x7: {  	_ = 	snop  }
__scs_overlays_trampoline_lowered:
0x8: {  	[smem:$0x3FAE] =	sst s0  }
0x9: {  	[smem:$0x3FAF] =	sst s1  }
0xa: {  	[smem:$0x3FB0] =	sst s2  }
0xb: {  	[smem:$0x3FB1] =	sst s3  }
0xc: {  	[smem:$0x3FB2] =	sst s4  }
0xd: {  	[smem:$0x3FB3] =	sst s5  }
0xe: {  	[smem:$0x3FB4] =	sst s6  }
0xf: {  	[smem:$0x3FB5] =	sst s7  }
0x10: {  	[smem:$0x3FB6] =	sst s8  }
0x11: {  	[smem:$0x3FB7] =	sst s9;
	s0 =	simm.s32 @!p0 $0x0  }
0x12: {  	s1 =	sld [smem:$0x3F9D];
	s0 =	simm.s32 @p0 $0x1  }
0x13: {  	[smem:$0x3FB8] =	sst s0;
	s0 =	simm.s32 @!p1 $0x0  }
0x14: {  	s2 =	sld [smem:$0x3F9C];
	s0 =	simm.s32 @p1 $0x1  }
0x15: {  	[smem:$0x3FB9] =	sst s0;
	s0 =	simm.s32 @!p2 $0x0  }
0x16: {  	s3 =	sld [smem:$0x3FDB];
	s0 =	simm.s32 @p2 $0x1  }
0x17: {  	s4 =	simm.s32 $0x1BF5;
	[smem:$0x3FBB] =	sst s0  }
0x18: {  	s0 =	sld [smem:$0x3F9E];
	_ =	swait.ge [sflag:s4], $0x0  }
0x19: {  	s7 =	sld [smem:$0x3F9F]  }
0x1a: {  	s8 =	sadd.s32 $0xFFFFE003, lr  }
0x1b: {  	s9 =	sadd.s32 $0xFFFFFEF7, lr;
	s5 =	simm.s32 $0xFFFFFFFF;
	p2 =	slt.u32 s8, $0xFFFFF086  }
0x1c: {  	p1 =	slt.u32 s9, $0xF7A;
	s5 =	simm.s32 @!p2 $0x0  }
0x1d: {  	s5 =	simm.s32 @p1 $0x1;
	p0 =	seq.s32 s7, s2  }
0x1e: {  	s7 =	smul.u32 @!p0 $0xF7A, s2;
	p2 =	seq.s32 @!p0 s5, $0x0  }
0x1f: {  	s9 =	smul.u32 $0xF7A, s1;
	s8 =	simm.s32 @!p0 $0x1BF5;
	p2 =	por !p2, p0  }
0x20: {  	[sflag:s8] =	ssyncset.s32 @!p0 $0xFFFFF086;
	s6 =	sadd.s32 @!p0 s3, s7;
	s7 =	simm.s32 @!p0 $0x108  }
0x21: {  	s3 =	sadd.s32 s3, s9;
	s6 =	sadd.s32 @!p0 $0x88, s6;
	s7 =	simm.s32 @p2 $0x1082  }
0x22: {  	[simem:s7], [sflag:s8] =	dma.local @!p0 [hbm:s6], $0xF7A  }
0x23: {  	s9 =	sor.u32 $0xD0000000, s2;
	s6 =	simm.s32 $0x108;
	_ =	swait.ge @!p0 [sflag:s8], $0x0  }
0x24: {  	s3 =	sadd.s32 $0x88, s3;
	s6 =	simm.s32 @!p1 $0x1082;
	[sflag:s4] =	ssyncset.s32 $0xFFFFF086  }
0x25: {  	[simem:s6], [sflag:s4] =	dma.local [hbm:s3], $0xF7A  }
0x26: {  	[smem:$0x3F9F] =	sst s1;
	(tag) =	ssettag s2;
	_ =	strace s9  }
0x27: {  	s1 =	sld [smem:$0x3FAF]  }
0x28: {  	s2 =	sld [smem:$0x3FB0]  }
0x29: {  	s4 =	sld [smem:$0x3FB2]  }
0x2a: {  	p0 =	seq.s32 s5, $0x0;
	s5 =	sld [smem:$0x3FB3]  }
0x2b: {  	s6 =	sld [smem:$0x3FB4]  }
0x2c: {  	s7 =	sld [smem:$0x3FB5]  }
0x2d: {  	s3 =	simm.s32 $0x108;
	s8 =	sld [smem:$0x3FB6]  }
0x2e: {  	s3 =	simm.s32 @!p0 $0x1082;
	s9 =	sld [smem:$0x3FB7]  }
0x2f: {  	lr =	sadd.s32 s0, s3;
	s0 =	sld [smem:$0x3FAE]  }
0x30: {  	s3 =	sld [smem:$0x3FB1]  }
0x31: {  	[smem:$0x3FBA] =	sst s10  }
0x32: {  	s10 =	sld [smem:$0x3FB8];
	_ =	sdelay $0x3  }
0x33: {  	p0 =	seq.s32 s10, $0x1;
	s10 =	sld [smem:$0x3FBA];
	_ =	sdelay $0x3  }
0x34: {  	[smem:$0x3FBA] =	sst s10  }
0x35: {  	s10 =	sld [smem:$0x3FB9];
	_ =	sdelay $0x3  }
0x36: {  	p1 =	seq.s32 s10, $0x1;
	s10 =	sld [smem:$0x3FBA];
	_ =	sdelay $0x3  }
0x37: {  	[smem:$0x3FBA] =	sst s10  }
0x38: {  	s10 =	sld [smem:$0x3FBB]  }
0x39: {  	_ = 	snop;
	(pc) =	sbr.ind lr, $3  }
0x3a: {  	_ = 	snop  }
0x3b: {  	_ = 	snop  }
0x3c: {  	p2 =	seq.s32 s10, $0x1;
	s10 =	sld [smem:$0x3FBA]  }
0x3d: {  	_ =	shalt  }
0x3e: {  	_ =	shalt  }
0x3f: {  	_ =	shalt  }
0x40: {  	_ =	shalt  }
0x41: {  	_ =	shalt  }
0x42: {  	_ =	shalt  }
0x43: {  	_ =	shalt  }
0x44: {  	_ =	shalt  }
0x45: {  	_ =	shalt  }
0x46: {  	_ =	shalt  }
0x47: {  	_ =	shalt  }
0x48: {  	_ =	shalt  }
0x49: {  	_ =	shalt  }
0x4a: {  	_ =	shalt  }
0x4b: {  	_ =	shalt  }
0x4c: {  	_ =	shalt  }
0x4d: {  	_ =	shalt  }
0x4e: {  	_ =	shalt  }
0x4f: {  	_ =	shalt  }
0x50: {  	_ =	shalt  }
0x51: {  	_ =	shalt  }
0x52: {  	_ =	shalt  }
0x53: {  	_ =	shalt  }
0x54: {  	_ =	shalt  }
0x55: {  	_ =	shalt  }
0x56: {  	_ =	shalt  }
0x57: {  	_ =	shalt  }
0x58: {  	_ =	shalt  }
0x59: {  	_ =	shalt  }
0x5a: {  	_ =	shalt  }
0x5b: {  	_ =	shalt  }
0x5c: {  	_ =	shalt  }
0x5d: {  	_ =	shalt  }
0x5e: {  	_ =	shalt  }
0x5f: {  	_ =	shalt  }
0x60: {  	_ =	shalt  }
0x61: {  	_ =	shalt  }
0x62: {  	_ =	shalt  }
0x63: {  	_ =	shalt  }
0x64: {  	_ =	shalt  }
0x65: {  	_ =	shalt  }
0x66: {  	_ =	shalt  }
0x67: {  	_ =	shalt  }
0x68: {  	_ =	shalt  }
0x69: {  	_ =	shalt  }
0x6a: {  	_ =	shalt  }
0x6b: {  	_ =	shalt  }
0x6c: {  	_ =	shalt  }
0x6d: {  	_ =	shalt  }
0x6e: {  	_ =	shalt  }
0x6f: {  	_ =	shalt  }
0x70: {  	_ =	shalt  }
0x71: {  	_ =	shalt  }
0x72: {  	_ =	shalt  }
0x73: {  	_ =	shalt  }
0x74: {  	_ =	shalt  }
0x75: {  	_ =	shalt  }
0x76: {  	_ =	shalt  }
0x77: {  	_ =	shalt  }
0x78: {  	_ =	shalt  }
0x79: {  	_ =	shalt  }
0x7a: {  	_ =	shalt  }
0x7b: {  	_ =	shalt  }
0x7c: {  	_ =	shalt  }
0x7d: {  	_ =	shalt  }
0x7e: {  	_ =	shalt  }
0x7f: {  	_ =	shalt  }
0x80: {  	_ =	shalt  }
0x81: {  	_ =	shalt  }
0x82: {  	_ =	shalt  }
0x83: {  	_ =	shalt  }
0x84: {  	_ =	shalt  }
0x85: {  	_ =	shalt  }
0x86: {  	_ =	shalt  }
0x87: {  	_ =	shalt  }
.Lfunc_end0:
.L_simem_size_0:
called_computation.1_lowered:
.L_overlay_start_0:
0x88: {  	s2 =	sld [smem:$0x3FD9]  }
0x89: {  	s3 =	sld [smem:$0x3FFE];
	_ =	sdelay $0x1  }
0x8a: {  	s1 =	srdreg.scid  }
0x8b: {  	s0 =	sand.u32 $0x1, s1  }
0x8c: {  	s17 =	sshll.u32 s0, $0xA;
	s2 =	sadd.s32 s3, s2  }
0x8d: {  	s2 =	sadd.s32 s2, s17  }
0x8e: {  	[smem:$0x3FC6] =	sst s2  }
0x8f: {  	_ = 	snop  }
0x90: {  	s2 =	sld [smem:$0x3FC9]  }
0x91: {  	s18 =	sld [smem:$0x3FD0];
	(tm) =	ssettm $0x1  }
0x92: {  	s4 =	sld [smem:$0x3FFB];
	_ =	sdelay $0x3  }
0x93: {  	_ =	strace s4  }
0x94: {  	s4 =	sld [smem:$0x3FFC];
	_ =	sdelay $0x3  }
0x95: {  	_ =	strace s4  }
0x96: {  	s4 =	sld [smem:$0x3FFD];
	_ =	sdelay $0x3  }
0x97: {  	_ =	strace s4  }
0x98: {  	_ =	strace $0x8FFFFFFF  }
0x99: {  	s19 =	sld [smem:$0x3FDB];
	_ =	sdelay $0x1  }
0x9a: {  	s5 =	simm.s32 $_scs_section_size  }
0x9b: {  	s6 =	simm.s32 $_size__tile_overlayer_lowered;
	s7 =	simm.s32 $_tile_overlayer_lowered  }
0x9c: {  	s22 =	simm.s32 $0x1BFF;
	s21 =	sshll.u32 s7, $0x1;
	s4 =	sadd.s32 s5, s19  }
0x9d: {  	s8 =	simm.s32 $0x0;
	s20 =	sshll.u32 s6, $0x1;
	s6 =	sadd.s32 s21, s4  }
0x9e: {  	[timem:s8], [sflag:s22] =	dma.local [hbm:s6], s20  }
0x9f: {  	_ =	swait.ge [sflag:s22], s20  }
0xa0: {  	s5 =	ssub.s32 $0x0, s20;
	[sflag:s22] =	ssyncset.done $0x0  }
0xa1: {  	[sflag:s22] =	ssyncadd.s32 s5;
	_ =	sdelay $0x1  }
0xa2: {  	s23 =	simm.s32 $0x1B8B  }
0xa3: {  	_ =	swait.ge [sflag:s23], $0x1  }
0xa4: {  	[sflag:s23] =	ssyncset.done $0x0  }
0xa5: {  	s25 =	simm.s32 $0x1B8E;
	s24 =	sld [smem:$0x3FFE];
	[sflag:s23] =	ssyncadd.s32 $0xFFFFFFFF  }
0xa6: {  	s26 =	simm.s32 $execute0_lowered;
	[smem:$0x3FD2] =	sst s25  }
0xa7: {  	s6 =	sshll.u32 s26, $0x1;
	_ =	strace $0x80000049;
	[dreg:$0x1] =	wrdreg $0xFFFFFFFF  }
0xa8: {  	s28 =	simm.s32 $_size_execute0_lowered;
	s4 =	sadd.s32 s4, s6;
	[dreg:$0x0] =	wrdreg $0x0  }
0xa9: {  	s6 =	sshll.u32 s28, $0x1;
	[dreg:$0x2] =	wrdreg s4  }
0xaa: {  	[dreg:$0x3] =	wrdreg s6  }
0xab: {  	[dreg:$0x4] =	wrdreg $0xC0  }
0xac: {  	_ =	task [dreg:s8], $0x5FFFF  }
0xad: {  	[dreg:$0x1] =	wrdreg $0xFFFFFFFF  }
0xae: {  	[dreg:$0x0] =	wrdreg $0x60  }
0xaf: {  	[dreg:$0x2] =	wrdreg s2  }
0xb0: {  	[dreg:$0x3] =	wrdreg s24  }
0xb1: {  	[dreg:$0x4] =	wrdreg s18  }
0xb2: {  	[dreg:$0x5] =	wrdreg $0x9  }
0xb3: {  	_ =	task.clear_ibuf [dreg:s8], $0x6FFFF;
	_ =	strace $0x90000049  }
0xb4: {  	s29 =	simm.s32 $0x9;
	_ =	strace $0x8000004B  }
0xb5: {  	_ =	swait.ge [sflag:s29], $0x1  }
0xb6: {  	[sflag:s29] =	ssyncadd.s32 $0xFFFFFFFF  }
0xb7: {  	_ =	strace $0x9000004B  }
0xb8: {  	_ =	sfence  }
0xb9: {  	s30 =	sld [smem:$0x0];
	_ =	sdelay $0x2  }
0xba: {  	s31 =	sshll.u32 s1, $0xD;
	s1 =	sshrl.u32 s1, $0x2  }
0xbb: {  	s3 =	sand.u32 $0x4000, s31;
	s1 =	sadd.s32 s1, s30  }
0xbc: {  	s0 =	sor.u32 s3, s0;
	s1 =	sshll.u32 s1, $0x11  }
0xbd: {  	s0 =	sor.u32 s1, s0  }
0xbe: {  	s0 =	sadd.s32 $0x8F2B, s0  }
0xbf: {  	[sflag:s0] =	ssyncadd.remote.s32 $0x1  }
0xc0: {  	_ =	sfence.sel $0xFFFF  }
0xc1: {  	[dreg:$0x0] =	wrdreg $0xFFFFFFFF;
	(pc) =	sbr.abs _section_cstart, $3  }
0xc2: {  	[dreg:$0x1] =	wrdreg $0xFFFFFFFF  }
0xc3: {  	_ =	task.clear_ibuf [dreg:s8], $0x2FFFF;
	_ =	strace $0x9FFFFFFF  }
0xc4: {  	(tm) =	ssettm $0x7FFFFFFF  }
0xc5: {  	_ =	shalt  }
tec
execute0_lowered:
.L_overlay_start_1:
0x0: {  	(tag) =	ssettag $0x1  }
0x1: {  	v0 =	vimm.s32 $0x1380;
	vm0 =	vcmask $0x300  }
0x2: {  	vm14 =	vcmask $0x704;
	v0 =	vsel vm0, $0x0, v0  }
0x3: {  	vm15 =	vcmask $0xB08;
	v0 =	vsel vm14, $0x80, v0  }
0x4: {  	vm4 =	vcmask $0xF0C;
	v0 =	vsel vm15, $0x100, v0  }
0x5: {  	vm5 =	vcmask $0x1310;
	v0 =	vsel vm4, $0x180, v0  }
0x6: {  	s0 =	rddreg [dreg:$0x0];
	vm6 =	vcmask $0x1714;
	v0 =	vsel vm5, $0x200, v0  }
0x7: {  	s1 =	rddreg [dreg:$0x1];
	vm7 =	vcmask $0x1B18;
	v0 =	vsel vm6, $0x280, v0  }
0x8: {  	s5 =	rddreg [dreg:$0x2];
	vm8 =	vcmask $0x1F1C;
	v0 =	vsel vm7, $0x300, v0  }
0x9: {  	s3 =	srdreg.scid;
	s2 =	simm.s32 $0x0;
	s4 =	stileid.u32;
	vm9 =	vcmask $0x2320;
	v0 =	vsel vm8, $0x380, v0  }
0xa: {  	vm10 =	vcmask $0x2724;
	s9 =	simm.s32 $0x400;
	s10 =	simm.s32 $0x1;
	s11 =	simm.s32 $0x10400;
	v0 =	vsel vm9, $0x1000, v0  }
0xb: {  	vm11 =	vcmask $0x2B28;
	s12 =	simm.s32 $0x1000;
	s13 =	simm.s32 $0x20000;
	s14 =	simm.s32 $0x0;
	v0 =	vsel vm10, $0x1080, v0  }
0xc: {  	vm12 =	vcmask $0x2F2C;
	s3 =	sand.u32 $0x1, s3;
	[smem:$0x7FF] =	sst s2;
	s4 =	sshll.u32 s4, $0xA;
	v0 =	vsel vm11, $0x1100, v0  }
0xd: {  	vm13 =	vcmask $0x3330;
	s6 =	sshll.u32 s3, $0x9;
	_ =	strace $0x8000004A;
	s7 =	ssub.s32 $0x2, s3;
	v0 =	vsel vm12, $0x1180, v0  }
0xe: {  	s3 =	sadd.s32 $0x800, s1;
	vm14 =	vcmask $0x3734;
	s6 =	sor.u32 s6, s4;
	s31 =	sshrl.u32 s7, $0x1;
	v0 =	vsel vm13, $0x1200, v0  }
0xf: {  	vm15 =	vcmask $0x3B38;
	s4 =	sshrl.u32 s6, $0x3;
	s1 =	ssub.s32 s7, s31;
	s5 =	sadd.s32 s5, s6;
	v1 =	vsel vm14, $0x1280, v0  }
0x10: {  	s7 =	simm.s32 $0x2;
	s4 =	sadd.s32 s0, s4;
	s6 =	smax.u32 s1, $0x1;
	v0 =	vlaneseq.u32;
	v1 =	vsel vm15, $0x1300, v1  }
.LBB2_1:
0x11: {  	[tilespmem:s2], [sflag:$0x2] =	stream.linear.gather [hbm4b:s4+s2], $0x200, $0x38;
	[tilespmem:$0x12400] =	vst v63  }
0x12: {  	_ =	swait.ge [sflag:s7], $0x200  }
0x13: {  	[sflag:s7] =	ssyncset.done $0x0  }
0x14: {  	s0 =	simm.s32 $0x0;
	[sflag:s7] =	ssyncadd.s32 $0xFFFFFE00  }
0x15: {  	s1 =	simm.s32 $0x40;
	v2 =	vld [tilespmem:s0+$0x0]  }
.LBB2_2:
0x16: {  	p0 =	sne.s32 s1, $0x7C0  }
.Ltmp0:
0x17: {  	_ = 	snop;
	(pc) =	sbr.rel @p0 .LBB2_2-.Ltmp0, $3  }
0x18: {  	_ =	sdelay $0x1  }
0x19: {  	s15 =	sshra.s32 s1, $0x2;
	s1 =	sadd.s32 $0x40, s1;
	v3 =	vshrl.u32 v2, $0x3  }
0x1a: {  	v2 =	vld [tilespmem:s15+$0x0];
	[tilespmem:s0+$0x200] =	vst v3;
	s0 =	smov.u32 s15  }
0x1b: {  	_ = 	snop  }
0x1c: {  	s22 =	simm.s32 $0x10  }
0x1d: {  	s23 =	simm.s32 $0x0;
	s24 =	simm.s32 $0x11;
	s29 =	simm.s32 $0x13;
	v5 =	vmov s22  }
0x1e: {  	s20 =	simm.s32 $0x200;
	s30 =	simm.s32 $0x3;
	s31 =	simm.s32 $0x14;
	v7 =	vmov s23;
	v12 =	vmov s24;
	v19 =	vmov s29  }
0x1f: {  	s1 =	simm.s32 $0x4;
	s8 =	simm.s32 $0x5;
	s15 =	simm.s32 $0x6;
	v23 =	vmov s30;
	v58 =	vmov s31;
	v2 =	vshrl.u32 v2, $0x3  }
0x20: {  	s16 =	simm.s32 $0x16;
	s18 =	simm.s32 $0x17;
	s19 =	simm.s32 $0x8;
	v25 =	vmov s1;
	v27 =	vmov s8;
	v31 =	vmov s15;
	[tilespmem:s0+$0x200] =	vst v2  }
0x21: {  	v32 =	vmov s16;
	v36 =	vmov s18;
	[tilespmem:s9], [sflag:$0x1] =	stream.indirect.gather [hbm4b:s3+s20], $0x80, s20, s20, $0xb8;
	[tilespmem:$0x12400] =	vst v63  }
0x22: {  	v47 =	vmov s19;
	v8 =	vshll.u32 v7, $0x7;
	v9 =	vshll.u32 v7, $0x3;
	_ =	swait.ge [sflag:s10], $0x10000  }
0x23: {  	v7 =	vand.u32 $0x60, v7;
	v22 =	vshll.u32 v19, $0x7;
	v55 =	vshll.u32 v23, $0x3;
	[sflag:s10] =	ssyncset.done $0x0  }
0x24: {  	s21 =	simm.s32 $0x10;
	v57 =	vand.u32 $0x63, v23;
	v26 =	vshll.u32 v58, $0x7;
	v59 =	vshll.u32 v25, $0x7;
	[sflag:s10] =	ssyncadd.s32 $0xFFFF0000  }
0x25: {  	s1 =	simm.s32 $0x15;
	v60 =	vshll.u32 v25, $0x3;
	v62 =	vand.u32 $0x64, v25;
	v63 =	vshll.u32 v58, $0x3;
	v2 =	vld [tilespmem:s21+$0x0]  }
0x26: {  	v28 =	vmov s1;
	v34 =	vshll.u32 v31, $0x7;
	v35 =	vshll.u32 v32, $0x7  }
0x27: {  	v45 =	vshll.u32 v32, $0x3;
	v32 =	vand.u32 $0x76, v32;
	v39 =	vshll.u32 v36, $0x7;
	v4 =	vld [tilespmem:s21+$0xFFFFFFF0]  }
0x28: {  	v48 =	vshll.u32 v47, $0x7;
	v40 =	vshll.u32 v47, $0x3;
	v49 =	vshll.u32 v36, $0x3  }
0x29: {  	v36 =	vand.u32 $0x77, v36;
	v50 =	vand.u32 $0x68, v47;
	v14 =	vand.u32 $0xC00, v9  }
0x2a: {  	s26 =	simm.s32 $0x12;
	v25 =	vand.u32 $0xC00, v63;
	v51 =	vand.u32 $0xC00, v40;
	v2 =	vshll.u32 v2, $0x4  }
0x2b: {  	v15 =	vor.u32 v14, v7;
	v14 =	vmov s26;
	v3 =	vand.u32 $0x70, v2  }
0x2c: {  	s23 =	simm.s32 $0xA;
	v40 =	vor.u32 v51, v50;
	v2 =	vshll.u32 v4, $0x4;
	v6 =	vbroadcast v3, $0x0  }
0x2d: {  	v50 =	vmov s23;
	s20 =	simm.s32 $0x18;
	v4 =	vshll.u32 v5, $0x7;
	v2 =	vand.u32 $0x70, v2  }
0x2e: {  	v41 =	vmov s20;
	v4 =	vor.u32 v4, v6;
	v6 =	vbroadcast v2, $0x0  }
0x2f: {  	v15 =	vor.u32 v1, v15;
	v43 =	vshll.u32 v41, $0x7;
	v13 =	vbroadcast v3, $0x1  }
0x30: {  	v11 =	vor.u32 v0, v4;
	v4 =	vor.u32 v8, v6;
	v8 =	vshll.u32 v5, $0x3  }
0x31: {  	v16 =	vbroadcast v3, $0x2;
	v5 =	vand.u32 $0x70, v5;
	v8 =	vand.u32 $0xC00, v8  }
0x32: {  	v4 =	vor.u32 v0, v4;
	v5 =	vor.u32 v8, v5;
	v8 =	vshll.u32 v12, $0x7  }
0x33: {  	s25 =	simm.s32 $0x1;
	v20 =	vbroadcast v3, $0x3;
	[tilespmem:$0x1FE10] =	vst v4;
	v4 =	vor.u32 v1, v5;
	v5 =	vor.u32 v8, v13  }
0x34: {  	v6 =	vbroadcast v2, $0x1;
	v8 =	vmov s25;
	v5 =	vor.u32 v0, v5  }
0x35: {  	v13 =	vbroadcast v2, $0x2;
	v7 =	vshll.u32 v8, $0x3;
	[tilespmem:$0x1FE20] =	vst v5;
	v5 =	vshll.u32 v8, $0x7  }
0x36: {  	v7 =	vand.u32 $0xC00, v7;
	v9 =	vor.u32 v5, v6;
	v6 =	vshll.u32 v12, $0x3  }
0x37: {  	s28 =	simm.s32 $0x2;
	v8 =	vand.u32 $0x61, v8;
	v12 =	vand.u32 $0x71, v12;
	v6 =	vand.u32 $0xC00, v6  }
0x38: {  	v17 =	vor.u32 v6, v12;
	v6 =	vshll.u32 v14, $0x7;
	v12 =	vmov s28  }
0x39: {  	v5 =	vor.u32 v7, v8;
	v10 =	vor.u32 v6, v16;
	v16 =	vshll.u32 v12, $0x7  }
0x3a: {  	[tilespmem:$0x1FE30] =	vst v5;
	v18 =	vshll.u32 v12, $0x3;
	v21 =	vand.u32 $0x62, v12;
	v5 =	vor.u32 v16, v13  }
0x3b: {  	s21 =	simm.s32 $0x9;
	v16 =	vand.u32 $0xC00, v18;
	v18 =	vbroadcast v2, $0x3;
	[tilespmem:$0x1FE40] =	vst v5;
	v5 =	vor.u32 v22, v20  }
0x3c: {  	v44 =	vmov s21;
	[tilespmem:$0x1FE50] =	vst v5;
	v5 =	vor.u32 v16, v21;
	v16 =	vshll.u32 v23, $0x7  }
0x3d: {  	v53 =	vshll.u32 v44, $0x7;
	[tilespmem:$0x1FE60] =	vst v5;
	v5 =	vor.u32 v16, v18;
	v18 =	vshll.u32 v19, $0x3  }
0x3e: {  	v54 =	vshll.u32 v44, $0x3;
	v19 =	vand.u32 $0x73, v19;
	v18 =	vand.u32 $0xC00, v18  }
0x3f: {  	v24 =	vbroadcast v3, $0x4;
	v20 =	vand.u32 $0xC00, v55;
	[tilespmem:$0x1FE70] =	vst v5;
	v5 =	vor.u32 v18, v19  }
0x40: {  	v44 =	vand.u32 $0x69, v44;
	v56 =	vbroadcast v2, $0x4;
	[tilespmem:$0x1FE80] =	vst v5;
	v5 =	vor.u32 v20, v57  }
0x41: {  	v29 =	vbroadcast v3, $0x5;
	v33 =	vbroadcast v3, $0x6;
	[tilespmem:$0x1FE90] =	vst v5;
	v5 =	vor.u32 v26, v24  }
0x42: {  	v61 =	vbroadcast v2, $0x5;
	v22 =	vand.u32 $0xC00, v60;
	[tilespmem:$0x1FEA0] =	vst v5;
	v5 =	vor.u32 v59, v56  }
0x43: {  	v30 =	vbroadcast v2, $0x6;
	v23 =	vand.u32 $0x74, v58;
	[tilespmem:$0x1FEB0] =	vst v5;
	v5 =	vor.u32 v22, v62  }
0x44: {  	v21 =	vshll.u32 v27, $0x7;
	v20 =	vshll.u32 v28, $0x7;
	[tilespmem:$0x1FED0] =	vst v5;
	v5 =	vor.u32 v25, v23  }
0x45: {  	v22 =	vshll.u32 v27, $0x3;
	v27 =	vand.u32 $0x65, v27;
	[tilespmem:$0x1FEC0] =	vst v5;
	v5 =	vor.u32 v20, v29  }
0x46: {  	v26 =	vand.u32 $0xC00, v22;
	v23 =	vshll.u32 v28, $0x3;
	[tilespmem:$0x1FEE0] =	vst v5;
	v5 =	vor.u32 v21, v61  }
0x47: {  	v28 =	vand.u32 $0x75, v28;
	[tilespmem:$0x1FEF0] =	vst v5;
	v5 =	vor.u32 v26, v27;
	v27 =	vand.u32 $0xC00, v23  }
0x48: {  	v37 =	vbroadcast v3, $0x7;
	v42 =	vbroadcast v3, $0x8;
	[tilespmem:$0x1FF10] =	vst v5;
	v5 =	vor.u32 v27, v28  }
0x49: {  	v24 =	vand.u32 $0x66, v31;
	v31 =	vshll.u32 v31, $0x3;
	[tilespmem:$0x1FF00] =	vst v5;
	v5 =	vor.u32 v34, v30  }
0x4a: {  	s17 =	simm.s32 $0x7;
	v31 =	vand.u32 $0xC00, v31;
	v25 =	vbroadcast v2, $0x7;
	[tilespmem:$0x1FF20] =	vst v5;
	v5 =	vor.u32 v35, v33  }
0x4b: {  	v26 =	vmov s17;
	[tilespmem:$0x1FF30] =	vst v5;
	v5 =	vor.u32 v31, v24;
	v31 =	vand.u32 $0xC00, v45  }
0x4c: {  	v47 =	vbroadcast v3, $0x9;
	v38 =	vshll.u32 v26, $0x7;
	[tilespmem:$0x1FF50] =	vst v5;
	v5 =	vor.u32 v31, v32  }
0x4d: {  	v27 =	vbroadcast v2, $0x8;
	v46 =	vshll.u32 v26, $0x3;
	[tilespmem:$0x1FF40] =	vst v5;
	v5 =	vor.u32 v38, v25  }
0x4e: {  	v34 =	vand.u32 $0x67, v26;
	[tilespmem:$0x1FF60] =	vst v5;
	v5 =	vor.u32 v39, v37;
	v37 =	vand.u32 $0xC00, v46  }
0x4f: {  	v52 =	vbroadcast v2, $0x9;
	v51 =	vbroadcast v2, $0xB;
	[tilespmem:$0x1FF70] =	vst v5;
	v5 =	vor.u32 v37, v34  }
0x50: {  	v17 =	vor.u32 v1, v17;
	v60 =	vshll.u32 v50, $0x3;
	[tilespmem:$0x1FF80] =	vst v5;
	v5 =	vor.u32 v48, v27  }
0x51: {  	s24 =	simm.s32 $0x1A;
	v55 =	vshll.u32 v41, $0x3;
	v58 =	vbroadcast v2, $0xA;
	v63 =	vand.u32 $0xC00, v60;
	[tilespmem:$0x1FF90] =	vst v5  }
0x52: {  	s25 =	simm.s32 $0xB;
	v57 =	vand.u32 $0xC00, v54;
	v54 =	vmov s24;
	v59 =	vshll.u32 v50, $0x7;
	v11 =	vld.idx.msk [tilespmem:v11+s9+$0x0], $0xffff  }
0x53: {  	s28 =	simm.s32 $0xC;
	v62 =	vand.u32 $0x6A, v50;
	v20 =	vmov s25;
	v21 =	vbroadcast v2, $0xC  }
0x54: {  	v22 =	vshll.u32 v20, $0x7;
	v23 =	vshll.u32 v20, $0x3;
	v28 =	vmov s28  }
0x55: {  	s22 =	simm.s32 $0x19;
	s29 =	simm.s32 $0x1C;
	s30 =	simm.s32 $0xD;
	v26 =	vand.u32 $0x7A, v54;
	v29 =	vshll.u32 v28, $0x7;
	v30 =	vshll.u32 v28, $0x3  }
0x56: {  	v33 =	vmov s29;
	v35 =	vmov s30;
	v45 =	vmov s22  }
0x57: {  	s26 =	simm.s32 $0x1B;
	v24 =	vshll.u32 v54, $0x3;
	v56 =	vshll.u32 v45, $0x7;
	v61 =	vshll.u32 v45, $0x3;
	[tilespmem:v4+s11+$0x0] =	vst.idx.msk $0xffff, v11  }
0x58: {  	v45 =	vand.u32 $0x79, v45;
	v31 =	vbroadcast v2, $0xD;
	v25 =	vmov s26;
	v4 =	vld [tilespmem:$0x1FE10]  }
0x59: {  	v46 =	vand.u32 $0x78, v41;
	v41 =	vor.u32 v53, v52;
	v52 =	vshll.u32 v54, $0x7  }
0x5a: {  	v53 =	vor.u32 v22, v51;
	v39 =	vand.u32 $0xC00, v24;
	v32 =	vshll.u32 v25, $0x3  }
0x5b: {  	v50 =	vand.u32 $0x7B, v25;
	v51 =	vand.u32 $0x6C, v28;
	v22 =	vshll.u32 v33, $0x3  }
0x5c: {  	v24 =	vbroadcast v3, $0xD;
	v37 =	vand.u32 $0xC00, v49;
	v49 =	vbroadcast v3, $0xA  }
0x5d: {  	v54 =	vor.u32 v39, v26;
	v39 =	vand.u32 $0xC00, v32;
	v34 =	vshll.u32 v33, $0x7  }
0x5e: {  	v38 =	vor.u32 v37, v36;
	v37 =	vor.u32 v43, v42;
	v43 =	vand.u32 $0xC00, v55  }
0x5f: {  	s1 =	simm.s32 $0xE;
	v48 =	vand.u32 $0xC00, v61;
	v55 =	vbroadcast v3, $0xB;
	v27 =	vshll.u32 v25, $0x7  }
0x60: {  	v60 =	vor.u32 v39, v50;
	v50 =	vand.u32 $0x6D, v35;
	v25 =	vmov s1;
	v11 =	vld.idx.msk [tilespmem:v4+s9+$0x0], $0xffff  }
0x61: {  	v42 =	vor.u32 v43, v46;
	v43 =	vor.u32 v56, v47;
	v46 =	vor.u32 v57, v44;
	v4 =	vld [tilespmem:$0x1FE20]  }
0x62: {  	v47 =	vor.u32 v59, v58;
	v48 =	vor.u32 v48, v45;
	v49 =	vor.u32 v52, v49  }
0x63: {  	v52 =	vor.u32 v63, v62;
	v45 =	vand.u32 $0xC00, v23;
	v44 =	vand.u32 $0x6B, v20  }
0x64: {  	s31 =	simm.s32 $0x1D;
	v57 =	vor.u32 v29, v21;
	v58 =	vbroadcast v3, $0xC;
	v59 =	vshll.u32 v35, $0x3  }
0x65: {  	v21 =	vbroadcast v2, $0xE;
	v23 =	vmov s31;
	v26 =	vshll.u32 v25, $0x7  }
0x66: {  	v2 =	vbroadcast v2, $0xF;
	v55 =	vor.u32 v27, v55;
	v56 =	vor.u32 v45, v44  }
0x67: {  	v44 =	vand.u32 $0xC00, v30;
	v20 =	vand.u32 $0xC00, v59;
	v45 =	vand.u32 $0x7C, v33  }
0x68: {  	v59 =	vshll.u32 v23, $0x7;
	v61 =	vor.u32 v34, v58;
	v58 =	vshll.u32 v35, $0x7  }
0x69: {  	v27 =	vshll.u32 v25, $0x3;
	v63 =	vor.u32 v58, v31;
	v31 =	vor.u32 v20, v50;
	v20 =	vld.idx.msk [tilespmem:v4+s9+$0x0], $0xffff  }
0x6a: {  	v62 =	vor.u32 v44, v51;
	v44 =	vand.u32 $0xC00, v22;
	v33 =	vor.u32 v59, v24  }
0x6b: {  	s15 =	simm.s32 $0xF;
	v30 =	vor.u32 v26, v21;
	v29 =	vand.u32 $0xC00, v27;
	v34 =	vshll.u32 v23, $0x3  }
0x6c: {  	s8 =	simm.s32 $0x1E;
	v35 =	vand.u32 $0x7D, v23;
	v59 =	vmov s15;
	v32 =	vor.u32 v44, v45  }
0x6d: {  	v44 =	vand.u32 $0x6E, v25;
	v39 =	vand.u32 $0xC00, v34;
	v50 =	vmov s8;
	[tilespmem:v15+s11+$0x0] =	vst.idx.msk $0xffff, v11  }
0x6e: {  	v58 =	vbroadcast v3, $0xE;
	v28 =	vshll.u32 v59, $0x3;
	v25 =	vor.u32 v39, v35;
	[tilespmem:v17+s11+$0x0] =	vst.idx.msk $0xffff, v20  }
0x6f: {  	s16 =	simm.s32 $0x30;
	v24 =	vor.u32 v29, v44;
	v26 =	vshll.u32 v50, $0x7;
	v29 =	vshll.u32 v59, $0x7;
	v45 =	vld [tilespmem:$0x1FEE0]  }
0x70: {  	v27 =	vld [tilespmem:s16+$0x0];
	v39 =	vand.u32 $0x6F, v59;
	v44 =	vand.u32 $0xC00, v28;
	v35 =	vshll.u32 v50, $0x3  }
0x71: {  	s17 =	simm.s32 $0x1F;
	v22 =	vor.u32 v29, v2;
	v2 =	vor.u32 v44, v39;
	v39 =	vand.u32 $0xC00, v35;
	v35 =	vld [tilespmem:$0x1FEA0]  }
0x72: {  	v59 =	vmov s17;
	v23 =	vor.u32 v26, v58;
	v58 =	vand.u32 $0x7E, v50;
	v51 =	vld [tilespmem:$0x1FF00]  }
0x73: {  	v29 =	vshll.u32 v59, $0x3;
	v19 =	vor.u32 v39, v58;
	v58 =	vld [tilespmem:$0x1FF10]  }
0x74: {  	v36 =	vand.u32 $0xC00, v29;
	v29 =	vor.u32 v0, v45;
	v45 =	vld [tilespmem:$0x1FF30]  }
0x75: {  	v13 =	vshll.u32 v14, $0x3;
	v34 =	vld [tilespmem:s16+$0xFFFFFFF0]  }
0x76: {  	v14 =	vand.u32 $0x72, v14;
	v13 =	vand.u32 $0xC00, v13;
	v3 =	vbroadcast v3, $0xF  }
0x77: {  	v12 =	vor.u32 v13, v14;
	v21 =	vshll.u32 v59, $0x7  }
0x78: {  	v14 =	vor.u32 v21, v3;
	v4 =	vshll.u32 v27, $0x4;
	v39 =	vld [tilespmem:$0x1FEC0];
	v21 =	vor.u32 v0, v35  }
0x79: {  	v35 =	vor.u32 v1, v51;
	v51 =	vor.u32 v1, v58;
	v58 =	vor.u32 v0, v45;
	v45 =	vld [tilespmem:$0x1FF50]  }
0x7a: {  	v3 =	vand.u32 $0x70, v4;
	v4 =	vshll.u32 v34, $0x4  }
0x7b: {  	s19 =	simm.s32 $0x20;
	v7 =	vand.u32 $0x70, v4  }
0x7c: {  	v5 =	vmov s19;
	v28 =	vbroadcast v7, $0x0;
	v17 =	vand.u32 $0x7F, v59  }
0x7d: {  	v15 =	vshll.u32 v5, $0x7;
	v17 =	vor.u32 v36, v17;
	v36 =	vld [tilespmem:$0x1FEB0]  }
0x7e: {  	v15 =	vor.u32 v15, v28;
	v28 =	vor.u32 v1, v39;
	v39 =	vor.u32 v1, v45;
	v45 =	vld [tilespmem:$0x1FF60];
	_ =	sdelay $0x1  }
0x7f: {  	s18 =	simm.s32 $0x30  }
0x80: {  	v4 =	vmov s18;
	v26 =	vbroadcast v3, $0x0  }
0x81: {  	v27 =	vshll.u32 v4, $0x7  }
0x82: {  	v13 =	vor.u32 v27, v26;
	v26 =	vor.u32 v0, v36;
	v36 =	vor.u32 v0, v45  }
0x83: {  	[tilespmem:$0x1FFA0] =	vst v36;
	v36 =	vld [tilespmem:$0x1FF80];
	_ =	sdelay $0x3  }
0x84: {  	v6 =	vor.u32 v0, v9;
	v9 =	vld [tilespmem:$0x1FE30]  }
0x85: {  	v8 =	vor.u32 v0, v10;
	v10 =	vld [tilespmem:$0x1FE40];
	v36 =	vor.u32 v1, v36  }
0x86: {  	[tilespmem:$0x1FFB0] =	vst v36;
	v36 =	vld [tilespmem:$0x1FF90]  }
0x87: {  	v16 =	vld [tilespmem:$0x1FE60]  }
0x88: {  	v18 =	vld [tilespmem:$0x1FE70]  }
0x89: {  	v40 =	vor.u32 v1, v40;
	v47 =	vor.u32 v0, v47;
	v13 =	vor.u32 v0, v13;
	v34 =	vld [tilespmem:$0x1FE90]  }
0x8a: {  	v44 =	vld [tilespmem:$0x1FED0];
	[tilespmem:$0x1FFD0] =	vst v40;
	v40 =	vor.u32 v1, v42;
	v42 =	vor.u32 v1, v48;
	v48 =	vor.u32 v1, v52  }
0x8b: {  	[tilespmem:$0x1FFF0] =	vst v47;
	v11 =	vor.u32 v0, v10;
	v10 =	vor.u32 v1, v12;
	v12 =	vld [tilespmem:$0x1FE50];
	v36 =	vor.u32 v0, v36  }
0x8c: {  	v50 =	vld [tilespmem:$0x1FEF0];
	v47 =	vor.u32 v1, v54;
	v52 =	vor.u32 v0, v55;
	[tilespmem:$0x1FFC0] =	vst v36;
	v36 =	vor.u32 v0, v41  }
0x8d: {  	v55 =	vor.u32 v1, v60;
	v54 =	vor.u32 v0, v61;
	v20 =	vor.u32 v0, v18;
	v18 =	vld [tilespmem:$0x1FE80];
	[tilespmem:$0x1FFE0] =	vst v36  }
0x8e: {  	v61 =	vor.u32 v1, v62;
	v60 =	vor.u32 v0, v63;
	v9 =	vor.u32 v1, v9;
	v6 =	vld.idx.msk [tilespmem:v6+s9+$0x0], $0xffff  }
0x8f: {  	v62 =	vor.u32 v1, v32;
	v32 =	vor.u32 v1, v31;
	v31 =	vor.u32 v0, v30;
	v36 =	vld.idx.msk [tilespmem:v8+s9+$0x0], $0xffff  }
0x90: {  	v15 =	vor.u32 v0, v15;
	v16 =	vor.u32 v1, v16;
	v12 =	vor.u32 v0, v12  }
0x91: {  	v27 =	vor.u32 v1, v34;
	v34 =	vor.u32 v1, v44;
	v59 =	vor.u32 v0, v50;
	v44 =	vld [tilespmem:$0x1FF20]  }
0x92: {  	s20 =	simm.s32 $0x31;
	v50 =	vld [tilespmem:$0x1FF40];
	v18 =	vor.u32 v1, v18;
	v41 =	vor.u32 v0, v43;
	v43 =	vor.u32 v0, v49  }
0x93: {  	v30 =	vmov s20;
	v45 =	vld [tilespmem:$0x1FF70];
	v49 =	vor.u32 v1, v56;
	v56 =	vor.u32 v0, v57;
	[tilespmem:v9+s11+$0x0] =	vst.idx.msk $0xffff, v6  }
0x94: {  	v57 =	vor.u32 v0, v33;
	v33 =	vshll.u32 v4, $0x3;
	v4 =	vand.u32 $0x70, v4;
	[tilespmem:v10+s11+$0x0] =	vst.idx.msk $0xffff, v36;
	v10 =	vld.idx.msk [tilespmem:v11+s9+$0x0], $0xffff  }
0x95: {  	v8 =	vor.u32 v1, v25;
	v25 =	vor.u32 v1, v24;
	v6 =	vand.u32 $0xC00, v33;
	v12 =	vld.idx.msk [tilespmem:v12+s9+$0x0], $0xffff  }
0x96: {  	v9 =	vbroadcast v3, $0x1;
	v36 =	vbroadcast v7, $0x1;
	v11 =	vshll.u32 v5, $0x3  }
0x97: {  	v6 =	vor.u32 v6, v4;
	v4 =	vshll.u32 v30, $0x7;
	v5 =	vand.u32 $0x60, v5  }
0x98: {  	s21 =	simm.s32 $0x21;
	v9 =	vor.u32 v4, v9;
	v4 =	vor.u32 v1, v17;
	v11 =	vand.u32 $0xC00, v11  }
0x99: {  	v13 =	vld.idx.msk [tilespmem:v13+s9+$0x0], $0xffff;
	v6 =	vor.u32 v1, v6;
	v5 =	vor.u32 v11, v5;
	v11 =	vmov s21;
	[tilespmem:v16+s11+$0x0] =	vst.idx.msk $0xffff, v10  }
0x9a: {  	v9 =	vor.u32 v0, v9;
	v17 =	vshll.u32 v11, $0x7;
	[tilespmem:v18+s11+$0x0] =	vst.idx.msk $0xffff, v12;
	v20 =	vld.idx.msk [tilespmem:v20+s9+$0x0], $0xffff  }
0x9b: {  	s22 =	simm.s32 $0x32;
	v24 =	vor.u32 v0, v23;
	v5 =	vor.u32 v1, v5;
	v10 =	vor.u32 v17, v36;
	v21 =	vld.idx.msk [tilespmem:v21+s9+$0x0], $0xffff  }
0x9c: {  	v16 =	vshll.u32 v30, $0x3;
	v17 =	vmov s22;
	v12 =	vand.u32 $0x71, v30  }
0x9d: {  	v18 =	vbroadcast v3, $0x2;
	v16 =	vand.u32 $0xC00, v16;
	v10 =	vor.u32 v0, v10  }
0x9e: {  	[tilespmem:v6+s11+$0x0] =	vst.idx.msk $0xffff, v13;
	v6 =	vld.idx.msk [tilespmem:v15+s9+$0x0], $0xffff;
	v12 =	vor.u32 v16, v12;
	v16 =	vshll.u32 v17, $0x7  }
0x9f: {  	s23 =	simm.s32 $0x22;
	v9 =	vld.idx.msk [tilespmem:v9+s9+$0x0], $0xffff;
	v16 =	vor.u32 v16, v18;
	v12 =	vor.u32 v1, v12;
	[tilespmem:v27+s11+$0x0] =	vst.idx.msk $0xffff, v20  }
0xa0: {  	v23 =	vmov s23;
	v18 =	vbroadcast v7, $0x2;
	v16 =	vor.u32 v0, v16;
	[tilespmem:v28+s11+$0x0] =	vst.idx.msk $0xffff, v21;
	v26 =	vld.idx.msk [tilespmem:v26+s9+$0x0], $0xffff  }
0xa1: {  	v63 =	vshll.u32 v11, $0x3;
	v11 =	vand.u32 $0x61, v11;
	v36 =	vshll.u32 v23, $0x7;
	v29 =	vld.idx.msk [tilespmem:v29+s9+$0x0], $0xffff  }
0xa2: {  	v33 =	vand.u32 $0xC00, v63;
	v18 =	vor.u32 v36, v18;
	v36 =	vshll.u32 v17, $0x3  }
0xa3: {  	v11 =	vor.u32 v33, v11;
	v17 =	vand.u32 $0x72, v17;
	v21 =	vand.u32 $0xC00, v36;
	[tilespmem:v5+s11+$0x0] =	vst.idx.msk $0xffff, v6  }
0xa4: {  	v11 =	vor.u32 v1, v11;
	v15 =	vor.u32 v21, v17;
	v10 =	vld.idx.msk [tilespmem:v10+s9+$0x0], $0xffff;
	[tilespmem:v12+s11+$0x0] =	vst.idx.msk $0xffff, v9  }
0xa5: {  	v15 =	vor.u32 v1, v15;
	v16 =	vld.idx.msk [tilespmem:v16+s9+$0x0], $0xffff;
	[tilespmem:v34+s11+$0x0] =	vst.idx.msk $0xffff, v26  }
0xa6: {  	v18 =	vor.u32 v0, v18;
	[tilespmem:v35+s11+$0x0] =	vst.idx.msk $0xffff, v29;
	v59 =	vld.idx.msk [tilespmem:v59+s9+$0x0], $0xffff  }
0xa7: {  	v44 =	vor.u32 v0, v44;
	v50 =	vor.u32 v1, v50;
	v9 =	vld.idx.msk [tilespmem:v58+s9+$0x0], $0xffff  }
0xa8: {  	v45 =	vor.u32 v0, v45;
	v63 =	vshll.u32 v23, $0x3  }
0xa9: {  	s24 =	simm.s32 $0x33;
	v33 =	vand.u32 $0xC00, v63;
	v13 =	vand.u32 $0x62, v23;
	[tilespmem:v11+s11+$0x0] =	vst.idx.msk $0xffff, v10  }
0xaa: {  	v63 =	vbroadcast v3, $0x3;
	v13 =	vor.u32 v33, v13;
	v28 =	vmov s24;
	[tilespmem:v15+s11+$0x0] =	vst.idx.msk $0xffff, v16  }
0xab: {  	v13 =	vor.u32 v1, v13;
	v17 =	vshll.u32 v28, $0x7;
	v18 =	vld.idx.msk [tilespmem:v18+s9+$0x0], $0xffff;
	[tilespmem:v51+s11+$0x0] =	vst.idx.msk $0xffff, v59  }
0xac: {  	v17 =	vor.u32 v17, v63;
	[tilespmem:v50+s11+$0x0] =	vst.idx.msk $0xffff, v9;
	v15 =	vld.idx.msk [tilespmem:v44+s9+$0x0], $0xffff  }
0xad: {  	v38 =	vor.u32 v1, v38;
	v17 =	vor.u32 v0, v17;
	v29 =	vld.idx.msk [tilespmem:v45+s9+$0x0], $0xffff;
	_ =	sdelay $0x1  }
0xae: {  	v6 =	vshll.u32 v28, $0x3  }
0xaf: {  	s25 =	simm.s32 $0x23;
	v12 =	vand.u32 $0x73, v28;
	v6 =	vand.u32 $0xC00, v6;
	[tilespmem:v13+s11+$0x0] =	vst.idx.msk $0xffff, v18  }
0xb0: {  	v30 =	vmov s25;
	v27 =	vbroadcast v7, $0x3;
	v6 =	vor.u32 v6, v12;
	[tilespmem:v39+s11+$0x0] =	vst.idx.msk $0xffff, v15  }
0xb1: {  	v33 =	vshll.u32 v30, $0x7;
	v6 =	vor.u32 v1, v6;
	v17 =	vld.idx.msk [tilespmem:v17+s9+$0x0], $0xffff;
	[tilespmem:v38+s11+$0x0] =	vst.idx.msk $0xffff, v29  }
0xb2: {  	v20 =	vor.u32 v33, v27;
	v13 =	vld [tilespmem:$0x1FFA0]  }
0xb3: {  	s26 =	simm.s32 $0x34;
	v37 =	vor.u32 v0, v37;
	v20 =	vor.u32 v0, v20  }
0xb4: {  	s29 =	simm.s32 $0x25;
	v5 =	vand.u32 $0x63, v30;
	v63 =	vmov s26;
	v33 =	vbroadcast v3, $0x4  }
0xb5: {  	v34 =	vshll.u32 v30, $0x3;
	v10 =	vmov s29;
	v51 =	vbroadcast v7, $0x5  }
0xb6: {  	v12 =	vshll.u32 v63, $0x7;
	v23 =	vand.u32 $0xC00, v34;
	v30 =	vshll.u32 v10, $0x7;
	[tilespmem:v6+s11+$0x0] =	vst.idx.msk $0xffff, v17  }
0xb7: {  	v12 =	vor.u32 v12, v33;
	v5 =	vor.u32 v23, v5;
	v33 =	vor.u32 v30, v51;
	v51 =	vld [tilespmem:$0x1FFB0]  }
0xb8: {  	v5 =	vor.u32 v1, v5;
	v20 =	vld.idx.msk [tilespmem:v20+s9+$0x0], $0xffff  }
0xb9: {  	v6 =	vld.idx.msk [tilespmem:v37+s9+$0x0], $0xffff  }
0xba: {  	v12 =	vor.u32 v0, v12;
	v13 =	vld.idx.msk [tilespmem:v13+s9+$0x0], $0xffff;
	_ =	sdelay $0x1  }
0xbb: {  	v11 =	vshll.u32 v63, $0x3  }
0xbc: {  	v11 =	vand.u32 $0xC00, v11;
	v16 =	vand.u32 $0x74, v63;
	[tilespmem:v5+s11+$0x0] =	vst.idx.msk $0xffff, v20  }
0xbd: {  	v11 =	vor.u32 v11, v16;
	[tilespmem:v40+s11+$0x0] =	vst.idx.msk $0xffff, v6  }
0xbe: {  	v11 =	vor.u32 v1, v11;
	v12 =	vld.idx.msk [tilespmem:v12+s9+$0x0], $0xffff;
	[tilespmem:v51+s11+$0x0] =	vst.idx.msk $0xffff, v13  }
0xbf: {  	v5 =	vld [tilespmem:$0x1FFC0];
	_ =	sdelay $0x3  }
0xc0: {  	[tilespmem:v11+s11+$0x0] =	vst.idx.msk $0xffff, v12  }
0xc1: {  	s28 =	simm.s32 $0x24;
	v53 =	vor.u32 v0, v53;
	v46 =	vor.u32 v1, v46;
	v38 =	vld [tilespmem:$0x1FFD0]  }
0xc2: {  	v22 =	vor.u32 v0, v22;
	v19 =	vor.u32 v1, v19;
	v34 =	vmov s28  }
0xc3: {  	s30 =	simm.s32 $0x35;
	v14 =	vor.u32 v0, v14;
	v36 =	vbroadcast v7, $0x4;
	v35 =	vshll.u32 v34, $0x7  }
0xc4: {  	v23 =	vand.u32 $0x64, v34;
	v63 =	vbroadcast v3, $0x5;
	v59 =	vmov s30;
	v5 =	vld.idx.msk [tilespmem:v5+s9+$0x0], $0xffff  }
0xc5: {  	v26 =	vor.u32 v35, v36;
	v36 =	vshll.u32 v34, $0x3;
	v16 =	vshll.u32 v59, $0x7  }
0xc6: {  	v34 =	vshll.u32 v10, $0x3;
	v9 =	vor.u32 v0, v26;
	v16 =	vor.u32 v16, v63  }
0xc7: {  	v35 =	vbroadcast v7, $0x6;
	v58 =	vand.u32 $0xC00, v36;
	v16 =	vor.u32 v0, v16  }
0xc8: {  	s31 =	simm.s32 $0x26;
	v10 =	vand.u32 $0x65, v10;
	v23 =	vor.u32 v58, v23;
	v15 =	vand.u32 $0xC00, v34  }
0xc9: {  	s8 =	simm.s32 $0x27;
	v36 =	vmov s31;
	v10 =	vor.u32 v15, v10;
	v15 =	vshll.u32 v59, $0x3;
	v11 =	vld.idx.msk [tilespmem:v41+s9+$0x0], $0xffff;
	[tilespmem:v38+s11+$0x0] =	vst.idx.msk $0xffff, v5  }
0xca: {  	v58 =	vmov s8;
	v18 =	vand.u32 $0x75, v59;
	v15 =	vand.u32 $0xC00, v15;
	v41 =	vld [tilespmem:$0x1FFE0]  }
0xcb: {  	v21 =	vor.u32 v1, v23;
	v26 =	vshll.u32 v36, $0x3;
	v15 =	vor.u32 v15, v18;
	v9 =	vld.idx.msk [tilespmem:v9+s9+$0x0], $0xffff  }
0xcc: {  	s15 =	simm.s32 $0x37;
	v50 =	vbroadcast v7, $0x7;
	v23 =	vor.u32 v0, v33;
	v15 =	vor.u32 v1, v15;
	v16 =	vld.idx.msk [tilespmem:v16+s9+$0x0], $0xffff  }
0xcd: {  	s1 =	simm.s32 $0x36;
	v44 =	vbroadcast v3, $0x6;
	v45 =	vand.u32 $0x66, v36;
	v63 =	vmov s15  }
0xce: {  	v27 =	vand.u32 $0x77, v63;
	v39 =	vmov s1;
	v34 =	vbroadcast v3, $0x7  }
0xcf: {  	v17 =	vshll.u32 v36, $0x7;
	v59 =	vbroadcast v7, $0x8;
	v36 =	vshll.u32 v58, $0x3;
	[tilespmem:v42+s11+$0x0] =	vst.idx.msk $0xffff, v11  }
0xd0: {  	v33 =	vand.u32 $0x76, v39;
	v10 =	vor.u32 v1, v10;
	v28 =	vand.u32 $0xC00, v36;
	[tilespmem:v21+s11+$0x0] =	vst.idx.msk $0xffff, v9;
	v9 =	vld.idx.msk [tilespmem:v43+s9+$0x0], $0xffff  }
0xd1: {  	v18 =	vshll.u32 v39, $0x7;
	v13 =	vand.u32 $0xC00, v26;
	v26 =	vand.u32 $0x67, v58;
	[tilespmem:v15+s11+$0x0] =	vst.idx.msk $0xffff, v16;
	v15 =	vld.idx.msk [tilespmem:v23+s9+$0x0], $0xffff  }
0xd2: {  	s16 =	simm.s32 $0x28;
	v6 =	vor.u32 v13, v45;
	v13 =	vshll.u32 v39, $0x3;
	v39 =	vor.u32 v28, v26;
	v28 =	vld.idx.msk [tilespmem:v41+s9+$0x0], $0xffff  }
0xd3: {  	v37 =	vmov s16;
	v17 =	vor.u32 v17, v35;
	v18 =	vor.u32 v18, v44  }
0xd4: {  	s19 =	simm.s32 $0x39;
	s17 =	simm.s32 $0x38;
	v35 =	vshll.u32 v63, $0x7;
	v17 =	vor.u32 v0, v17;
	v18 =	vor.u32 v0, v18  }
0xd5: {  	v20 =	vor.u32 v35, v34;
	v35 =	vmov s19;
	v44 =	vmov s17;
	[tilespmem:v47+s11+$0x0] =	vst.idx.msk $0xffff, v9  }
0xd6: {  	v40 =	vshll.u32 v37, $0x7;
	v51 =	vshll.u32 v44, $0x7;
	v12 =	vshll.u32 v58, $0x7;
	[tilespmem:v10+s11+$0x0] =	vst.idx.msk $0xffff, v15  }
0xd7: {  	v45 =	vor.u32 v40, v59;
	v58 =	vbroadcast v7, $0x9;
	v13 =	vand.u32 $0xC00, v13;
	[tilespmem:v46+s11+$0x0] =	vst.idx.msk $0xffff, v28  }
0xd8: {  	v59 =	vand.u32 $0x68, v37;
	v40 =	vand.u32 $0x79, v35;
	v13 =	vor.u32 v13, v33;
	v10 =	vld [tilespmem:$0x1FFF0]  }
0xd9: {  	v12 =	vor.u32 v12, v50;
	v6 =	vor.u32 v1, v6;
	v13 =	vor.u32 v1, v13;
	v18 =	vld.idx.msk [tilespmem:v18+s9+$0x0], $0xffff  }
0xda: {  	s20 =	simm.s32 $0x2A;
	v50 =	vbroadcast v3, $0x8;
	v12 =	vor.u32 v0, v12;
	v5 =	vor.u32 v0, v20  }
0xdb: {  	v20 =	vor.u32 v1, v39;
	v38 =	vmov s20;
	v39 =	vbroadcast v7, $0xB  }
0xdc: {  	s18 =	simm.s32 $0x29;
	v11 =	vshll.u32 v63, $0x3;
	v16 =	vshll.u32 v37, $0x3;
	v21 =	vor.u32 v0, v45  }
0xdd: {  	s22 =	simm.s32 $0x2B;
	v63 =	vmov s18;
	v37 =	vbroadcast v7, $0xA;
	v11 =	vand.u32 $0xC00, v11;
	v36 =	vld.idx.msk [tilespmem:v52+s9+$0x0], $0xffff  }
0xde: {  	v45 =	vmov s22;
	v23 =	vor.u32 v51, v50;
	v11 =	vor.u32 v11, v27;
	[tilespmem:v13+s11+$0x0] =	vst.idx.msk $0xffff, v18;
	v13 =	vld.idx.msk [tilespmem:v17+s9+$0x0], $0xffff  }
0xdf: {  	v16 =	vand.u32 $0xC00, v16;
	v34 =	vshll.u32 v63, $0x3;
	v11 =	vor.u32 v1, v11;
	v5 =	vld.idx.msk [tilespmem:v5+s9+$0x0], $0xffff  }
0xe0: {  	v50 =	vbroadcast v7, $0xC;
	v9 =	vor.u32 v16, v59;
	v16 =	vshll.u32 v63, $0x7;
	v10 =	vld.idx.msk [tilespmem:v10+s9+$0x0], $0xffff  }
0xe1: {  	v23 =	vor.u32 v0, v23;
	v15 =	vor.u32 v16, v58;
	v16 =	vshll.u32 v44, $0x3  }
0xe2: {  	v9 =	vor.u32 v1, v9;
	v52 =	vshll.u32 v45, $0x3;
	v16 =	vand.u32 $0xC00, v16;
	[tilespmem:v55+s11+$0x0] =	vst.idx.msk $0xffff, v36  }
0xe3: {  	v15 =	vor.u32 v0, v15;
	v17 =	vand.u32 $0x78, v44;
	v18 =	vbroadcast v3, $0x9;
	[tilespmem:v6+s11+$0x0] =	vst.idx.msk $0xffff, v13  }
0xe4: {  	v58 =	vbroadcast v7, $0xD;
	v16 =	vor.u32 v16, v17;
	v17 =	vshll.u32 v35, $0x7;
	v29 =	vld.idx.msk [tilespmem:v54+s9+$0x0], $0xffff;
	[tilespmem:v11+s11+$0x0] =	vst.idx.msk $0xffff, v5  }
0xe5: {  	v17 =	vor.u32 v17, v18;
	v18 =	vand.u32 $0xC00, v34;
	v5 =	vld.idx.msk [tilespmem:v12+s9+$0x0], $0xffff;
	[tilespmem:v48+s11+$0x0] =	vst.idx.msk $0xffff, v10;
	v10 =	vand.u32 $0x69, v63  }
0xe6: {  	v41 =	vbroadcast v3, $0xA;
	v16 =	vor.u32 v1, v16;
	v6 =	vor.u32 v18, v10;
	v18 =	vld.idx.msk [tilespmem:v23+s9+$0x0], $0xffff  }
0xe7: {  	v46 =	vshll.u32 v45, $0x7;
	v44 =	vand.u32 $0x6A, v38;
	v17 =	vor.u32 v0, v17  }
0xe8: {  	s21 =	simm.s32 $0x3A;
	v55 =	vbroadcast v3, $0xC;
	v13 =	vshll.u32 v38, $0x3;
	v11 =	vshll.u32 v35, $0x3  }
0xe9: {  	v12 =	vmov s21;
	v13 =	vand.u32 $0xC00, v13;
	[tilespmem:v62+s11+$0x0] =	vst.idx.msk $0xffff, v29;
	v62 =	vbroadcast v3, $0xD;
	v42 =	vld.idx.msk [tilespmem:v53+s9+$0x0], $0xffff  }
0xea: {  	v11 =	vand.u32 $0xC00, v11;
	v43 =	vshll.u32 v12, $0x7;
	v13 =	vor.u32 v13, v44;
	[tilespmem:v20+s11+$0x0] =	vst.idx.msk $0xffff, v5  }
0xeb: {  	v47 =	vshll.u32 v12, $0x3;
	v12 =	vand.u32 $0x7A, v12;
	v11 =	vor.u32 v11, v40;
	[tilespmem:v16+s11+$0x0] =	vst.idx.msk $0xffff, v18;
	v16 =	vld.idx.msk [tilespmem:v21+s9+$0x0], $0xffff  }
0xec: {  	v11 =	vor.u32 v1, v11;
	v20 =	vand.u32 $0xC00, v47;
	v23 =	vor.u32 v43, v41;
	v17 =	vld.idx.msk [tilespmem:v17+s9+$0x0], $0xffff  }
0xed: {  	s23 =	simm.s32 $0x3B;
	v13 =	vor.u32 v1, v13;
	v12 =	vor.u32 v20, v12;
	v5 =	vor.u32 v0, v23  }
0xee: {  	v48 =	vmov s23;
	v12 =	vor.u32 v1, v12;
	v10 =	vshll.u32 v38, $0x7;
	[tilespmem:v49+s11+$0x0] =	vst.idx.msk $0xffff, v42  }
0xef: {  	v51 =	vshll.u32 v48, $0x7;
	v53 =	vshll.u32 v48, $0x3;
	v10 =	vor.u32 v10, v37;
	v27 =	vld.idx.msk [tilespmem:v56+s9+$0x0], $0xffff  }
0xf0: {  	s25 =	simm.s32 $0x3C;
	v29 =	vld.idx.msk [tilespmem:v57+s9+$0x0], $0xffff;
	v6 =	vor.u32 v1, v6;
	v23 =	vand.u32 $0xC00, v52;
	v49 =	vbroadcast v3, $0xB;
	[tilespmem:v9+s11+$0x0] =	vst.idx.msk $0xffff, v16  }
0xf1: {  	v54 =	vmov s25;
	v10 =	vor.u32 v0, v10;
	v18 =	vor.u32 v46, v39;
	v15 =	vld.idx.msk [tilespmem:v15+s9+$0x0], $0xffff;
	[tilespmem:v11+s11+$0x0] =	vst.idx.msk $0xffff, v17  }
0xf2: {  	s24 =	simm.s32 $0x2C;
	v21 =	vand.u32 $0x7B, v48;
	v18 =	vor.u32 v0, v18;
	v20 =	vor.u32 v51, v49;
	v5 =	vld.idx.msk [tilespmem:v5+s9+$0x0], $0xffff  }
0xf3: {  	v20 =	vor.u32 v0, v20;
	v9 =	vand.u32 $0x6B, v45;
	v16 =	vmov s24  }
0xf4: {  	v9 =	vor.u32 v23, v9;
	v11 =	vshll.u32 v16, $0x7;
	v17 =	vshll.u32 v16, $0x3;
	[tilespmem:v61+s11+$0x0] =	vst.idx.msk $0xffff, v27  }
0xf5: {  	s28 =	simm.s32 $0x3D;
	[tilespmem:v8+s11+$0x0] =	vst.idx.msk $0xffff, v29;
	v23 =	vand.u32 $0xC00, v53;
	v16 =	vand.u32 $0x6C, v16;
	v11 =	vor.u32 v11, v50;
	v57 =	vld.idx.msk [tilespmem:v60+s9+$0x0], $0xffff  }
0xf6: {  	v61 =	vmov s28;
	v56 =	vor.u32 v1, v9;
	v8 =	vor.u32 v23, v21;
	[tilespmem:v6+s11+$0x0] =	vst.idx.msk $0xffff, v15;
	v6 =	vld.idx.msk [tilespmem:v24+s9+$0x0], $0xffff  }
0xf7: {  	s26 =	simm.s32 $0x2D;
	v9 =	vshll.u32 v54, $0x7;
	v60 =	vbroadcast v7, $0xE;
	v15 =	vand.u32 $0xC00, v17;
	v17 =	vld.idx.msk [tilespmem:v10+s9+$0x0], $0xffff;
	[tilespmem:v12+s11+$0x0] =	vst.idx.msk $0xffff, v5  }
0xf8: {  	v8 =	vor.u32 v1, v8;
	v5 =	vor.u32 v15, v16;
	v15 =	vmov s26;
	v16 =	vld.idx.msk [tilespmem:v20+s9+$0x0], $0xffff  }
0xf9: {  	v9 =	vor.u32 v9, v55;
	v12 =	vor.u32 v1, v5;
	v5 =	vshll.u32 v15, $0x7  }
0xfa: {  	v9 =	vor.u32 v0, v9;
	[tilespmem:v32+s11+$0x0] =	vst.idx.msk $0xffff, v57;
	v10 =	vshll.u32 v15, $0x3;
	v5 =	vor.u32 v5, v58  }
0xfb: {  	v59 =	vand.u32 $0xC00, v10;
	v10 =	vor.u32 v0, v5;
	v5 =	vshll.u32 v54, $0x3;
	[tilespmem:v19+s11+$0x0] =	vst.idx.msk $0xffff, v6;
	v6 =	vld.idx.msk [tilespmem:v31+s9+$0x0], $0xffff  }
0xfc: {  	v11 =	vor.u32 v0, v11;
	v19 =	vand.u32 $0x7C, v54;
	v5 =	vand.u32 $0xC00, v5;
	[tilespmem:v13+s11+$0x0] =	vst.idx.msk $0xffff, v17;
	v13 =	vld.idx.msk [tilespmem:v14+s9+$0x0], $0xffff  }
0xfd: {  	s29 =	simm.s32 $0x2E;
	v14 =	vand.u32 $0x6D, v15;
	v5 =	vor.u32 v5, v19;
	v15 =	vshll.u32 v61, $0x7;
	[tilespmem:v8+s11+$0x0] =	vst.idx.msk $0xffff, v16;
	v16 =	vld.idx.msk [tilespmem:v18+s9+$0x0], $0xffff  }
0xfe: {  	v8 =	vor.u32 v15, v62;
	v15 =	vmov s29;
	v5 =	vor.u32 v1, v5  }
0xff: {  	v17 =	vld.idx.msk [tilespmem:v9+s9+$0x0], $0xffff;
	v9 =	vor.u32 v59, v14;
	v14 =	vshll.u32 v15, $0x7;
	v18 =	vor.u32 v0, v8  }
0x100: {  	v63 =	vbroadcast v3, $0xE;
	v8 =	vor.u32 v1, v9;
	v9 =	vor.u32 v14, v60;
	[tilespmem:v25+s11+$0x0] =	vst.idx.msk $0xffff, v6  }
0x101: {  	v14 =	vshll.u32 v15, $0x3;
	v15 =	vand.u32 $0x6E, v15;
	v6 =	vor.u32 v0, v9;
	[tilespmem:v4+s11+$0x0] =	vst.idx.msk $0xffff, v13  }
0x102: {  	s30 =	simm.s32 $0x3E;
	v14 =	vand.u32 $0xC00, v14;
	v9 =	vbroadcast v7, $0xF;
	v13 =	vshll.u32 v61, $0x3;
	v4 =	vld.idx.msk [tilespmem:v22+s9+$0x0], $0xffff;
	[tilespmem:v56+s11+$0x0] =	vst.idx.msk $0xffff, v16  }
0x103: {  	v7 =	vmov s30;
	v16 =	vand.u32 $0x7D, v61;
	v19 =	vand.u32 $0xC00, v13;
	v13 =	vld.idx.msk [tilespmem:v11+s9+$0x0], $0xffff  }
0x104: {  	s31 =	simm.s32 $0x2F;
	v15 =	vor.u32 v14, v15;
	[tilespmem:v5+s11+$0x0] =	vst.idx.msk $0xffff, v17;
	v16 =	vor.u32 v19, v16;
	v17 =	vshll.u32 v7, $0x7  }
0x105: {  	s15 =	simm.s32 $0x3F;
	s16 =	simm.s32 $0x2;
	s17 =	simm.s32 $0x50;
	v5 =	vmov s31;
	v11 =	vld.idx.msk [tilespmem:v18+s9+$0x0], $0xffff;
	v14 =	vor.u32 v1, v16;
	v16 =	vor.u32 v17, v63  }
.LBB2_4:
0x106: {  	v17 =	vld [tilespmem:s17+$0x0];
	s16 =	sadd.s32 $0x2, s16;
	v15 =	vor.u32 v1, v15;
	v18 =	vshll.u32 v5, $0x7;
	v16 =	vor.u32 v0, v16  }
0x107: {  	v19 =	vld [tilespmem:s17+$0xFFFFFFF0];
	p0 =	slt.u32 s16, $0x1E;
	v9 =	vor.u32 v18, v9;
	v18 =	vand.u32 $0x6F, v5;
	v5 =	vshll.u32 v5, $0x3  }
0x108: {  	[tilespmem:v12+s11+$0x0] =	vst.idx.msk $0xffff, v13;
	v9 =	vor.u32 v0, v9;
	v5 =	vand.u32 $0xC00, v5;
	v12 =	vor.u32 v1, v2  }
0x109: {  	v13 =	vmov s15;
	v10 =	vld.idx.msk [tilespmem:v10+s9+$0x0], $0xffff;
	v2 =	vor.u32 v5, v18;
	v5 =	vshll.u32 v7, $0x3  }
0x10a: {  	v7 =	vand.u32 $0x7E, v7;
	[tilespmem:v14+s11+$0x0] =	vst.idx.msk $0xffff, v11;
	v5 =	vand.u32 $0xC00, v5;
	v11 =	vbroadcast v3, $0xF  }
0x10b: {  	s15 =	sadd.s32 $0x20, s15;
	v3 =	vshll.u32 v17, $0x4;
	v14 =	vld.idx.msk [tilespmem:v16+s9+$0x0], $0xffff;
	v5 =	vor.u32 v5, v7;
	v7 =	vshll.u32 v13, $0x7  }
0x10c: {  	s18 =	sadd.s32 $0xFFFFFFE1, s15;
	s1 =	sadd.s32 $0xFFFFFFE2, s15;
	s19 =	sadd.s32 $0xFFFFFFF1, s15;
	v3 =	vand.u32 $0x70, v3;
	v16 =	vor.u32 v1, v5;
	v5 =	vor.u32 v7, v11  }
0x10d: {  	s0 =	sadd.s32 $0xFFFFFFE3, s15;
	s31 =	sadd.s32 $0xFFFFFFE4, s15;
	s30 =	sadd.s32 $0xFFFFFFE5, s15;
	v7 =	vmov s19;
	v11 =	vbroadcast v3, $0x0;
	v17 =	vor.u32 v0, v5;
	[tilespmem:v12+s11+$0x0] =	vst.idx.msk $0xffff, v4  }
0x10e: {  	s29 =	sadd.s32 $0xFFFFFFE6, s15;
	s28 =	sadd.s32 $0xFFFFFFE7, s15;
	s26 =	sadd.s32 $0xFFFFFFE8, s15;
	v4 =	vshll.u32 v19, $0x4;
	v12 =	vmov s18;
	v18 =	vshll.u32 v7, $0x7  }
0x10f: {  	s25 =	sadd.s32 $0xFFFFFFE9, s15;
	s24 =	sadd.s32 $0xFFFFFFEA, s15;
	s23 =	sadd.s32 $0xFFFFFFEB, s15;
	v5 =	vand.u32 $0x70, v4;
	v4 =	vshll.u32 v12, $0x7;
	v11 =	vor.u32 v18, v11;
	[tilespmem:v8+s11+$0x0] =	vst.idx.msk $0xffff, v10  }
0x110: {  	s22 =	sadd.s32 $0xFFFFFFEC, s15;
	s21 =	sadd.s32 $0xFFFFFFED, s15;
	s20 =	sadd.s32 $0xFFFFFFEE, s15;
	v8 =	vbroadcast v5, $0x0;
	v10 =	vor.u32 v0, v11;
	v6 =	vld.idx.msk [tilespmem:v6+s9+$0x0], $0xffff;
	v11 =	vshll.u32 v13, $0x3  }
0x111: {  	s19 =	sadd.s32 $0xFFFFFFEF, s15;
	s18 =	sadd.s32 $0xFFFFFFF0, s15;
	v18 =	vshll.u32 v12, $0x3;
	v13 =	vand.u32 $0x7F, v13;
	[tilespmem:v16+s11+$0x0] =	vst.idx.msk $0xffff, v14;
	v11 =	vand.u32 $0xC00, v11  }
0x112: {  	s8 =	sadd.s32 $0xFFFFFFF2, s15;
	v4 =	vor.u32 v4, v8;
	v8 =	vbroadcast v5, $0x1;
	v14 =	vld.idx.msk [tilespmem:v17+s9+$0x0], $0xffff;
	v11 =	vor.u32 v11, v13  }
0x113: {  	v16 =	vmov s8;
	v13 =	vshll.u32 v7, $0x3;
	v11 =	vor.u32 v1, v11  }
0x114: {  	v7 =	vand.u32 $0x70, v7;
	v17 =	vbroadcast v3, $0x1;
	v13 =	vand.u32 $0xC00, v13  }
0x115: {  	v19 =	vor.u32 v0, v4;
	v4 =	vor.u32 v13, v7;
	v7 =	vshll.u32 v16, $0x7;
	v10 =	vld.idx.msk [tilespmem:v10+s9+$0x0], $0xffff  }
0x116: {  	v13 =	vand.u32 $0xC00, v18;
	v18 =	vor.u32 v1, v4;
	v4 =	vor.u32 v7, v17;
	[tilespmem:v15+s11+$0x0] =	vst.idx.msk $0xffff, v6  }
0x117: {  	v7 =	vmov s1;
	v6 =	vand.u32 $0x60, v12;
	v12 =	vor.u32 v0, v4;
	v4 =	vld.idx.msk [tilespmem:v9+s9+$0x0], $0xffff  }
0x118: {  	v6 =	vor.u32 v13, v6;
	v9 =	vshll.u32 v7, $0x7;
	v13 =	vshll.u32 v7, $0x3;
	[tilespmem:v11+s11+$0x0] =	vst.idx.msk $0xffff, v14  }
0x119: {  	s1 =	sadd.s32 $0xFFFFFFF3, s15;
	v6 =	vor.u32 v1, v6;
	v8 =	vor.u32 v9, v8;
	v9 =	vbroadcast v5, $0x2  }
0x11a: {  	v15 =	vmov s1;
	v14 =	vshll.u32 v16, $0x3;
	v8 =	vor.u32 v0, v8;
	v11 =	vld.idx.msk [tilespmem:v19+s9+$0x0], $0xffff  }
0x11b: {  	v14 =	vand.u32 $0xC00, v14;
	[tilespmem:v18+s11+$0x0] =	vst.idx.msk $0xffff, v10;
	v10 =	vand.u32 $0x71, v16;
	v16 =	vbroadcast v3, $0x2  }
0x11c: {  	v13 =	vand.u32 $0xC00, v13;
	v12 =	vld.idx.msk [tilespmem:v12+s9+$0x0], $0xffff;
	v10 =	vor.u32 v14, v10;
	v14 =	vshll.u32 v15, $0x7  }
0x11d: {  	v7 =	vand.u32 $0x61, v7;
	v10 =	vor.u32 v1, v10;
	v14 =	vor.u32 v14, v16  }
0x11e: {  	v7 =	vor.u32 v13, v7;
	v13 =	vmov s0;
	v14 =	vor.u32 v0, v14  }
0x11f: {  	v7 =	vor.u32 v1, v7;
	v17 =	vshll.u32 v13, $0x3;
	v16 =	vshll.u32 v13, $0x7  }
0x120: {  	s0 =	sadd.s32 $0xFFFFFFF4, s15;
	[tilespmem:v6+s11+$0x0] =	vst.idx.msk $0xffff, v11;
	v6 =	vor.u32 v16, v9;
	v9 =	vand.u32 $0xC00, v17;
	v11 =	vbroadcast v5, $0x3  }
0x121: {  	v16 =	vshll.u32 v15, $0x3;
	v17 =	vmov s0;
	v8 =	vld.idx.msk [tilespmem:v8+s9+$0x0], $0xffff;
	v6 =	vor.u32 v0, v6  }
0x122: {  	[tilespmem:v10+s11+$0x0] =	vst.idx.msk $0xffff, v12;
	v10 =	vand.u32 $0x72, v15;
	v12 =	vand.u32 $0xC00, v16;
	v15 =	vbroadcast v3, $0x3  }
0x123: {  	v13 =	vand.u32 $0x62, v13;
	v14 =	vld.idx.msk [tilespmem:v14+s9+$0x0], $0xffff;
	v10 =	vor.u32 v12, v10;
	v12 =	vshll.u32 v17, $0x7  }
0x124: {  	v16 =	vmov s31;
	v10 =	vor.u32 v1, v10;
	v12 =	vor.u32 v12, v15  }
0x125: {  	v9 =	vor.u32 v9, v13;
	v13 =	vshll.u32 v16, $0x7;
	v12 =	vor.u32 v0, v12  }
0x126: {  	v9 =	vor.u32 v1, v9;
	v11 =	vor.u32 v13, v11;
	v13 =	vshll.u32 v16, $0x3  }
0x127: {  	s0 =	sadd.s32 $0xFFFFFFF5, s15;
	[tilespmem:v7+s11+$0x0] =	vst.idx.msk $0xffff, v8;
	v7 =	vor.u32 v0, v11;
	v8 =	vand.u32 $0xC00, v13;
	v11 =	vbroadcast v5, $0x4  }
0x128: {  	v15 =	vshll.u32 v17, $0x3;
	v13 =	vand.u32 $0x63, v16;
	v16 =	vmov s0;
	v6 =	vld.idx.msk [tilespmem:v6+s9+$0x0], $0xffff  }
0x129: {  	[tilespmem:v10+s11+$0x0] =	vst.idx.msk $0xffff, v14;
	v10 =	vand.u32 $0x73, v17;
	v14 =	vand.u32 $0xC00, v15;
	v15 =	vbroadcast v3, $0x4  }
0x12a: {  	v17 =	vmov s30;
	v12 =	vld.idx.msk [tilespmem:v12+s9+$0x0], $0xffff;
	v10 =	vor.u32 v14, v10;
	v14 =	vshll.u32 v16, $0x7  }
0x12b: {  	v8 =	vor.u32 v8, v13;
	v10 =	vor.u32 v1, v10;
	v13 =	vor.u32 v14, v15  }
0x12c: {  	v8 =	vor.u32 v1, v8;
	v14 =	vshll.u32 v17, $0x7;
	v13 =	vor.u32 v0, v13  }
0x12d: {  	v15 =	vbroadcast v5, $0x5;
	v11 =	vor.u32 v14, v11;
	v14 =	vshll.u32 v17, $0x3  }
0x12e: {  	s0 =	sadd.s32 $0xFFFFFFF6, s15;
	[tilespmem:v9+s11+$0x0] =	vst.idx.msk $0xffff, v6;
	v6 =	vor.u32 v0, v11;
	v9 =	vand.u32 $0x64, v17;
	v11 =	vand.u32 $0xC00, v14  }
0x12f: {  	v18 =	vmov s0;
	v14 =	vmov s29;
	v17 =	vshll.u32 v16, $0x3;
	v7 =	vld.idx.msk [tilespmem:v7+s9+$0x0], $0xffff  }
0x130: {  	[tilespmem:v10+s11+$0x0] =	vst.idx.msk $0xffff, v12;
	v10 =	vand.u32 $0x74, v16;
	v12 =	vand.u32 $0xC00, v17;
	v16 =	vbroadcast v3, $0x5  }
0x131: {  	v9 =	vor.u32 v11, v9;
	v11 =	vld.idx.msk [tilespmem:v13+s9+$0x0], $0xffff;
	v10 =	vor.u32 v12, v10;
	v12 =	vshll.u32 v18, $0x7  }
0x132: {  	v13 =	vshll.u32 v14, $0x7;
	v10 =	vor.u32 v1, v10;
	v12 =	vor.u32 v12, v16  }
0x133: {  	v9 =	vor.u32 v1, v9;
	v13 =	vor.u32 v13, v15;
	v12 =	vor.u32 v0, v12  }
0x134: {  	v15 =	vshll.u32 v14, $0x3;
	v16 =	vbroadcast v5, $0x6;
	v13 =	vor.u32 v0, v13  }
0x135: {  	s0 =	sadd.s32 $0xFFFFFFF7, s15;
	[tilespmem:v8+s11+$0x0] =	vst.idx.msk $0xffff, v7;
	v7 =	vand.u32 $0x65, v14;
	v8 =	vand.u32 $0xC00, v15;
	v14 =	vmov s28  }
0x136: {  	v15 =	vmov s0;
	v6 =	vld.idx.msk [tilespmem:v6+s9+$0x0], $0xffff;
	v7 =	vor.u32 v8, v7;
	v8 =	vshll.u32 v18, $0x3  }
0x137: {  	[tilespmem:v10+s11+$0x0] =	vst.idx.msk $0xffff, v11;
	v10 =	vand.u32 $0x75, v18;
	v8 =	vand.u32 $0xC00, v8;
	v11 =	vbroadcast v3, $0x6  }
0x138: {  	v17 =	vshll.u32 v14, $0x7;
	v12 =	vld.idx.msk [tilespmem:v12+s9+$0x0], $0xffff;
	v8 =	vor.u32 v8, v10;
	v10 =	vshll.u32 v15, $0x7  }
0x139: {  	v16 =	vor.u32 v17, v16;
	v8 =	vor.u32 v1, v8;
	v10 =	vor.u32 v10, v11  }
0x13a: {  	v7 =	vor.u32 v1, v7;
	v11 =	vor.u32 v0, v16;
	v10 =	vor.u32 v0, v10  }
0x13b: {  	v17 =	vbroadcast v5, $0x7;
	v16 =	vand.u32 $0x66, v14;
	v14 =	vshll.u32 v14, $0x3  }
0x13c: {  	s0 =	sadd.s32 $0xFFFFFFF8, s15;
	[tilespmem:v9+s11+$0x0] =	vst.idx.msk $0xffff, v6;
	v6 =	vand.u32 $0xC00, v14;
	v9 =	vmov s26;
	v14 =	vbroadcast v5, $0x8  }
0x13d: {  	v18 =	vmov s0;
	v13 =	vld.idx.msk [tilespmem:v13+s9+$0x0], $0xffff;
	v6 =	vor.u32 v6, v16;
	v16 =	vshll.u32 v15, $0x3  }
0x13e: {  	[tilespmem:v8+s11+$0x0] =	vst.idx.msk $0xffff, v12;
	v8 =	vand.u32 $0x76, v15;
	v12 =	vand.u32 $0xC00, v16;
	v15 =	vbroadcast v3, $0x7  }
0x13f: {  	v16 =	vshll.u32 v9, $0x7;
	v10 =	vld.idx.msk [tilespmem:v10+s9+$0x0], $0xffff;
	v8 =	vor.u32 v12, v8;
	v12 =	vshll.u32 v18, $0x7  }
0x140: {  	v16 =	vor.u32 v16, v17;
	v8 =	vor.u32 v1, v8;
	v12 =	vor.u32 v12, v15  }
0x141: {  	v6 =	vor.u32 v1, v6;
	v15 =	vor.u32 v0, v16;
	v12 =	vor.u32 v0, v12  }
0x142: {  	v17 =	vmov s25;
	v16 =	vand.u32 $0x67, v9;
	v9 =	vshll.u32 v9, $0x3  }
0x143: {  	s0 =	sadd.s32 $0xFFFFFFF9, s15;
	[tilespmem:v7+s11+$0x0] =	vst.idx.msk $0xffff, v13;
	v7 =	vand.u32 $0xC00, v9;
	v9 =	vshll.u32 v17, $0x7;
	v13 =	vshll.u32 v17, $0x3  }
0x144: {  	v19 =	vmov s0;
	v11 =	vld.idx.msk [tilespmem:v11+s9+$0x0], $0xffff;
	v7 =	vor.u32 v7, v16;
	v16 =	vshll.u32 v18, $0x3  }
0x145: {  	[tilespmem:v8+s11+$0x0] =	vst.idx.msk $0xffff, v10;
	v8 =	vand.u32 $0x77, v18;
	v10 =	vand.u32 $0xC00, v16;
	v16 =	vbroadcast v3, $0x8  }
0x146: {  	v9 =	vor.u32 v9, v14;
	v12 =	vld.idx.msk [tilespmem:v12+s9+$0x0], $0xffff;
	v8 =	vor.u32 v10, v8;
	v10 =	vshll.u32 v19, $0x7  }
0x147: {  	v7 =	vor.u32 v1, v7;
	v8 =	vor.u32 v1, v8;
	v10 =	vor.u32 v10, v16  }
0x148: {  	v14 =	vbroadcast v5, $0x9;
	v9 =	vor.u32 v0, v9;
	v10 =	vor.u32 v0, v10  }
0x149: {  	v13 =	vand.u32 $0xC00, v13;
	v16 =	vand.u32 $0x68, v17;
	v17 =	vmov s24  }
0x14a: {  	s0 =	sadd.s32 $0xFFFFFFFA, s15;
	[tilespmem:v6+s11+$0x0] =	vst.idx.msk $0xffff, v11;
	v6 =	vor.u32 v13, v16;
	v11 =	vshll.u32 v17, $0x7;
	v13 =	vshll.u32 v17, $0x3  }
0x14b: {  	v16 =	vmov s0;
	v15 =	vld.idx.msk [tilespmem:v15+s9+$0x0], $0xffff;
	v11 =	vor.u32 v11, v14;
	v14 =	vshll.u32 v19, $0x3  }
0x14c: {  	[tilespmem:v8+s11+$0x0] =	vst.idx.msk $0xffff, v12;
	v8 =	vand.u32 $0x78, v19;
	v12 =	vand.u32 $0xC00, v14;
	v14 =	vbroadcast v3, $0x9  }
0x14d: {  	v6 =	vor.u32 v1, v6;
	v10 =	vld.idx.msk [tilespmem:v10+s9+$0x0], $0xffff;
	v8 =	vor.u32 v12, v8;
	v12 =	vshll.u32 v16, $0x7  }
0x14e: {  	v11 =	vor.u32 v0, v11;
	v8 =	vor.u32 v1, v8;
	v12 =	vor.u32 v12, v14  }
0x14f: {  	v13 =	vand.u32 $0xC00, v13;
	v14 =	vbroadcast v5, $0xA;
	v12 =	vor.u32 v0, v12  }
0x150: {  	v18 =	vmov s23;
	v17 =	vand.u32 $0x69, v17;
	v19 =	vbroadcast v5, $0xB  }
0x151: {  	s0 =	sadd.s32 $0xFFFFFFFB, s15;
	[tilespmem:v7+s11+$0x0] =	vst.idx.msk $0xffff, v15;
	v7 =	vor.u32 v13, v17;
	v13 =	vshll.u32 v18, $0x7;
	v15 =	vshll.u32 v18, $0x3  }
0x152: {  	v17 =	vmov s0;
	v9 =	vld.idx.msk [tilespmem:v9+s9+$0x0], $0xffff;
	v13 =	vor.u32 v13, v14;
	v14 =	vshll.u32 v16, $0x3  }
0x153: {  	[tilespmem:v8+s11+$0x0] =	vst.idx.msk $0xffff, v10;
	v8 =	vand.u32 $0x79, v16;
	v10 =	vand.u32 $0xC00, v14;
	v14 =	vbroadcast v3, $0xA  }
0x154: {  	v7 =	vor.u32 v1, v7;
	v12 =	vld.idx.msk [tilespmem:v12+s9+$0x0], $0xffff;
	v8 =	vor.u32 v10, v8;
	v10 =	vshll.u32 v17, $0x7  }
0x155: {  	v13 =	vor.u32 v0, v13;
	v8 =	vor.u32 v1, v8;
	v10 =	vor.u32 v10, v14  }
0x156: {  	v15 =	vand.u32 $0xC00, v15;
	v14 =	vand.u32 $0x6A, v18;
	v10 =	vor.u32 v0, v10  }
0x157: {  	v16 =	vbroadcast v5, $0xC;
	v14 =	vor.u32 v15, v14;
	v15 =	vmov s22  }
0x158: {  	s0 =	sadd.s32 $0xFFFFFFFC, s15;
	[tilespmem:v6+s11+$0x0] =	vst.idx.msk $0xffff, v9;
	v6 =	vor.u32 v1, v14;
	v9 =	vshll.u32 v15, $0x7;
	v14 =	vshll.u32 v15, $0x3  }
0x159: {  	v18 =	vshll.u32 v17, $0x3;
	v11 =	vld.idx.msk [tilespmem:v11+s9+$0x0], $0xffff;
	v9 =	vor.u32 v9, v19;
	v19 =	vmov s0  }
0x15a: {  	[tilespmem:v8+s11+$0x0] =	vst.idx.msk $0xffff, v12;
	v8 =	vand.u32 $0x7A, v17;
	v12 =	vand.u32 $0xC00, v18;
	v17 =	vbroadcast v3, $0xB  }
0x15b: {  	v9 =	vor.u32 v0, v9;
	v10 =	vld.idx.msk [tilespmem:v10+s9+$0x0], $0xffff;
	v8 =	vor.u32 v12, v8;
	v12 =	vshll.u32 v19, $0x7  }
0x15c: {  	v14 =	vand.u32 $0xC00, v14;
	v8 =	vor.u32 v1, v8;
	v12 =	vor.u32 v12, v17  }
0x15d: {  	v15 =	vand.u32 $0x6B, v15;
	v17 =	vmov s21;
	v12 =	vor.u32 v0, v12  }
0x15e: {  	v14 =	vor.u32 v14, v15;
	v15 =	vshll.u32 v17, $0x7;
	v18 =	vshll.u32 v17, $0x3  }
0x15f: {  	s0 =	sadd.s32 $0xFFFFFFFD, s15;
	[tilespmem:v7+s11+$0x0] =	vst.idx.msk $0xffff, v11;
	v7 =	vor.u32 v1, v14;
	v11 =	vor.u32 v15, v16;
	v14 =	vbroadcast v5, $0xD  }
0x160: {  	v15 =	vshll.u32 v19, $0x3;
	v16 =	vmov s0;
	v13 =	vld.idx.msk [tilespmem:v13+s9+$0x0], $0xffff;
	v11 =	vor.u32 v0, v11  }
0x161: {  	[tilespmem:v8+s11+$0x0] =	vst.idx.msk $0xffff, v10;
	v8 =	vand.u32 $0x7B, v19;
	v10 =	vand.u32 $0xC00, v15;
	v15 =	vbroadcast v3, $0xC  }
0x162: {  	v18 =	vand.u32 $0xC00, v18;
	v19 =	vld.idx.msk [tilespmem:v12+s9+$0x0], $0xffff;
	v8 =	vor.u32 v10, v8;
	v10 =	vshll.u32 v16, $0x7  }
0x163: {  	v12 =	vand.u32 $0x6C, v17;
	v8 =	vor.u32 v1, v8;
	v10 =	vor.u32 v10, v15  }
0x164: {  	v12 =	vor.u32 v18, v12;
	v15 =	vmov s20;
	v17 =	vor.u32 v0, v10  }
0x165: {  	v12 =	vor.u32 v1, v12;
	v10 =	vshll.u32 v15, $0x7;
	v18 =	vshll.u32 v15, $0x3  }
0x166: {  	s0 =	sadd.s32 $0xFFFFFFFE, s15;
	[tilespmem:v6+s11+$0x0] =	vst.idx.msk $0xffff, v13;
	v6 =	vor.u32 v10, v14;
	v13 =	vand.u32 $0xC00, v18;
	v14 =	vbroadcast v5, $0xE  }
0x167: {  	v18 =	vmov s0;
	v9 =	vld.idx.msk [tilespmem:v9+s9+$0x0], $0xffff;
	v10 =	vor.u32 v0, v6;
	v6 =	vshll.u32 v16, $0x3  }
0x168: {  	[tilespmem:v8+s11+$0x0] =	vst.idx.msk $0xffff, v19;
	v8 =	vand.u32 $0x7C, v16;
	v6 =	vand.u32 $0xC00, v6;
	v16 =	vbroadcast v3, $0xD  }
0x169: {  	v15 =	vand.u32 $0x6D, v15;
	v17 =	vld.idx.msk [tilespmem:v17+s9+$0x0], $0xffff;
	v6 =	vor.u32 v6, v8;
	v8 =	vshll.u32 v18, $0x7  }
0x16a: {  	v19 =	vmov s19;
	v20 =	vor.u32 v1, v6;
	v6 =	vor.u32 v8, v16  }
0x16b: {  	v8 =	vor.u32 v13, v15;
	v13 =	vshll.u32 v19, $0x7;
	v15 =	vor.u32 v0, v6  }
0x16c: {  	v8 =	vor.u32 v1, v8;
	v6 =	vor.u32 v13, v14;
	v13 =	vshll.u32 v19, $0x3  }
.Ltmp1:
0x16d: {  	s0 =	sadd.s32 $0xFFFFFFFF, s15;
	v6 =	vor.u32 v0, v6;
	v14 =	vand.u32 $0xC00, v13;
	[tilespmem:v7+s11+$0x0] =	vst.idx.msk $0xffff, v9;
	v9 =	vbroadcast v5, $0xF;
	(pc) =	sbr.rel @p0 .LBB2_4-.Ltmp1, $4  }
0x16e: {  	v16 =	vand.u32 $0x6E, v19;
	v5 =	vshll.u32 v18, $0x3;
	v7 =	vmov s0;
	v13 =	vld.idx.msk [tilespmem:v11+s9+$0x0], $0xffff  }
0x16f: {  	v19 =	vbroadcast v3, $0xE;
	[tilespmem:v20+s11+$0x0] =	vst.idx.msk $0xffff, v17;
	v17 =	vand.u32 $0x7D, v18;
	v18 =	vand.u32 $0xC00, v5  }
0x170: {  	v5 =	vmov s18;
	v11 =	vld.idx.msk [tilespmem:v15+s9+$0x0], $0xffff;
	v17 =	vor.u32 v18, v17;
	v18 =	vshll.u32 v7, $0x7  }
0x171: {  	s17 =	sadd.s32 $0x20, s17;
	v15 =	vor.u32 v14, v16;
	v14 =	vor.u32 v1, v17;
	v16 =	vor.u32 v18, v19  }
0x172: {  	_ =	sdelay $0x3  }
0x173: {  	[tilespmem:v12+s11+$0x0] =	vst.idx.msk $0xffff, v13  }
0x174: {  	v53 =	vor.u32 v0, v16;
	v10 =	vld.idx.msk [tilespmem:v10+s9+$0x0], $0xffff;
	_ =	sdelay $0x1  }
0x175: {  	v54 =	vshll.u32 v7, $0x3;
	v55 =	vmov s15  }
0x176: {  	v56 =	vand.u32 $0x7E, v7;
	v3 =	vbroadcast v3, $0xF;
	v13 =	vand.u32 $0xC00, v54  }
0x177: {  	v17 =	vshll.u32 v5, $0x7;
	v57 =	vshll.u32 v55, $0x7;
	v7 =	vor.u32 v13, v56;
	[tilespmem:v14+s11+$0x0] =	vst.idx.msk $0xffff, v11  }
0x178: {  	v3 =	vor.u32 v57, v3;
	v7 =	vor.u32 v1, v7;
	v12 =	vld.idx.msk [tilespmem:v53+s9+$0x0], $0xffff;
	[tilespmem:v8+s11+$0x0] =	vst.idx.msk $0xffff, v10  }
0x179: {  	v58 =	vor.u32 v1, v15;
	v9 =	vor.u32 v17, v9;
	v3 =	vor.u32 v0, v3;
	v6 =	vld.idx.msk [tilespmem:v6+s9+$0x0], $0xffff  }
0x17a: {  	v9 =	vor.u32 v0, v9  }
0x17b: {  	v59 =	vand.u32 $0x6F, v5;
	v60 =	vshll.u32 v55, $0x3  }
0x17c: {  	v61 =	vshll.u32 v5, $0x3;
	v62 =	vand.u32 $0x7F, v55;
	v11 =	vand.u32 $0xC00, v60  }
0x17d: {  	v2 =	vor.u32 v1, v2;
	v5 =	vand.u32 $0xC00, v61;
	v63 =	vor.u32 v11, v62;
	[tilespmem:v7+s11+$0x0] =	vst.idx.msk $0xffff, v12  }
0x17e: {  	v5 =	vor.u32 v5, v59;
	v7 =	vor.u32 v1, v63;
	v3 =	vld.idx.msk [tilespmem:v3+s9+$0x0], $0xffff;
	[tilespmem:v58+s11+$0x0] =	vst.idx.msk $0xffff, v6  }
0x17f: {  	v5 =	vor.u32 v1, v5;
	v6 =	vld.idx.msk [tilespmem:v9+s9+$0x0], $0xffff;
	_ =	sdelay $0x2  }
0x180: {  	s14 =	sadd.s32 $0x1, s14;
	[tilespmem:v2+s11+$0x0] =	vst.idx.msk $0xffff, v4  }
0x181: {  	p0 =	sne.s32 s14, s6;
	[tilespmem:v7+s11+$0x0] =	vst.idx.msk $0xffff, v3  }
.Ltmp2:
0x182: {  	[tilespmem:v5+s11+$0x0] =	vst.idx.msk $0xffff, v6;
	(pc) =	sbr.rel @p0 .LBB2_1-.Ltmp2, $4  }
0x183: {  	[hbm4b:s5+s12] =	stream.strided.scatter [tilespmem:s11], [sflag:$0x2], $0x2000, s13, s12, $0x38;
	[tilespmem:$0x12400] =	vst v63  }
0x184: {  	_ =	swait.ge [sflag:s7], $0x2000  }
0x185: {  	[sflag:s7] =	ssyncset.done $0x0  }
0x186: {  	[sflag:s7] =	ssyncadd.s32 $0xFFFFE000  }
0x187: {  	_ =	sfence.sel $0x180000  }
0x188: {  	[bflag:$0x0] =	sbarrier.arrive $0xFFFF  }
0x189: {  	_ =	strace $0x9000004A  }
0x18a: {  	s0 =	stileid.u32;
	[bflag:$0x2] =	sbarrier.arrive $0xFFFF  }
0x18b: {  	p0 =	sne.s32 s0, $0x0;
	s0 =	rddreg [dreg:$0x3]  }
0x18c: {  	s0 =	sadd.s32 @!p0 $0x100000, s0  }
0x18d: {  	[sflag:s0] =	ssyncadd.tile.s32 @!p0 $0x1;
	_ =	shalt  }
.Lfunc_end2:
_tile_overlayer_lowered:
.L_overlay_start_2:
0x18e: {  	(tag) =	ssettag $0x2  }
0x18f: {  	s0 =	rddreg [dreg:$0x0];
	s2 =	stileid.u32  }
0x190: {  	s1 =	rddreg [dreg:$0x1];
	p0 =	sne.s32 s2, $0x0  }
0x191: {  	s3 =	rddreg [dreg:$0x2];
	[bflag:$0x3] =	sbarrier.arrive $0xFFFF;
	s2 =	simm.s32 @!p0 $0x1C02  }
0x192: {  	[timem:s3], [sflag:s2] =	dma.local @!p0 [hbm:s0], s1  }
0x193: {  	s0 =	simm.s32 @!p0 $0x2  }
0x194: {  	_ =	swait.ge @!p0 [sflag:s0], s1  }
0x195: {  	s1 =	ssub.s32 @!p0 $0x0, s1;
	[sflag:s0] =	ssyncset.done @!p0 $0x0  }
0x196: {  	[sflag:s0] =	ssyncadd.s32 @!p0 s1  }
0x197: {  	[bflag:$0x3] =	sbarrier.arrive $0xFFFF  }
0x198: {  	_ =	shalt  }

</sc_bundles>
